<compile_context>
chip_gen: v7x
topology: tpu7x:2x2x1
jax: 0.10.2.dev20260603
libtpu: 0.0.44.dev20260713+nightly
codegen_flags: <defaults>
</compile_context>

<pallas_src>
import functools

import jax
import jax.numpy as jnp
from jax import lax
from jax.experimental import pallas as pl
from jax.experimental.pallas import tpu as pltpu
from jax.experimental.pallas import tpu_sc as plsc

N = 10000
E = 320000
D_IN = 128
D_HID = 256
D_OUT = 128

NC = 2
NT = 16
K = 128
EP = 327680
EC = EP // K
NH = N // NC
TRASH = 64
NACC = NH + TRASH + 8
NPADDEG = 10240
BN = 1000
BE = EC // (N // BN)

_f32 = jnp.float32


def _mesh():
    return plsc.VectorSubcoreMesh(core_axis_name="c", subcore_axis_name="s")


def _tile_rows(s, total, fn):
    rt8 = (total // (8 * NT)) * 8
    last = total - (NT - 1) * rt8

    @pl.when(s < NT - 1)
    def _():
        fn(s * rt8, rt8)

    @pl.when(s == NT - 1)
    def _():
        fn((NT - 1) * rt8, last)


@functools.partial(
    pl.kernel,
    out_type=[
        jax.ShapeDtypeStruct((NPADDEG,), _f32),
        jax.ShapeDtypeStruct((NPADDEG,), _f32),
    ],
    mesh=_mesh(),
    scratch_types=[
        pltpu.VMEM((EC // (NC * NT), K), jnp.int32),
        pltpu.VMEM((K,), _f32),
        pltpu.VMEM((NPADDEG // NT,), _f32),
        pltpu.VMEM_SHARED((NPADDEG,), _f32),
    ],
)
def _sc_deg(dst2d, dega, degb, dst_v, ones_v, zbuf, acc):
    c = lax.axis_index("c")
    s = lax.axis_index("s")
    nch = EC // (NC * NT)
    zchunk = NPADDEG // NT
    base = c * (EC // NC) + s * nch
    pltpu.sync_copy(dst2d.at[pl.ds(base, nch)], dst_v)
    for i in range(zchunk // 16):
        zbuf[pl.ds(16 * i, 16)] = jnp.zeros((16,), _f32)
    for i in range(K // 16):
        ones_v[pl.ds(16 * i, 16)] = jnp.ones((16,), _f32)
    pltpu.sync_copy(zbuf, acc.at[pl.ds(s * zchunk, zchunk)])
    plsc.subcore_barrier()

    def body(j, carry):
        pltpu.sync_copy(ones_v, acc.at[dst_v.at[j]], add=True)
        return carry

    lax.fori_loop(0, nch, body, 0)
    plsc.subcore_barrier()

    @pl.when(c == 0)
    def _():
        pltpu.sync_copy(acc.at[pl.ds(s * zchunk, zchunk)],
                        dega.at[pl.ds(s * zchunk, zchunk)])

    @pl.when(c == 1)
    def _():
        pltpu.sync_copy(acc.at[pl.ds(s * zchunk, zchunk)],
                        degb.at[pl.ds(s * zchunk, zchunk)])


def _agg_half(c, s, nch, hs, dum, out, src_v, dst_v, bufs, gsems, acc):
    def seed(off, size):
        pltpu.sync_copy(hs.at[pl.ds(c * NH + off, size)],
                        acc.at[pl.ds(off, size)])

    _tile_rows(s, NH, seed)
    plsc.subcore_barrier()

    def gather(j, q):
        pltpu.async_copy(hs.at[src_v.at[j]], bufs[q], gsems[q])

    def wait_gather(q):
        pltpu.make_async_copy(dum, bufs[q], gsems[q]).wait()

    gather(0, 0)
    gather(1, 1)

    def body(i, carry):
        b = 3 * i
        for q in range(3):
            p = b + q
            q2 = (q + 2) % 3

            @pl.when(p + 2 < nch)
            def _():
                gather(p + 2, q2)

            @pl.when(p < nch)
            def _():
                wait_gather(q)
                pltpu.sync_copy(bufs[q], acc.at[dst_v.at[p]], add=True)
        return carry

    lax.fori_loop(0, (nch + 2) // 3, body, 0)
    plsc.subcore_barrier()

    def writeout(off, size):
        pltpu.sync_copy(acc.at[pl.ds(off, size)],
                        out.at[pl.ds(c * NH + off, size)])

    _tile_rows(s, NH, writeout)


def _stage_indices(c, s, nch, src2d, dst0_2d, dst1_2d, src_v, dst_v):
    pltpu.sync_copy(src2d.at[pl.ds(s * nch, nch)], src_v)

    @pl.when(c == 0)
    def _():
        pltpu.sync_copy(dst0_2d.at[pl.ds(s * nch, nch)], dst_v)

    @pl.when(c == 1)
    def _():
        pltpu.sync_copy(dst1_2d.at[pl.ds(s * nch, nch)], dst_v)


_AGG_SCRATCH = [
    pltpu.VMEM((EC // NT, K), jnp.int32),
    pltpu.VMEM((EC // NT, K), jnp.int32),
    pltpu.VMEM((K, 128), _f32),
    pltpu.VMEM((K, 128), _f32),
    pltpu.VMEM((K, 128), _f32),
    pltpu.VMEM_SHARED((NACC, 128), _f32),
    pltpu.SemaphoreType.DMA,
    pltpu.SemaphoreType.DMA,
    pltpu.SemaphoreType.DMA,
]


@functools.partial(
    pl.kernel,
    out_type=[jax.ShapeDtypeStruct((N, 128), _f32)] * 2,
    mesh=_mesh(),
    scratch_types=_AGG_SCRATCH,
)
def _sc_agg_dual(src2d, dst0_2d, dst1_2d, hs_a, hs_b, dum, out_a, out_b,
                 src_v, dst_v, b0, b1, b2, acc, g0, g1, g2):
    c = lax.axis_index("c")
    s = lax.axis_index("s")
    nch = EC // NT
    _stage_indices(c, s, nch, src2d, dst0_2d, dst1_2d, src_v, dst_v)
    _agg_half(c, s, nch, hs_a, dum, out_a, src_v, dst_v, (b0, b1, b2),
              (g0, g1, g2), acc)
    plsc.subcore_barrier()
    _agg_half(c, s, nch, hs_b, dum, out_b, src_v, dst_v, (b0, b1, b2),
              (g0, g1, g2), acc)


@functools.partial(
    pl.kernel,
    out_type=jax.ShapeDtypeStruct((N, 128), _f32),
    mesh=_mesh(),
    scratch_types=_AGG_SCRATCH,
)
def _sc_agg(src2d, dst0_2d, dst1_2d, hs, dum, out,
            src_v, dst_v, b0, b1, b2, acc, g0, g1, g2):
    c = lax.axis_index("c")
    s = lax.axis_index("s")
    nch = EC // NT
    _stage_indices(c, s, nch, src2d, dst0_2d, dst1_2d, src_v, dst_v)
    _agg_half(c, s, nch, hs, dum, out, src_v, dst_v, (b0, b1, b2),
              (g0, g1, g2), acc)


def _dst_transform(d, core):
    t = d - core * NH
    invalid = (t < 0) | (t >= NH)
    trash = NH + jnp.bitwise_and(d, TRASH - 1)
    return jnp.where(invalid, trash, t)


def _tc1_body(x_ref, w1_ref, dpa_ref, dpb_ref, dst_ref,
              hsa_ref, hsb_ref, dinv_ref, dst0_ref, dst1_ref):
    dinv = lax.rsqrt(dpa_ref[...] + dpb_ref[...] + 1.0)
    h = jnp.dot(x_ref[...], w1_ref[...], preferred_element_type=_f32)
    hs = h * dinv
    hsa_ref[...] = hs[:, : D_HID // 2]
    hsb_ref[...] = hs[:, D_HID // 2:]
    dinv_ref[...] = dinv
    d = dst_ref[...]
    dst0_ref[...] = _dst_transform(d, 0)
    dst1_ref[...] = _dst_transform(d, 1)


def _tc1(x, W1, dpa, dpb, dst2d):
    grid = (N // BN,)
    return pl.pallas_call(
        _tc1_body,
        grid=grid,
        in_specs=[
            pl.BlockSpec((BN, D_IN), lambda i: (i, 0)),
            pl.BlockSpec((D_IN, D_HID), lambda i: (0, 0)),
            pl.BlockSpec((BN, 1), lambda i: (i, 0)),
            pl.BlockSpec((BN, 1), lambda i: (i, 0)),
            pl.BlockSpec((BE, K), lambda i: (i, 0)),
        ],
        out_specs=[
            pl.BlockSpec((BN, D_HID // 2), lambda i: (i, 0)),
            pl.BlockSpec((BN, D_HID // 2), lambda i: (i, 0)),
            pl.BlockSpec((BN, 1), lambda i: (i, 0)),
            pl.BlockSpec((BE, K), lambda i: (i, 0)),
            pl.BlockSpec((BE, K), lambda i: (i, 0)),
        ],
        out_shape=[
            jax.ShapeDtypeStruct((N, D_HID // 2), _f32),
            jax.ShapeDtypeStruct((N, D_HID // 2), _f32),
            jax.ShapeDtypeStruct((N, 1), _f32),
            jax.ShapeDtypeStruct((EC, K), jnp.int32),
            jax.ShapeDtypeStruct((EC, K), jnp.int32),
        ],
    )(x, W1, dpa, dpb, dst2d)


def _tc2_body(agga_ref, aggb_ref, dinv_ref, b1a_ref, b1b_ref,
              w2a_ref, w2b_ref, hs2_ref):
    dinv = dinv_ref[...]
    ta = jax.nn.relu(agga_ref[...] * dinv + b1a_ref[...])
    tb = jax.nn.relu(aggb_ref[...] * dinv + b1b_ref[...])
    h2 = (jnp.dot(ta, w2a_ref[...], preferred_element_type=_f32)
          + jnp.dot(tb, w2b_ref[...], preferred_element_type=_f32))
    hs2_ref[...] = h2 * dinv


def _tc2(agg_a, agg_b, dinv, b1a, b1b, W2a, W2b):
    grid = (N // BN,)
    half = D_HID // 2
    return pl.pallas_call(
        _tc2_body,
        grid=grid,
        in_specs=[
            pl.BlockSpec((BN, half), lambda i: (i, 0)),
            pl.BlockSpec((BN, half), lambda i: (i, 0)),
            pl.BlockSpec((BN, 1), lambda i: (i, 0)),
            pl.BlockSpec((1, half), lambda i: (0, 0)),
            pl.BlockSpec((1, half), lambda i: (0, 0)),
            pl.BlockSpec((half, D_OUT), lambda i: (0, 0)),
            pl.BlockSpec((half, D_OUT), lambda i: (0, 0)),
        ],
        out_specs=pl.BlockSpec((BN, D_OUT), lambda i: (i, 0)),
        out_shape=jax.ShapeDtypeStruct((N, D_OUT), _f32),
    )(agg_a, agg_b, dinv, b1a, b1b, W2a, W2b)


def _tc3_body(p_ref, dinv_ref, b2_ref, out_ref):
    out_ref[...] = p_ref[...] * dinv_ref[...] + b2_ref[...]


def _tc3(p, dinv, b2r):
    grid = (N // BN,)
    return pl.pallas_call(
        _tc3_body,
        grid=grid,
        in_specs=[
            pl.BlockSpec((BN, D_OUT), lambda i: (i, 0)),
            pl.BlockSpec((BN, 1), lambda i: (i, 0)),
            pl.BlockSpec((1, D_OUT), lambda i: (0, 0)),
        ],
        out_specs=pl.BlockSpec((BN, D_OUT), lambda i: (i, 0)),
        out_shape=jax.ShapeDtypeStruct((N, D_OUT), _f32),
    )(p, dinv, b2r)


def kernel(x, adj_t, W1, b1, W2, b2):
    assert x.shape == (N, D_IN) and adj_t.shape == (2, E)
    assert W1.shape == (D_IN, D_HID) and W2.shape == (D_HID, D_OUT)

    pad = EP - E
    src2d = jnp.concatenate(
        [adj_t[0], jnp.zeros((pad,), jnp.int32)]).reshape(EC, K)
    dst_p = jnp.concatenate(
        [adj_t[1], jnp.full((pad,), N, jnp.int32)]).reshape(EC, K)
    dum = jnp.zeros((K, 128), _f32)

    dega, degb = _sc_deg(dst_p)
    dpa = dega[:N].reshape(N, 1)
    dpb = degb[:N].reshape(N, 1)

    hs_a, hs_b, dinv, dst0, dst1 = _tc1(x, W1, dpa, dpb, dst_p)
    agg_a, agg_b = _sc_agg_dual(src2d, dst0, dst1, hs_a, hs_b, dum)

    b1a = b1[: D_HID // 2].reshape(1, -1)
    b1b = b1[D_HID // 2:].reshape(1, -1)
    hs2 = _tc2(agg_a, agg_b, dinv, b1a, b1b, W2[: D_HID // 2], W2[D_HID // 2:])

    p = _sc_agg(src2d, dst0, dst1, hs2, dum)
    return _tc3(p, dinv, b2.reshape(1, -1))

# --- scband reference (transcript-rebuilt; emitter-appended) ---
"""Pipeline reference for scband-gcn-85676007621049 (READ-ONLY COPY).

The authoritative reference and input builder live on the scoring server;
editing this copy changes nothing except your own understanding.
"""

import jax, jax.numpy as jnp
import numpy as np

N_NODES = 10000
N_EDGES = 320000
D_IN = 128
D_HID = 256
D_OUT = 128


def _gcn_conv(x, W, b, src, dst, norm):
    # GCNConv: symmetric-normalized aggregation of linearly transformed features
    h = x @ W
    msg = h[src] * norm[:, None]
    out = jnp.zeros((x.shape[0], W.shape[1]), dtype=x.dtype).at[dst].add(msg)
    return out + b


def setup_inputs(seed: int = 0) -> dict:
    key = jax.random.key(seed)
    k1, k2, k3, k4, k5, k6 = jax.random.split(key, 6)
    x = jax.random.normal(k1, (N_NODES, D_IN), dtype=jnp.float32)
    adj_t = jax.random.randint(k2, (2, N_EDGES), 0, N_NODES, dtype=jnp.int32)
    W1 = jax.random.normal(k3, (D_IN, D_HID), dtype=jnp.float32) * 0.05
    b1 = jnp.zeros((D_HID,), dtype=jnp.float32)
    W2 = jax.random.normal(k4, (D_HID, D_OUT), dtype=jnp.float32) * 0.05
    b2 = jnp.zeros((D_OUT,), dtype=jnp.float32)
    return {"x": x, "adj_t": adj_t, "W1": W1, "b1": b1, "W2": W2, "b2": b2}


def reference(x, adj_t, W1, b1, W2, b2):
    N = x.shape[0]
    # add self-loops (GCNConv default add_self_loops=True)
    sl = jnp.arange(N, dtype=adj_t.dtype)
    src = jnp.concatenate([adj_t[0], sl])
    dst = jnp.concatenate([adj_t[1], sl])
    # symmetric normalization: deg^{-1/2}[src] * deg^{-1/2}[dst]
    deg = jnp.zeros((N,), dtype=x.dtype).at[dst].add(1.0)
    dinv = jnp.where(deg > 0, 1.0 / jnp.sqrt(deg), 0.0)
    norm = dinv[src] * dinv[dst]
    # layer 1 + relu (dropout is identity in eval mode)
    h = _gcn_conv(x, W1, b1, src, dst, norm)
    h = jax.nn.relu(h)
    # layer 2 (no activation on the last conv)
    out = _gcn_conv(h, W2, b2, src, dst, norm)
    return out

if __name__ == "__main__":
    import jax
    _d = setup_inputs()
    print(jax.jit(kernel)(*tuple(_d.values())))

</pallas_src>

<mosaic_0001>
#map = affine_map<(d0, d1) -> (0, 0)>
#map1 = affine_map<(d0, d1) -> (0)>
module attributes {stable_mosaic.version = 14 : i64} {
  func.func @_sc_deg(%arg0: i32, %arg1: i32, %arg2: memref<2560x128xi32, #tpu.memory_space<hbm>>, %arg3: memref<10240xf32, #tpu.memory_space<hbm>>, %arg4: memref<10240xf32, #tpu.memory_space<hbm>>, %arg5: memref<80x128xi32, #tpu.memory_space<vmem>>, %arg6: memref<128xf32, #tpu.memory_space<vmem>>, %arg7: memref<640xf32, #tpu.memory_space<vmem>>, %arg8: memref<10240xf32, #tpu.memory_space<vmem_shared>>) attributes {dimension_semantics = [#tpu.dimension_semantics<core_parallel>, #tpu.dimension_semantics<subcore_parallel>], iteration_bounds = array<i64: 2, 16>, scalar_prefetch = 0 : i64, scratch_operands = 4 : i64, tpu.core_type = #tpu.core_type<sc_vector_subcore>, window_params = [{transform_indices = #map}, {transform_indices = #map1}, {transform_indices = #map1}]} {
    %mul3A = arith.constant 1280 : i32
    %mul3A_0 = arith.muli %arg0, %mul3A : i32
    %mul3A_1 = arith.constant 80 : i32
    %mul3A_2 = arith.muli %arg1, %mul3A_1 : i32
    %add3A = arith.addi %mul3A_0, %mul3A_2 : i32
    "tpu.region"() ({
      %run_scoped3A = tpu.sem_alloc : memref<!tpu.dma_semaphore, #tpu.memory_space<semaphore_mem>>
      %dma_start3A = arith.constant 0 : i32
      %dma_start3A_304 = tpu.memref_slice %arg2[%add3A, %dma_start3A] : memref<2560x128xi32, #tpu.memory_space<hbm>> -> memref<80x128xi32, #tpu.memory_space<hbm>>
      %dma_start3A_305 = arith.constant 0 : i32
      %dma_start3A_306 = tpu.memref_slice %arg2[%add3A, %dma_start3A_305] : memref<2560x128xi32, #tpu.memory_space<hbm>> -> memref<80x128xi32, #tpu.memory_space<hbm>>
      tpu.enqueue_dma source(%dma_start3A_306 : memref<80x128xi32, #tpu.memory_space<hbm>>) target(%arg5 : memref<80x128xi32, #tpu.memory_space<vmem>>) target_semaphore(%run_scoped3A : memref<!tpu.dma_semaphore, #tpu.memory_space<semaphore_mem>>)
      %dma_wait3A = arith.constant 0 : i32
      %dma_wait3A_307 = tpu.memref_slice %arg2[%add3A, %dma_wait3A] : memref<2560x128xi32, #tpu.memory_space<hbm>> -> memref<80x128xi32, #tpu.memory_space<hbm>>
      %dma_wait3A_308 = arith.constant 0 : i32
      %dma_wait3A_309 = tpu.memref_slice %arg2[%add3A, %dma_wait3A_308] : memref<2560x128xi32, #tpu.memory_space<hbm>> -> memref<80x128xi32, #tpu.memory_space<hbm>>
      tpu.wait_dma2 semaphore(%run_scoped3A : memref<!tpu.dma_semaphore, #tpu.memory_space<semaphore_mem>>) src(%dma_wait3A_309 : memref<80x128xi32, #tpu.memory_space<hbm>>) dst(%arg5 : memref<80x128xi32, #tpu.memory_space<vmem>>)
      tpu.yield
    }) : () -> ()
    %broadcast_in_dim3A = arith.constant 0.000000e+00 : f32
    %broadcast_in_dim3A_3 = vector.broadcast %broadcast_in_dim3A : f32 to vector<16xf32>
    %swap3A = arith.constant 0 : index
    %swap3A_4 = tpu.vector_load %arg7[%swap3A] {strides = array<i32>} : memref<640xf32, #tpu.memory_space<vmem>>, vector<16xf32>,
    %swap3A_5 = vector.shape_cast %swap3A_4 : vector<16xf32> to vector<16xf32>
    %swap3A_6 = vector.shape_cast %broadcast_in_dim3A_3 : vector<16xf32> to vector<16xf32>
    tpu.vector_store %arg7[%swap3A], %swap3A_6 {strides = array<i32>} : memref<640xf32, #tpu.memory_space<vmem>>, vector<16xf32>,
    %broadcast_in_dim3A_7 = arith.constant 0.000000e+00 : f32
    %broadcast_in_dim3A_8 = vector.broadcast %broadcast_in_dim3A_7 : f32 to vector<16xf32>
    %swap3A_9 = arith.constant 16 : index
    %swap3A_10 = tpu.vector_load %arg7[%swap3A_9] {strides = array<i32>} : memref<640xf32, #tpu.memory_space<vmem>>, vector<16xf32>,
    %swap3A_11 = vector.shape_cast %swap3A_10 : vector<16xf32> to vector<16xf32>
    %swap3A_12 = vector.shape_cast %broadcast_in_dim3A_8 : vector<16xf32> to vector<16xf32>
    tpu.vector_store %arg7[%swap3A_9], %swap3A_12 {strides = array<i32>} : memref<640xf32, #tpu.memory_space<vmem>>, vector<16xf32>,
    %broadcast_in_dim3A_13 = arith.constant 0.000000e+00 : f32
    %broadcast_in_dim3A_14 = vector.broadcast %broadcast_in_dim3A_13 : f32 to vector<16xf32>
    %swap3A_15 = arith.constant 32 : index
    %swap3A_16 = tpu.vector_load %arg7[%swap3A_15] {strides = array<i32>} : memref<640xf32, #tpu.memory_space<vmem>>, vector<16xf32>,
    %swap3A_17 = vector.shape_cast %swap3A_16 : vector<16xf32> to vector<16xf32>
    %swap3A_18 = vector.shape_cast %broadcast_in_dim3A_14 : vector<16xf32> to vector<16xf32>
    tpu.vector_store %arg7[%swap3A_15], %swap3A_18 {strides = array<i32>} : memref<640xf32, #tpu.memory_space<vmem>>, vector<16xf32>,
    %broadcast_in_dim3A_19 = arith.constant 0.000000e+00 : f32
    %broadcast_in_dim3A_20 = vector.broadcast %broadcast_in_dim3A_19 : f32 to vector<16xf32>
    %swap3A_21 = arith.constant 48 : index
    %swap3A_22 = tpu.vector_load %arg7[%swap3A_21] {strides = array<i32>} : memref<640xf32, #tpu.memory_space<vmem>>, vector<16xf32>,
    %swap3A_23 = vector.shape_cast %swap3A_22 : vector<16xf32> to vector<16xf32>
    %swap3A_24 = vector.shape_cast %broadcast_in_dim3A_20 : vector<16xf32> to vector<16xf32>
    tpu.vector_store %arg7[%swap3A_21], %swap3A_24 {strides = array<i32>} : memref<640xf32, #tpu.memory_space<vmem>>, vector<16xf32>,
    %broadcast_in_dim3A_25 = arith.constant 0.000000e+00 : f32
    %broadcast_in_dim3A_26 = vector.broadcast %broadcast_in_dim3A_25 : f32 to vector<16xf32>
    %swap3A_27 = arith.constant 64 : index
    %swap3A_28 = tpu.vector_load %arg7[%swap3A_27] {strides = array<i32>} : memref<640xf32, #tpu.memory_space<vmem>>, vector<16xf32>,
    %swap3A_29 = vector.shape_cast %swap3A_28 : vector<16xf32> to vector<16xf32>
    %swap3A_30 = vector.shape_cast %broadcast_in_dim3A_26 : vector<16xf32> to vector<16xf32>
    tpu.vector_store %arg7[%swap3A_27], %swap3A_30 {strides = array<i32>} : memref<640xf32, #tpu.memory_space<vmem>>, vector<16xf32>,
    %broadcast_in_dim3A_31 = arith.constant 0.000000e+00 : f32
    %broadcast_in_dim3A_32 = vector.broadcast %broadcast_in_dim3A_31 : f32 to vector<16xf32>
    %swap3A_33 = arith.constant 80 : index
    %swap3A_34 = tpu.vector_load %arg7[%swap3A_33] {strides = array<i32>} : memref<640xf32, #tpu.memory_space<vmem>>, vector<16xf32>,
    %swap3A_35 = vector.shape_cast %swap3A_34 : vector<16xf32> to vector<16xf32>
    %swap3A_36 = vector.shape_cast %broadcast_in_dim3A_32 : vector<16xf32> to vector<16xf32>
    tpu.vector_store %arg7[%swap3A_33], %swap3A_36 {strides = array<i32>} : memref<640xf32, #tpu.memory_space<vmem>>, vector<16xf32>,
    %broadcast_in_dim3A_37 = arith.constant 0.000000e+00 : f32
    %broadcast_in_dim3A_38 = vector.broadcast %broadcast_in_dim3A_37 : f32 to vector<16xf32>
    %swap3A_39 = arith.constant 96 : index
    %swap3A_40 = tpu.vector_load %arg7[%swap3A_39] {strides = array<i32>} : memref<640xf32, #tpu.memory_space<vmem>>, vector<16xf32>,
    %swap3A_41 = vector.shape_cast %swap3A_40 : vector<16xf32> to vector<16xf32>
    %swap3A_42 = vector.shape_cast %broadcast_in_dim3A_38 : vector<16xf32> to vector<16xf32>
    tpu.vector_store %arg7[%swap3A_39], %swap3A_42 {strides = array<i32>} : memref<640xf32, #tpu.memory_space<vmem>>, vector<16xf32>,
    %broadcast_in_dim3A_43 = arith.constant 0.000000e+00 : f32
    %broadcast_in_dim3A_44 = vector.broadcast %broadcast_in_dim3A_43 : f32 to vector<16xf32>
    %swap3A_45 = arith.constant 112 : index
    %swap3A_46 = tpu.vector_load %arg7[%swap3A_45] {strides = array<i32>} : memref<640xf32, #tpu.memory_space<vmem>>, vector<16xf32>,
    %swap3A_47 = vector.shape_cast %swap3A_46 : vector<16xf32> to vector<16xf32>
    %swap3A_48 = vector.shape_cast %broadcast_in_dim3A_44 : vector<16xf32> to vector<16xf32>
    tpu.vector_store %arg7[%swap3A_45], %swap3A_48 {strides = array<i32>} : memref<640xf32, #tpu.memory_space<vmem>>, vector<16xf32>,
    %broadcast_in_dim3A_49 = arith.constant 0.000000e+00 : f32
    %broadcast_in_dim3A_50 = vector.broadcast %broadcast_in_dim3A_49 : f32 to vector<16xf32>
    %swap3A_51 = arith.constant 128 : index
    %swap3A_52 = tpu.vector_load %arg7[%swap3A_51] {strides = array<i32>} : memref<640xf32, #tpu.memory_space<vmem>>, vector<16xf32>,
    %swap3A_53 = vector.shape_cast %swap3A_52 : vector<16xf32> to vector<16xf32>
    %swap3A_54 = vector.shape_cast %broadcast_in_dim3A_50 : vector<16xf32> to vector<16xf32>
    tpu.vector_store %arg7[%swap3A_51], %swap3A_54 {strides = array<i32>} : memref<640xf32, #tpu.memory_space<vmem>>, vector<16xf32>,
    %broadcast_in_dim3A_55 = arith.constant 0.000000e+00 : f32
    %broadcast_in_dim3A_56 = vector.broadcast %broadcast_in_dim3A_55 : f32 to vector<16xf32>
    %swap3A_57 = arith.constant 144 : index
    %swap3A_58 = tpu.vector_load %arg7[%swap3A_57] {strides = array<i32>} : memref<640xf32, #tpu.memory_space<vmem>>, vector<16xf32>,
    %swap3A_59 = vector.shape_cast %swap3A_58 : vector<16xf32> to vector<16xf32>
    %swap3A_60 = vector.shape_cast %broadcast_in_dim3A_56 : vector<16xf32> to vector<16xf32>
    tpu.vector_store %arg7[%swap3A_57], %swap3A_60 {strides = array<i32>} : memref<640xf32, #tpu.memory_space<vmem>>, vector<16xf32>,
    %broadcast_in_dim3A_61 = arith.constant 0.000000e+00 : f32
    %broadcast_in_dim3A_62 = vector.broadcast %broadcast_in_dim3A_61 : f32 to vector<16xf32>
    %swap3A_63 = arith.constant 160 : index
    %swap3A_64 = tpu.vector_load %arg7[%swap3A_63] {strides = array<i32>} : memref<640xf32, #tpu.memory_space<vmem>>, vector<16xf32>,
    %swap3A_65 = vector.shape_cast %swap3A_64 : vector<16xf32> to vector<16xf32>
    %swap3A_66 = vector.shape_cast %broadcast_in_dim3A_62 : vector<16xf32> to vector<16xf32>
    tpu.vector_store %arg7[%swap3A_63], %swap3A_66 {strides = array<i32>} : memref<640xf32, #tpu.memory_space<vmem>>, vector<16xf32>,
    %broadcast_in_dim3A_67 = arith.constant 0.000000e+00 : f32
    %broadcast_in_dim3A_68 = vector.broadcast %broadcast_in_dim3A_67 : f32 to vector<16xf32>
    %swap3A_69 = arith.constant 176 : index
    %swap3A_70 = tpu.vector_load %arg7[%swap3A_69] {strides = array<i32>} : memref<640xf32, #tpu.memory_space<vmem>>, vector<16xf32>,
    %swap3A_71 = vector.shape_cast %swap3A_70 : vector<16xf32> to vector<16xf32>
    %swap3A_72 = vector.shape_cast %broadcast_in_dim3A_68 : vector<16xf32> to vector<16xf32>
    tpu.vector_store %arg7[%swap3A_69], %swap3A_72 {strides = array<i32>} : memref<640xf32, #tpu.memory_space<vmem>>, vector<16xf32>,
    %broadcast_in_dim3A_73 = arith.constant 0.000000e+00 : f32
    %broadcast_in_dim3A_74 = vector.broadcast %broadcast_in_dim3A_73 : f32 to vector<16xf32>
    %swap3A_75 = arith.constant 192 : index
    %swap3A_76 = tpu.vector_load %arg7[%swap3A_75] {strides = array<i32>} : memref<640xf32, #tpu.memory_space<vmem>>, vector<16xf32>,
    %swap3A_77 = vector.shape_cast %swap3A_76 : vector<16xf32> to vector<16xf32>
    %swap3A_78 = vector.shape_cast %broadcast_in_dim3A_74 : vector<16xf32> to vector<16xf32>
    tpu.vector_store %arg7[%swap3A_75], %swap3A_78 {strides = array<i32>} : memref<640xf32, #tpu.memory_space<vmem>>, vector<16xf32>,
    %broadcast_in_dim3A_79 = arith.constant 0.000000e+00 : f32
    %broadcast_in_dim3A_80 = vector.broadcast %broadcast_in_dim3A_79 : f32 to vector<16xf32>
    %swap3A_81 = arith.constant 208 : index
    %swap3A_82 = tpu.vector_load %arg7[%swap3A_81] {strides = array<i32>} : memref<640xf32, #tpu.memory_space<vmem>>, vector<16xf32>,
    %swap3A_83 = vector.shape_cast %swap3A_82 : vector<16xf32> to vector<16xf32>
    %swap3A_84 = vector.shape_cast %broadcast_in_dim3A_80 : vector<16xf32> to vector<16xf32>
    tpu.vector_store %arg7[%swap3A_81], %swap3A_84 {strides = array<i32>} : memref<640xf32, #tpu.memory_space<vmem>>, vector<16xf32>,
    %broadcast_in_dim3A_85 = arith.constant 0.000000e+00 : f32
    %broadcast_in_dim3A_86 = vector.broadcast %broadcast_in_dim3A_85 : f32 to vector<16xf32>
    %swap3A_87 = arith.constant 224 : index
    %swap3A_88 = tpu.vector_load %arg7[%swap3A_87] {strides = array<i32>} : memref<640xf32, #tpu.memory_space<vmem>>, vector<16xf32>,
    %swap3A_89 = vector.shape_cast %swap3A_88 : vector<16xf32> to vector<16xf32>
    %swap3A_90 = vector.shape_cast %broadcast_in_dim3A_86 : vector<16xf32> to vector<16xf32>
    tpu.vector_store %arg7[%swap3A_87], %swap3A_90 {strides = array<i32>} : memref<640xf32, #tpu.memory_space<vmem>>, vector<16xf32>,
    %broadcast_in_dim3A_91 = arith.constant 0.000000e+00 : f32
    %broadcast_in_dim3A_92 = vector.broadcast %broadcast_in_dim3A_91 : f32 to vector<16xf32>
    %swap3A_93 = arith.constant 240 : index
    %swap3A_94 = tpu.vector_load %arg7[%swap3A_93] {strides = array<i32>} : memref<640xf32, #tpu.memory_space<vmem>>, vector<16xf32>,
    %swap3A_95 = vector.shape_cast %swap3A_94 : vector<16xf32> to vector<16xf32>
    %swap3A_96 = vector.shape_cast %broadcast_in_dim3A_92 : vector<16xf32> to vector<16xf32>
    tpu.vector_store %arg7[%swap3A_93], %swap3A_96 {strides = array<i32>} : memref<640xf32, #tpu.memory_space<vmem>>, vector<16xf32>,
    %broadcast_in_dim3A_97 = arith.constant 0.000000e+00 : f32
    %broadcast_in_dim3A_98 = vector.broadcast %broadcast_in_dim3A_97 : f32 to vector<16xf32>
    %swap3A_99 = arith.constant 256 : index
    %swap3A_100 = tpu.vector_load %arg7[%swap3A_99] {strides = array<i32>} : memref<640xf32, #tpu.memory_space<vmem>>, vector<16xf32>,
    %swap3A_101 = vector.shape_cast %swap3A_100 : vector<16xf32> to vector<16xf32>
    %swap3A_102 = vector.shape_cast %broadcast_in_dim3A_98 : vector<16xf32> to vector<16xf32>
    tpu.vector_store %arg7[%swap3A_99], %swap3A_102 {strides = array<i32>} : memref<640xf32, #tpu.memory_space<vmem>>, vector<16xf32>,
    %broadcast_in_dim3A_103 = arith.constant 0.000000e+00 : f32
    %broadcast_in_dim3A_104 = vector.broadcast %broadcast_in_dim3A_103 : f32 to vector<16xf32>
    %swap3A_105 = arith.constant 272 : index
    %swap3A_106 = tpu.vector_load %arg7[%swap3A_105] {strides = array<i32>} : memref<640xf32, #tpu.memory_space<vmem>>, vector<16xf32>,
    %swap3A_107 = vector.shape_cast %swap3A_106 : vector<16xf32> to vector<16xf32>
    %swap3A_108 = vector.shape_cast %broadcast_in_dim3A_104 : vector<16xf32> to vector<16xf32>
    tpu.vector_store %arg7[%swap3A_105], %swap3A_108 {strides = array<i32>} : memref<640xf32, #tpu.memory_space<vmem>>, vector<16xf32>,
    %broadcast_in_dim3A_109 = arith.constant 0.000000e+00 : f32
    %broadcast_in_dim3A_110 = vector.broadcast %broadcast_in_dim3A_109 : f32 to vector<16xf32>
    %swap3A_111 = arith.constant 288 : index
    %swap3A_112 = tpu.vector_load %arg7[%swap3A_111] {strides = array<i32>} : memref<640xf32, #tpu.memory_space<vmem>>, vector<16xf32>,
    %swap3A_113 = vector.shape_cast %swap3A_112 : vector<16xf32> to vector<16xf32>
    %swap3A_114 = vector.shape_cast %broadcast_in_dim3A_110 : vector<16xf32> to vector<16xf32>
    tpu.vector_store %arg7[%swap3A_111], %swap3A_114 {strides = array<i32>} : memref<640xf32, #tpu.memory_space<vmem>>, vector<16xf32>,
    %broadcast_in_dim3A_115 = arith.constant 0.000000e+00 : f32
    %broadcast_in_dim3A_116 = vector.broadcast %broadcast_in_dim3A_115 : f32 to vector<16xf32>
    %swap3A_117 = arith.constant 304 : index
    %swap3A_118 = tpu.vector_load %arg7[%swap3A_117] {strides = array<i32>} : memref<640xf32, #tpu.memory_space<vmem>>, vector<16xf32>,
    %swap3A_119 = vector.shape_cast %swap3A_118 : vector<16xf32> to vector<16xf32>
    %swap3A_120 = vector.shape_cast %broadcast_in_dim3A_116 : vector<16xf32> to vector<16xf32>
    tpu.vector_store %arg7[%swap3A_117], %swap3A_120 {strides = array<i32>} : memref<640xf32, #tpu.memory_space<vmem>>, vector<16xf32>,
    %broadcast_in_dim3A_121 = arith.constant 0.000000e+00 : f32
    %broadcast_in_dim3A_122 = vector.broadcast %broadcast_in_dim3A_121 : f32 to vector<16xf32>
    %swap3A_123 = arith.constant 320 : index
    %swap3A_124 = tpu.vector_load %arg7[%swap3A_123] {strides = array<i32>} : memref<640xf32, #tpu.memory_space<vmem>>, vector<16xf32>,
    %swap3A_125 = vector.shape_cast %swap3A_124 : vector<16xf32> to vector<16xf32>
    %swap3A_126 = vector.shape_cast %broadcast_in_dim3A_122 : vector<16xf32> to vector<16xf32>
    tpu.vector_store %arg7[%swap3A_123], %swap3A_126 {strides = array<i32>} : memref<640xf32, #tpu.memory_space<vmem>>, vector<16xf32>,
    %broadcast_in_dim3A_127 = arith.constant 0.000000e+00 : f32
    %broadcast_in_dim3A_128 = vector.broadcast %broadcast_in_dim3A_127 : f32 to vector<16xf32>
    %swap3A_129 = arith.constant 336 : index
    %swap3A_130 = tpu.vector_load %arg7[%swap3A_129] {strides = array<i32>} : memref<640xf32, #tpu.memory_space<vmem>>, vector<16xf32>,
    %swap3A_131 = vector.shape_cast %swap3A_130 : vector<16xf32> to vector<16xf32>
    %swap3A_132 = vector.shape_cast %broadcast_in_dim3A_128 : vector<16xf32> to vector<16xf32>
    tpu.vector_store %arg7[%swap3A_129], %swap3A_132 {strides = array<i32>} : memref<640xf32, #tpu.memory_space<vmem>>, vector<16xf32>,
    %broadcast_in_dim3A_133 = arith.constant 0.000000e+00 : f32
    %broadcast_in_dim3A_134 = vector.broadcast %broadcast_in_dim3A_133 : f32 to vector<16xf32>
    %swap3A_135 = arith.constant 352 : index
    %swap3A_136 = tpu.vector_load %arg7[%swap3A_135] {strides = array<i32>} : memref<640xf32, #tpu.memory_space<vmem>>, vector<16xf32>,
    %swap3A_137 = vector.shape_cast %swap3A_136 : vector<16xf32> to vector<16xf32>
    %swap3A_138 = vector.shape_cast %broadcast_in_dim3A_134 : vector<16xf32> to vector<16xf32>
    tpu.vector_store %arg7[%swap3A_135], %swap3A_138 {strides = array<i32>} : memref<640xf32, #tpu.memory_space<vmem>>, vector<16xf32>,
    %broadcast_in_dim3A_139 = arith.constant 0.000000e+00 : f32
    %broadcast_in_dim3A_140 = vector.broadcast %broadcast_in_dim3A_139 : f32 to vector<16xf32>
    %swap3A_141 = arith.constant 368 : index
    %swap3A_142 = tpu.vector_load %arg7[%swap3A_141] {strides = array<i32>} : memref<640xf32, #tpu.memory_space<vmem>>, vector<16xf32>,
    %swap3A_143 = vector.shape_cast %swap3A_142 : vector<16xf32> to vector<16xf32>
    %swap3A_144 = vector.shape_cast %broadcast_in_dim3A_140 : vector<16xf32> to vector<16xf32>
    tpu.vector_store %arg7[%swap3A_141], %swap3A_144 {strides = array<i32>} : memref<640xf32, #tpu.memory_space<vmem>>, vector<16xf32>,
    %broadcast_in_dim3A_145 = arith.constant 0.000000e+00 : f32
    %broadcast_in_dim3A_146 = vector.broadcast %broadcast_in_dim3A_145 : f32 to vector<16xf32>
    %swap3A_147 = arith.constant 384 : index
    %swap3A_148 = tpu.vector_load %arg7[%swap3A_147] {strides = array<i32>} : memref<640xf32, #tpu.memory_space<vmem>>, vector<16xf32>,
    %swap3A_149 = vector.shape_cast %swap3A_148 : vector<16xf32> to vector<16xf32>
    %swap3A_150 = vector.shape_cast %broadcast_in_dim3A_146 : vector<16xf32> to vector<16xf32>
    tpu.vector_store %arg7[%swap3A_147], %swap3A_150 {strides = array<i32>} : memref<640xf32, #tpu.memory_space<vmem>>, vector<16xf32>,
    %broadcast_in_dim3A_151 = arith.constant 0.000000e+00 : f32
    %broadcast_in_dim3A_152 = vector.broadcast %broadcast_in_dim3A_151 : f32 to vector<16xf32>
    %swap3A_153 = arith.constant 400 : index
    %swap3A_154 = tpu.vector_load %arg7[%swap3A_153] {strides = array<i32>} : memref<640xf32, #tpu.memory_space<vmem>>, vector<16xf32>,
    %swap3A_155 = vector.shape_cast %swap3A_154 : vector<16xf32> to vector<16xf32>
    %swap3A_156 = vector.shape_cast %broadcast_in_dim3A_152 : vector<16xf32> to vector<16xf32>
    tpu.vector_store %arg7[%swap3A_153], %swap3A_156 {strides = array<i32>} : memref<640xf32, #tpu.memory_space<vmem>>, vector<16xf32>,
    %broadcast_in_dim3A_157 = arith.constant 0.000000e+00 : f32
    %broadcast_in_dim3A_158 = vector.broadcast %broadcast_in_dim3A_157 : f32 to vector<16xf32>
    %swap3A_159 = arith.constant 416 : index
    %swap3A_160 = tpu.vector_load %arg7[%swap3A_159] {strides = array<i32>} : memref<640xf32, #tpu.memory_space<vmem>>, vector<16xf32>,
    %swap3A_161 = vector.shape_cast %swap3A_160 : vector<16xf32> to vector<16xf32>
    %swap3A_162 = vector.shape_cast %broadcast_in_dim3A_158 : vector<16xf32> to vector<16xf32>
    tpu.vector_store %arg7[%swap3A_159], %swap3A_162 {strides = array<i32>} : memref<640xf32, #tpu.memory_space<vmem>>, vector<16xf32>,
    %broadcast_in_dim3A_163 = arith.constant 0.000000e+00 : f32
    %broadcast_in_dim3A_164 = vector.broadcast %broadcast_in_dim3A_163 : f32 to vector<16xf32>
    %swap3A_165 = arith.constant 432 : index
    %swap3A_166 = tpu.vector_load %arg7[%swap3A_165] {strides = array<i32>} : memref<640xf32, #tpu.memory_space<vmem>>, vector<16xf32>,
    %swap3A_167 = vector.shape_cast %swap3A_166 : vector<16xf32> to vector<16xf32>
    %swap3A_168 = vector.shape_cast %broadcast_in_dim3A_164 : vector<16xf32> to vector<16xf32>
    tpu.vector_store %arg7[%swap3A_165], %swap3A_168 {strides = array<i32>} : memref<640xf32, #tpu.memory_space<vmem>>, vector<16xf32>,
    %broadcast_in_dim3A_169 = arith.constant 0.000000e+00 : f32
    %broadcast_in_dim3A_170 = vector.broadcast %broadcast_in_dim3A_169 : f32 to vector<16xf32>
    %swap3A_171 = arith.constant 448 : index
    %swap3A_172 = tpu.vector_load %arg7[%swap3A_171] {strides = array<i32>} : memref<640xf32, #tpu.memory_space<vmem>>, vector<16xf32>,
    %swap3A_173 = vector.shape_cast %swap3A_172 : vector<16xf32> to vector<16xf32>
    %swap3A_174 = vector.shape_cast %broadcast_in_dim3A_170 : vector<16xf32> to vector<16xf32>
    tpu.vector_store %arg7[%swap3A_171], %swap3A_174 {strides = array<i32>} : memref<640xf32, #tpu.memory_space<vmem>>, vector<16xf32>,
    %broadcast_in_dim3A_175 = arith.constant 0.000000e+00 : f32
    %broadcast_in_dim3A_176 = vector.broadcast %broadcast_in_dim3A_175 : f32 to vector<16xf32>
    %swap3A_177 = arith.constant 464 : index
    %swap3A_178 = tpu.vector_load %arg7[%swap3A_177] {strides = array<i32>} : memref<640xf32, #tpu.memory_space<vmem>>, vector<16xf32>,
    %swap3A_179 = vector.shape_cast %swap3A_178 : vector<16xf32> to vector<16xf32>
    %swap3A_180 = vector.shape_cast %broadcast_in_dim3A_176 : vector<16xf32> to vector<16xf32>
    tpu.vector_store %arg7[%swap3A_177], %swap3A_180 {strides = array<i32>} : memref<640xf32, #tpu.memory_space<vmem>>, vector<16xf32>,
    %broadcast_in_dim3A_181 = arith.constant 0.000000e+00 : f32
    %broadcast_in_dim3A_182 = vector.broadcast %broadcast_in_dim3A_181 : f32 to vector<16xf32>
    %swap3A_183 = arith.constant 480 : index
    %swap3A_184 = tpu.vector_load %arg7[%swap3A_183] {strides = array<i32>} : memref<640xf32, #tpu.memory_space<vmem>>, vector<16xf32>,
    %swap3A_185 = vector.shape_cast %swap3A_184 : vector<16xf32> to vector<16xf32>
    %swap3A_186 = vector.shape_cast %broadcast_in_dim3A_182 : vector<16xf32> to vector<16xf32>
    tpu.vector_store %arg7[%swap3A_183], %swap3A_186 {strides = array<i32>} : memref<640xf32, #tpu.memory_space<vmem>>, vector<16xf32>,
    %broadcast_in_dim3A_187 = arith.constant 0.000000e+00 : f32
    %broadcast_in_dim3A_188 = vector.broadcast %broadcast_in_dim3A_187 : f32 to vector<16xf32>
    %swap3A_189 = arith.constant 496 : index
    %swap3A_190 = tpu.vector_load %arg7[%swap3A_189] {strides = array<i32>} : memref<640xf32, #tpu.memory_space<vmem>>, vector<16xf32>,
    %swap3A_191 = vector.shape_cast %swap3A_190 : vector<16xf32> to vector<16xf32>
    %swap3A_192 = vector.shape_cast %broadcast_in_dim3A_188 : vector<16xf32> to vector<16xf32>
    tpu.vector_store %arg7[%swap3A_189], %swap3A_192 {strides = array<i32>} : memref<640xf32, #tpu.memory_space<vmem>>, vector<16xf32>,
    %broadcast_in_dim3A_193 = arith.constant 0.000000e+00 : f32
    %broadcast_in_dim3A_194 = vector.broadcast %broadcast_in_dim3A_193 : f32 to vector<16xf32>
    %swap3A_195 = arith.constant 512 : index
    %swap3A_196 = tpu.vector_load %arg7[%swap3A_195] {strides = array<i32>} : memref<640xf32, #tpu.memory_space<vmem>>, vector<16xf32>,
    %swap3A_197 = vector.shape_cast %swap3A_196 : vector<16xf32> to vector<16xf32>
    %swap3A_198 = vector.shape_cast %broadcast_in_dim3A_194 : vector<16xf32> to vector<16xf32>
    tpu.vector_store %arg7[%swap3A_195], %swap3A_198 {strides = array<i32>} : memref<640xf32, #tpu.memory_space<vmem>>, vector<16xf32>,
    %broadcast_in_dim3A_199 = arith.constant 0.000000e+00 : f32
    %broadcast_in_dim3A_200 = vector.broadcast %broadcast_in_dim3A_199 : f32 to vector<16xf32>
    %swap3A_201 = arith.constant 528 : index
    %swap3A_202 = tpu.vector_load %arg7[%swap3A_201] {strides = array<i32>} : memref<640xf32, #tpu.memory_space<vmem>>, vector<16xf32>,
    %swap3A_203 = vector.shape_cast %swap3A_202 : vector<16xf32> to vector<16xf32>
    %swap3A_204 = vector.shape_cast %broadcast_in_dim3A_200 : vector<16xf32> to vector<16xf32>
    tpu.vector_store %arg7[%swap3A_201], %swap3A_204 {strides = array<i32>} : memref<640xf32, #tpu.memory_space<vmem>>, vector<16xf32>,
    %broadcast_in_dim3A_205 = arith.constant 0.000000e+00 : f32
    %broadcast_in_dim3A_206 = vector.broadcast %broadcast_in_dim3A_205 : f32 to vector<16xf32>
    %swap3A_207 = arith.constant 544 : index
    %swap3A_208 = tpu.vector_load %arg7[%swap3A_207] {strides = array<i32>} : memref<640xf32, #tpu.memory_space<vmem>>, vector<16xf32>,
    %swap3A_209 = vector.shape_cast %swap3A_208 : vector<16xf32> to vector<16xf32>
    %swap3A_210 = vector.shape_cast %broadcast_in_dim3A_206 : vector<16xf32> to vector<16xf32>
    tpu.vector_store %arg7[%swap3A_207], %swap3A_210 {strides = array<i32>} : memref<640xf32, #tpu.memory_space<vmem>>, vector<16xf32>,
    %broadcast_in_dim3A_211 = arith.constant 0.000000e+00 : f32
    %broadcast_in_dim3A_212 = vector.broadcast %broadcast_in_dim3A_211 : f32 to vector<16xf32>
    %swap3A_213 = arith.constant 560 : index
    %swap3A_214 = tpu.vector_load %arg7[%swap3A_213] {strides = array<i32>} : memref<640xf32, #tpu.memory_space<vmem>>, vector<16xf32>,
    %swap3A_215 = vector.shape_cast %swap3A_214 : vector<16xf32> to vector<16xf32>
    %swap3A_216 = vector.shape_cast %broadcast_in_dim3A_212 : vector<16xf32> to vector<16xf32>
    tpu.vector_store %arg7[%swap3A_213], %swap3A_216 {strides = array<i32>} : memref<640xf32, #tpu.memory_space<vmem>>, vector<16xf32>,
    %broadcast_in_dim3A_217 = arith.constant 0.000000e+00 : f32
    %broadcast_in_dim3A_218 = vector.broadcast %broadcast_in_dim3A_217 : f32 to vector<16xf32>
    %swap3A_219 = arith.constant 576 : index
    %swap3A_220 = tpu.vector_load %arg7[%swap3A_219] {strides = array<i32>} : memref<640xf32, #tpu.memory_space<vmem>>, vector<16xf32>,
    %swap3A_221 = vector.shape_cast %swap3A_220 : vector<16xf32> to vector<16xf32>
    %swap3A_222 = vector.shape_cast %broadcast_in_dim3A_218 : vector<16xf32> to vector<16xf32>
    tpu.vector_store %arg7[%swap3A_219], %swap3A_222 {strides = array<i32>} : memref<640xf32, #tpu.memory_space<vmem>>, vector<16xf32>,
    %broadcast_in_dim3A_223 = arith.constant 0.000000e+00 : f32
    %broadcast_in_dim3A_224 = vector.broadcast %broadcast_in_dim3A_223 : f32 to vector<16xf32>
    %swap3A_225 = arith.constant 592 : index
    %swap3A_226 = tpu.vector_load %arg7[%swap3A_225] {strides = array<i32>} : memref<640xf32, #tpu.memory_space<vmem>>, vector<16xf32>,
    %swap3A_227 = vector.shape_cast %swap3A_226 : vector<16xf32> to vector<16xf32>
    %swap3A_228 = vector.shape_cast %broadcast_in_dim3A_224 : vector<16xf32> to vector<16xf32>
    tpu.vector_store %arg7[%swap3A_225], %swap3A_228 {strides = array<i32>} : memref<640xf32, #tpu.memory_space<vmem>>, vector<16xf32>,
    %broadcast_in_dim3A_229 = arith.constant 0.000000e+00 : f32
    %broadcast_in_dim3A_230 = vector.broadcast %broadcast_in_dim3A_229 : f32 to vector<16xf32>
    %swap3A_231 = arith.constant 608 : index
    %swap3A_232 = tpu.vector_load %arg7[%swap3A_231] {strides = array<i32>} : memref<640xf32, #tpu.memory_space<vmem>>, vector<16xf32>,
    %swap3A_233 = vector.shape_cast %swap3A_232 : vector<16xf32> to vector<16xf32>
    %swap3A_234 = vector.shape_cast %broadcast_in_dim3A_230 : vector<16xf32> to vector<16xf32>
    tpu.vector_store %arg7[%swap3A_231], %swap3A_234 {strides = array<i32>} : memref<640xf32, #tpu.memory_space<vmem>>, vector<16xf32>,
    %broadcast_in_dim3A_235 = arith.constant 0.000000e+00 : f32
    %broadcast_in_dim3A_236 = vector.broadcast %broadcast_in_dim3A_235 : f32 to vector<16xf32>
    %swap3A_237 = arith.constant 624 : index
    %swap3A_238 = tpu.vector_load %arg7[%swap3A_237] {strides = array<i32>} : memref<640xf32, #tpu.memory_space<vmem>>, vector<16xf32>,
    %swap3A_239 = vector.shape_cast %swap3A_238 : vector<16xf32> to vector<16xf32>
    %swap3A_240 = vector.shape_cast %broadcast_in_dim3A_236 : vector<16xf32> to vector<16xf32>
    tpu.vector_store %arg7[%swap3A_237], %swap3A_240 {strides = array<i32>} : memref<640xf32, #tpu.memory_space<vmem>>, vector<16xf32>,
    %broadcast_in_dim3A_241 = arith.constant 1.000000e+00 : f32
    %broadcast_in_dim3A_242 = vector.broadcast %broadcast_in_dim3A_241 : f32 to vector<16xf32>
    %swap3A_243 = arith.constant 0 : index
    %swap3A_244 = tpu.vector_load %arg6[%swap3A_243] {strides = array<i32>} : memref<128xf32, #tpu.memory_space<vmem>>, vector<16xf32>,
    %swap3A_245 = vector.shape_cast %swap3A_244 : vector<16xf32> to vector<16xf32>
    %swap3A_246 = vector.shape_cast %broadcast_in_dim3A_242 : vector<16xf32> to vector<16xf32>
    tpu.vector_store %arg6[%swap3A_243], %swap3A_246 {strides = array<i32>} : memref<128xf32, #tpu.memory_space<vmem>>, vector<16xf32>,
    %broadcast_in_dim3A_247 = arith.constant 1.000000e+00 : f32
    %broadcast_in_dim3A_248 = vector.broadcast %broadcast_in_dim3A_247 : f32 to vector<16xf32>
    %swap3A_249 = arith.constant 16 : index
    %swap3A_250 = tpu.vector_load %arg6[%swap3A_249] {strides = array<i32>} : memref<128xf32, #tpu.memory_space<vmem>>, vector<16xf32>,
    %swap3A_251 = vector.shape_cast %swap3A_250 : vector<16xf32> to vector<16xf32>
    %swap3A_252 = vector.shape_cast %broadcast_in_dim3A_248 : vector<16xf32> to vector<16xf32>
    tpu.vector_store %arg6[%swap3A_249], %swap3A_252 {strides = array<i32>} : memref<128xf32, #tpu.memory_space<vmem>>, vector<16xf32>,
    %broadcast_in_dim3A_253 = arith.constant 1.000000e+00 : f32
    %broadcast_in_dim3A_254 = vector.broadcast %broadcast_in_dim3A_253 : f32 to vector<16xf32>
    %swap3A_255 = arith.constant 32 : index
    %swap3A_256 = tpu.vector_load %arg6[%swap3A_255] {strides = array<i32>} : memref<128xf32, #tpu.memory_space<vmem>>, vector<16xf32>,
    %swap3A_257 = vector.shape_cast %swap3A_256 : vector<16xf32> to vector<16xf32>
    %swap3A_258 = vector.shape_cast %broadcast_in_dim3A_254 : vector<16xf32> to vector<16xf32>
    tpu.vector_store %arg6[%swap3A_255], %swap3A_258 {strides = array<i32>} : memref<128xf32, #tpu.memory_space<vmem>>, vector<16xf32>,
    %broadcast_in_dim3A_259 = arith.constant 1.000000e+00 : f32
    %broadcast_in_dim3A_260 = vector.broadcast %broadcast_in_dim3A_259 : f32 to vector<16xf32>
    %swap3A_261 = arith.constant 48 : index
    %swap3A_262 = tpu.vector_load %arg6[%swap3A_261] {strides = array<i32>} : memref<128xf32, #tpu.memory_space<vmem>>, vector<16xf32>,
    %swap3A_263 = vector.shape_cast %swap3A_262 : vector<16xf32> to vector<16xf32>
    %swap3A_264 = vector.shape_cast %broadcast_in_dim3A_260 : vector<16xf32> to vector<16xf32>
    tpu.vector_store %arg6[%swap3A_261], %swap3A_264 {strides = array<i32>} : memref<128xf32, #tpu.memory_space<vmem>>, vector<16xf32>,
    %broadcast_in_dim3A_265 = arith.constant 1.000000e+00 : f32
    %broadcast_in_dim3A_266 = vector.broadcast %broadcast_in_dim3A_265 : f32 to vector<16xf32>
    %swap3A_267 = arith.constant 64 : index
    %swap3A_268 = tpu.vector_load %arg6[%swap3A_267] {strides = array<i32>} : memref<128xf32, #tpu.memory_space<vmem>>, vector<16xf32>,
    %swap3A_269 = vector.shape_cast %swap3A_268 : vector<16xf32> to vector<16xf32>
    %swap3A_270 = vector.shape_cast %broadcast_in_dim3A_266 : vector<16xf32> to vector<16xf32>
    tpu.vector_store %arg6[%swap3A_267], %swap3A_270 {strides = array<i32>} : memref<128xf32, #tpu.memory_space<vmem>>, vector<16xf32>,
    %broadcast_in_dim3A_271 = arith.constant 1.000000e+00 : f32
    %broadcast_in_dim3A_272 = vector.broadcast %broadcast_in_dim3A_271 : f32 to vector<16xf32>
    %swap3A_273 = arith.constant 80 : index
    %swap3A_274 = tpu.vector_load %arg6[%swap3A_273] {strides = array<i32>} : memref<128xf32, #tpu.memory_space<vmem>>, vector<16xf32>,
    %swap3A_275 = vector.shape_cast %swap3A_274 : vector<16xf32> to vector<16xf32>
    %swap3A_276 = vector.shape_cast %broadcast_in_dim3A_272 : vector<16xf32> to vector<16xf32>
    tpu.vector_store %arg6[%swap3A_273], %swap3A_276 {strides = array<i32>} : memref<128xf32, #tpu.memory_space<vmem>>, vector<16xf32>,
    %broadcast_in_dim3A_277 = arith.constant 1.000000e+00 : f32
    %broadcast_in_dim3A_278 = vector.broadcast %broadcast_in_dim3A_277 : f32 to vector<16xf32>
    %swap3A_279 = arith.constant 96 : index
    %swap3A_280 = tpu.vector_load %arg6[%swap3A_279] {strides = array<i32>} : memref<128xf32, #tpu.memory_space<vmem>>, vector<16xf32>,
    %swap3A_281 = vector.shape_cast %swap3A_280 : vector<16xf32> to vector<16xf32>
    %swap3A_282 = vector.shape_cast %broadcast_in_dim3A_278 : vector<16xf32> to vector<16xf32>
    tpu.vector_store %arg6[%swap3A_279], %swap3A_282 {strides = array<i32>} : memref<128xf32, #tpu.memory_space<vmem>>, vector<16xf32>,
    %broadcast_in_dim3A_283 = arith.constant 1.000000e+00 : f32
    %broadcast_in_dim3A_284 = vector.broadcast %broadcast_in_dim3A_283 : f32 to vector<16xf32>
    %swap3A_285 = arith.constant 112 : index
    %swap3A_286 = tpu.vector_load %arg6[%swap3A_285] {strides = array<i32>} : memref<128xf32, #tpu.memory_space<vmem>>, vector<16xf32>,
    %swap3A_287 = vector.shape_cast %swap3A_286 : vector<16xf32> to vector<16xf32>
    %swap3A_288 = vector.shape_cast %broadcast_in_dim3A_284 : vector<16xf32> to vector<16xf32>
    tpu.vector_store %arg6[%swap3A_285], %swap3A_288 {strides = array<i32>} : memref<128xf32, #tpu.memory_space<vmem>>, vector<16xf32>,
    %mul3A_289 = arith.constant 640 : i32
    %mul3A_290 = arith.muli %arg1, %mul3A_289 : i32
    "tpu.region"() ({
      %run_scoped3A = tpu.sem_alloc : memref<!tpu.dma_semaphore, #tpu.memory_space<semaphore_mem>>
      %dma_start3A = tpu.memref_slice %arg8[%mul3A_290] : memref<10240xf32, #tpu.memory_space<vmem_shared>> -> memref<640xf32, #tpu.memory_space<vmem_shared>>
      %dma_start3A_304 = tpu.memref_slice %arg8[%mul3A_290] : memref<10240xf32, #tpu.memory_space<vmem_shared>> -> memref<640xf32, #tpu.memory_space<vmem_shared>>
      tpu.enqueue_dma source(%arg7 : memref<640xf32, #tpu.memory_space<vmem>>) target(%dma_start3A_304 : memref<640xf32, #tpu.memory_space<vmem_shared>>) target_semaphore(%run_scoped3A : memref<!tpu.dma_semaphore, #tpu.memory_space<semaphore_mem>>)
      %dma_wait3A = tpu.memref_slice %arg8[%mul3A_290] : memref<10240xf32, #tpu.memory_space<vmem_shared>> -> memref<640xf32, #tpu.memory_space<vmem_shared>>
      %dma_wait3A_305 = tpu.memref_slice %arg8[%mul3A_290] : memref<10240xf32, #tpu.memory_space<vmem_shared>> -> memref<640xf32, #tpu.memory_space<vmem_shared>>
      tpu.wait_dma2 semaphore(%run_scoped3A : memref<!tpu.dma_semaphore, #tpu.memory_space<semaphore_mem>>) src(%arg7 : memref<640xf32, #tpu.memory_space<vmem>>) dst(%dma_wait3A_305 : memref<640xf32, #tpu.memory_space<vmem_shared>>)
      tpu.yield
    }) : () -> ()
    %barrier3A = arith.constant 0 : index
    tpu.barrier barrier_id(%barrier3A)
    %scan3A = arith.constant 0 : i32
    %scan3A_291 = arith.constant 0 : i32
    %scan3A_292 = arith.constant 80 : i32
    %scan3A_293 = arith.addi %scan3A_291, %scan3A_292 : i32
    %scan3A_294 = arith.constant 1 : i32
    scf.for %scan3A_304 = %scan3A_291 to %scan3A_293 step %scan3A_294  : i32 {
      "tpu.region"() ({
        %run_scoped3A = tpu.sem_alloc : memref<!tpu.dma_semaphore, #tpu.memory_space<semaphore_mem>>
        %dma_start3A = arith.constant 0 : i32
        %dma_start3A_305 = tpu.memref_slice %arg5[%scan3A_304, %dma_start3A] : memref<80x128xi32, #tpu.memory_space<vmem>> -> memref<1x128xi32, #tpu.memory_space<vmem>>
        %dma_start3A_306 = tpu.memref_squeeze %dma_start3A_305 : memref<1x128xi32, #tpu.memory_space<vmem>> -> memref<128xi32, #tpu.memory_space<vmem>>
        %dma_start3A_307 = arith.constant 0 : i32
        %dma_start3A_308 = tpu.memref_slice %arg8[%dma_start3A_307] : memref<10240xf32, #tpu.memory_space<vmem_shared>> -> memref<10240xf32, #tpu.memory_space<vmem_shared>>
        tpu.enqueue_indirect_dma source(%arg6 : memref<128xf32, #tpu.memory_space<vmem>>) target(%dma_start3A_308 : memref<10240xf32, #tpu.memory_space<vmem_shared>>) offsets(%dma_start3A_306 : memref<128xi32, #tpu.memory_space<vmem>>) semaphore(%run_scoped3A : memref<!tpu.dma_semaphore, #tpu.memory_space<semaphore_mem>>) {add = true}
        %dma_wait3A = arith.constant 0 : i32
        %dma_wait3A_309 = tpu.memref_slice %arg5[%scan3A_304, %dma_wait3A] : memref<80x128xi32, #tpu.memory_space<vmem>> -> memref<1x128xi32, #tpu.memory_space<vmem>>
        %dma_wait3A_310 = tpu.memref_squeeze %dma_wait3A_309 : memref<1x128xi32, #tpu.memory_space<vmem>> -> memref<128xi32, #tpu.memory_space<vmem>>
        %dma_wait3A_311 = arith.constant 0 : i32
        %dma_wait3A_312 = tpu.memref_slice %arg8[%dma_wait3A_311] : memref<10240xf32, #tpu.memory_space<vmem_shared>> -> memref<10240xf32, #tpu.memory_space<vmem_shared>>
        tpu.wait_indirect_dma semaphore(%run_scoped3A : memref<!tpu.dma_semaphore, #tpu.memory_space<semaphore_mem>>) src(%arg6 : memref<128xf32, #tpu.memory_space<vmem>>) dst(%dma_wait3A_312 : memref<10240xf32, #tpu.memory_space<vmem_shared>>)
        tpu.yield
      }) : () -> ()
    }
    %scan3A_295 = arith.constant 80 : i32
    %barrier3A_296 = arith.constant 0 : index
    tpu.barrier barrier_id(%barrier3A_296)
    %eq3A = arith.constant 0 : i32
    %eq3A_297 = arith.cmpi eq, %arg0, %eq3A : i32
    %convert_element_type3A = arith.extui %eq3A_297 : i1 to i32
    %cond3A = arith.constant 0 : i32
    %cond3A_298 = arith.cmpi ne, %convert_element_type3A, %cond3A : i32
    scf.if %cond3A_298 {
      %mul3A_304 = arith.constant 640 : i32
      %mul3A_305 = arith.muli %arg1, %mul3A_304 : i32
      %mul3A_306 = arith.constant 640 : i32
      %mul3A_307 = arith.muli %arg1, %mul3A_306 : i32
      "tpu.region"() ({
        %run_scoped3A = tpu.sem_alloc : memref<!tpu.dma_semaphore, #tpu.memory_space<semaphore_mem>>
        %dma_start3A = tpu.memref_slice %arg3[%mul3A_307] : memref<10240xf32, #tpu.memory_space<hbm>> -> memref<640xf32, #tpu.memory_space<hbm>>
        %dma_start3A_308 = tpu.memref_slice %arg8[%mul3A_305] : memref<10240xf32, #tpu.memory_space<vmem_shared>> -> memref<640xf32, #tpu.memory_space<vmem_shared>>
        tpu.enqueue_dma source(%dma_start3A_308 : memref<640xf32, #tpu.memory_space<vmem_shared>>) target(%dma_start3A : memref<640xf32, #tpu.memory_space<hbm>>) target_semaphore(%run_scoped3A : memref<!tpu.dma_semaphore, #tpu.memory_space<semaphore_mem>>)
        %dma_wait3A = tpu.memref_slice %arg3[%mul3A_307] : memref<10240xf32, #tpu.memory_space<hbm>> -> memref<640xf32, #tpu.memory_space<hbm>>
        %dma_wait3A_309 = tpu.memref_slice %arg8[%mul3A_305] : memref<10240xf32, #tpu.memory_space<vmem_shared>> -> memref<640xf32, #tpu.memory_space<vmem_shared>>
        tpu.wait_dma2 semaphore(%run_scoped3A : memref<!tpu.dma_semaphore, #tpu.memory_space<semaphore_mem>>) src(%dma_wait3A_309 : memref<640xf32, #tpu.memory_space<vmem_shared>>) dst(%dma_wait3A : memref<640xf32, #tpu.memory_space<hbm>>)
        tpu.yield
      }) : () -> ()
    } else {
    }
    %eq3A_299 = arith.constant 1 : i32
    %eq3A_300 = arith.cmpi eq, %arg0, %eq3A_299 : i32
    %convert_element_type3A_301 = arith.extui %eq3A_300 : i1 to i32
    %cond3A_302 = arith.constant 0 : i32
    %cond3A_303 = arith.cmpi ne, %convert_element_type3A_301, %cond3A_302 : i32
    scf.if %cond3A_303 {
      %mul3A_304 = arith.constant 640 : i32
      %mul3A_305 = arith.muli %arg1, %mul3A_304 : i32
      %mul3A_306 = arith.constant 640 : i32
      %mul3A_307 = arith.muli %arg1, %mul3A_306 : i32
      "tpu.region"() ({
        %run_scoped3A = tpu.sem_alloc : memref<!tpu.dma_semaphore, #tpu.memory_space<semaphore_mem>>
        %dma_start3A = tpu.memref_slice %arg4[%mul3A_307] : memref<10240xf32, #tpu.memory_space<hbm>> -> memref<640xf32, #tpu.memory_space<hbm>>
        %dma_start3A_308 = tpu.memref_slice %arg8[%mul3A_305] : memref<10240xf32, #tpu.memory_space<vmem_shared>> -> memref<640xf32, #tpu.memory_space<vmem_shared>>
        tpu.enqueue_dma source(%dma_start3A_308 : memref<640xf32, #tpu.memory_space<vmem_shared>>) target(%dma_start3A : memref<640xf32, #tpu.memory_space<hbm>>) target_semaphore(%run_scoped3A : memref<!tpu.dma_semaphore, #tpu.memory_space<semaphore_mem>>)
        %dma_wait3A = tpu.memref_slice %arg4[%mul3A_307] : memref<10240xf32, #tpu.memory_space<hbm>> -> memref<640xf32, #tpu.memory_space<hbm>>
        %dma_wait3A_309 = tpu.memref_slice %arg8[%mul3A_305] : memref<10240xf32, #tpu.memory_space<vmem_shared>> -> memref<640xf32, #tpu.memory_space<vmem_shared>>
        tpu.wait_dma2 semaphore(%run_scoped3A : memref<!tpu.dma_semaphore, #tpu.memory_space<semaphore_mem>>) src(%dma_wait3A_309 : memref<640xf32, #tpu.memory_space<vmem_shared>>) dst(%dma_wait3A : memref<640xf32, #tpu.memory_space<hbm>>)
        tpu.yield
      }) : () -> ()
    } else {
    }
    return
  }
}

#map = affine_map<(d0, d1) -> (0, 0)>
module attributes {stable_mosaic.version = 14 : i64} {
  func.func @_sc_agg(%arg0: i32, %arg1: i32, %arg2: memref<2560x128xi32, #tpu.memory_space<hbm>>, %arg3: memref<2560x128xi32, #tpu.memory_space<hbm>>, %arg4: memref<2560x128xi32, #tpu.memory_space<hbm>>, %arg5: memref<10000x128xf32, #tpu.memory_space<hbm>>, %arg6: memref<128x128xf32, #tpu.memory_space<hbm>>, %arg7: memref<10000x128xf32, #tpu.memory_space<hbm>>, %arg8: memref<160x128xi32, #tpu.memory_space<vmem>>, %arg9: memref<160x128xi32, #tpu.memory_space<vmem>>, %arg10: memref<128x128xf32, #tpu.memory_space<vmem>>, %arg11: memref<128x128xf32, #tpu.memory_space<vmem>>, %arg12: memref<128x128xf32, #tpu.memory_space<vmem>>, %arg13: memref<5072x128xf32, #tpu.memory_space<vmem_shared>>, %arg14: memref<!tpu.dma_semaphore, #tpu.memory_space<semaphore_mem>>, %arg15: memref<!tpu.dma_semaphore, #tpu.memory_space<semaphore_mem>>, %arg16: memref<!tpu.dma_semaphore, #tpu.memory_space<semaphore_mem>>) attributes {dimension_semantics = [#tpu.dimension_semantics<core_parallel>, #tpu.dimension_semantics<subcore_parallel>], iteration_bounds = array<i64: 2, 16>, scalar_prefetch = 0 : i64, scratch_operands = 9 : i64, tpu.core_type = #tpu.core_type<sc_vector_subcore>, window_params = [{transform_indices = #map}, {transform_indices = #map}, {transform_indices = #map}, {transform_indices = #map}, {transform_indices = #map}, {transform_indices = #map}]} {
    %mul3A = arith.constant 160 : i32
    %mul3A_0 = arith.muli %arg1, %mul3A : i32
    "tpu.region"() ({
      %run_scoped3A = tpu.sem_alloc : memref<!tpu.dma_semaphore, #tpu.memory_space<semaphore_mem>>
      %dma_start3A_46 = arith.constant 0 : i32
      %dma_start3A_47 = tpu.memref_slice %arg2[%mul3A_0, %dma_start3A_46] : memref<2560x128xi32, #tpu.memory_space<hbm>> -> memref<160x128xi32, #tpu.memory_space<hbm>>
      %dma_start3A_48 = arith.constant 0 : i32
      %dma_start3A_49 = tpu.memref_slice %arg2[%mul3A_0, %dma_start3A_48] : memref<2560x128xi32, #tpu.memory_space<hbm>> -> memref<160x128xi32, #tpu.memory_space<hbm>>
      tpu.enqueue_dma source(%dma_start3A_49 : memref<160x128xi32, #tpu.memory_space<hbm>>) target(%arg8 : memref<160x128xi32, #tpu.memory_space<vmem>>) target_semaphore(%run_scoped3A : memref<!tpu.dma_semaphore, #tpu.memory_space<semaphore_mem>>)
      %dma_wait3A = arith.constant 0 : i32
      %dma_wait3A_50 = tpu.memref_slice %arg2[%mul3A_0, %dma_wait3A] : memref<2560x128xi32, #tpu.memory_space<hbm>> -> memref<160x128xi32, #tpu.memory_space<hbm>>
      %dma_wait3A_51 = arith.constant 0 : i32
      %dma_wait3A_52 = tpu.memref_slice %arg2[%mul3A_0, %dma_wait3A_51] : memref<2560x128xi32, #tpu.memory_space<hbm>> -> memref<160x128xi32, #tpu.memory_space<hbm>>
      tpu.wait_dma2 semaphore(%run_scoped3A : memref<!tpu.dma_semaphore, #tpu.memory_space<semaphore_mem>>) src(%dma_wait3A_52 : memref<160x128xi32, #tpu.memory_space<hbm>>) dst(%arg8 : memref<160x128xi32, #tpu.memory_space<vmem>>)
      tpu.yield
    }) : () -> ()
    %eq3A = arith.constant 0 : i32
    %eq3A_1 = arith.cmpi eq, %arg0, %eq3A : i32
    %convert_element_type3A = arith.extui %eq3A_1 : i1 to i32
    %cond3A = arith.constant 0 : i32
    %cond3A_2 = arith.cmpi ne, %convert_element_type3A, %cond3A : i32
    scf.if %cond3A_2 {
      %mul3A_46 = arith.constant 160 : i32
      %mul3A_47 = arith.muli %arg1, %mul3A_46 : i32
      "tpu.region"() ({
        %run_scoped3A = tpu.sem_alloc : memref<!tpu.dma_semaphore, #tpu.memory_space<semaphore_mem>>
        %dma_start3A_48 = arith.constant 0 : i32
        %dma_start3A_49 = tpu.memref_slice %arg3[%mul3A_47, %dma_start3A_48] : memref<2560x128xi32, #tpu.memory_space<hbm>> -> memref<160x128xi32, #tpu.memory_space<hbm>>
        %dma_start3A_50 = arith.constant 0 : i32
        %dma_start3A_51 = tpu.memref_slice %arg3[%mul3A_47, %dma_start3A_50] : memref<2560x128xi32, #tpu.memory_space<hbm>> -> memref<160x128xi32, #tpu.memory_space<hbm>>
        tpu.enqueue_dma source(%dma_start3A_51 : memref<160x128xi32, #tpu.memory_space<hbm>>) target(%arg9 : memref<160x128xi32, #tpu.memory_space<vmem>>) target_semaphore(%run_scoped3A : memref<!tpu.dma_semaphore, #tpu.memory_space<semaphore_mem>>)
        %dma_wait3A = arith.constant 0 : i32
        %dma_wait3A_52 = tpu.memref_slice %arg3[%mul3A_47, %dma_wait3A] : memref<2560x128xi32, #tpu.memory_space<hbm>> -> memref<160x128xi32, #tpu.memory_space<hbm>>
        %dma_wait3A_53 = arith.constant 0 : i32
        %dma_wait3A_54 = tpu.memref_slice %arg3[%mul3A_47, %dma_wait3A_53] : memref<2560x128xi32, #tpu.memory_space<hbm>> -> memref<160x128xi32, #tpu.memory_space<hbm>>
        tpu.wait_dma2 semaphore(%run_scoped3A : memref<!tpu.dma_semaphore, #tpu.memory_space<semaphore_mem>>) src(%dma_wait3A_54 : memref<160x128xi32, #tpu.memory_space<hbm>>) dst(%arg9 : memref<160x128xi32, #tpu.memory_space<vmem>>)
        tpu.yield
      }) : () -> ()
    } else {
    }
    %eq3A_3 = arith.constant 1 : i32
    %eq3A_4 = arith.cmpi eq, %arg0, %eq3A_3 : i32
    %convert_element_type3A_5 = arith.extui %eq3A_4 : i1 to i32
    %cond3A_6 = arith.constant 0 : i32
    %cond3A_7 = arith.cmpi ne, %convert_element_type3A_5, %cond3A_6 : i32
    scf.if %cond3A_7 {
      %mul3A_46 = arith.constant 160 : i32
      %mul3A_47 = arith.muli %arg1, %mul3A_46 : i32
      "tpu.region"() ({
        %run_scoped3A = tpu.sem_alloc : memref<!tpu.dma_semaphore, #tpu.memory_space<semaphore_mem>>
        %dma_start3A_48 = arith.constant 0 : i32
        %dma_start3A_49 = tpu.memref_slice %arg4[%mul3A_47, %dma_start3A_48] : memref<2560x128xi32, #tpu.memory_space<hbm>> -> memref<160x128xi32, #tpu.memory_space<hbm>>
        %dma_start3A_50 = arith.constant 0 : i32
        %dma_start3A_51 = tpu.memref_slice %arg4[%mul3A_47, %dma_start3A_50] : memref<2560x128xi32, #tpu.memory_space<hbm>> -> memref<160x128xi32, #tpu.memory_space<hbm>>
        tpu.enqueue_dma source(%dma_start3A_51 : memref<160x128xi32, #tpu.memory_space<hbm>>) target(%arg9 : memref<160x128xi32, #tpu.memory_space<vmem>>) target_semaphore(%run_scoped3A : memref<!tpu.dma_semaphore, #tpu.memory_space<semaphore_mem>>)
        %dma_wait3A = arith.constant 0 : i32
        %dma_wait3A_52 = tpu.memref_slice %arg4[%mul3A_47, %dma_wait3A] : memref<2560x128xi32, #tpu.memory_space<hbm>> -> memref<160x128xi32, #tpu.memory_space<hbm>>
        %dma_wait3A_53 = arith.constant 0 : i32
        %dma_wait3A_54 = tpu.memref_slice %arg4[%mul3A_47, %dma_wait3A_53] : memref<2560x128xi32, #tpu.memory_space<hbm>> -> memref<160x128xi32, #tpu.memory_space<hbm>>
        tpu.wait_dma2 semaphore(%run_scoped3A : memref<!tpu.dma_semaphore, #tpu.memory_space<semaphore_mem>>) src(%dma_wait3A_54 : memref<160x128xi32, #tpu.memory_space<hbm>>) dst(%arg9 : memref<160x128xi32, #tpu.memory_space<vmem>>)
        tpu.yield
      }) : () -> ()
    } else {
    }
    %lt3A = arith.constant 15 : i32
    %lt3A_8 = arith.cmpi slt, %arg1, %lt3A : i32
    %convert_element_type3A_9 = arith.extui %lt3A_8 : i1 to i32
    %cond3A_10 = arith.constant 0 : i32
    %cond3A_11 = arith.cmpi ne, %convert_element_type3A_9, %cond3A_10 : i32
    scf.if %cond3A_11 {
      %mul3A_46 = arith.constant 312 : i32
      %mul3A_47 = arith.muli %arg1, %mul3A_46 : i32
      %mul3A_48 = arith.constant 5000 : i32
      %mul3A_49 = arith.muli %arg0, %mul3A_48 : i32
      %add3A = arith.addi %mul3A_49, %mul3A_47 : i32
      "tpu.region"() ({
        %run_scoped3A = tpu.sem_alloc : memref<!tpu.dma_semaphore, #tpu.memory_space<semaphore_mem>>
        %dma_start3A_50 = arith.constant 0 : i32
        %dma_start3A_51 = tpu.memref_slice %arg13[%mul3A_47, %dma_start3A_50] : memref<5072x128xf32, #tpu.memory_space<vmem_shared>> -> memref<312x128xf32, #tpu.memory_space<vmem_shared>>
        %dma_start3A_52 = arith.constant 0 : i32
        %dma_start3A_53 = tpu.memref_slice %arg5[%add3A, %dma_start3A_52] : memref<10000x128xf32, #tpu.memory_space<hbm>> -> memref<312x128xf32, #tpu.memory_space<hbm>>
        tpu.enqueue_dma source(%dma_start3A_53 : memref<312x128xf32, #tpu.memory_space<hbm>>) target(%dma_start3A_51 : memref<312x128xf32, #tpu.memory_space<vmem_shared>>) target_semaphore(%run_scoped3A : memref<!tpu.dma_semaphore, #tpu.memory_space<semaphore_mem>>)
        %dma_wait3A = arith.constant 0 : i32
        %dma_wait3A_54 = tpu.memref_slice %arg13[%mul3A_47, %dma_wait3A] : memref<5072x128xf32, #tpu.memory_space<vmem_shared>> -> memref<312x128xf32, #tpu.memory_space<vmem_shared>>
        %dma_wait3A_55 = arith.constant 0 : i32
        %dma_wait3A_56 = tpu.memref_slice %arg5[%add3A, %dma_wait3A_55] : memref<10000x128xf32, #tpu.memory_space<hbm>> -> memref<312x128xf32, #tpu.memory_space<hbm>>
        tpu.wait_dma2 semaphore(%run_scoped3A : memref<!tpu.dma_semaphore, #tpu.memory_space<semaphore_mem>>) src(%dma_wait3A_56 : memref<312x128xf32, #tpu.memory_space<hbm>>) dst(%dma_wait3A_54 : memref<312x128xf32, #tpu.memory_space<vmem_shared>>)
        tpu.yield
      }) : () -> ()
    } else {
    }
    %eq3A_12 = arith.constant 15 : i32
    %eq3A_13 = arith.cmpi eq, %arg1, %eq3A_12 : i32
    %convert_element_type3A_14 = arith.extui %eq3A_13 : i1 to i32
    %cond3A_15 = arith.constant 0 : i32
    %cond3A_16 = arith.cmpi ne, %convert_element_type3A_14, %cond3A_15 : i32
    scf.if %cond3A_16 {
      %mul3A_46 = arith.constant 5000 : i32
      %mul3A_47 = arith.muli %arg0, %mul3A_46 : i32
      %add3A = arith.constant 4680 : i32
      %add3A_48 = arith.addi %mul3A_47, %add3A : i32
      "tpu.region"() ({
        %run_scoped3A = tpu.sem_alloc : memref<!tpu.dma_semaphore, #tpu.memory_space<semaphore_mem>>
        %dma_start3A_49 = arith.constant 4680 : i32
        %dma_start3A_50 = arith.constant 0 : i32
        %dma_start3A_51 = tpu.memref_slice %arg13[%dma_start3A_49, %dma_start3A_50] : memref<5072x128xf32, #tpu.memory_space<vmem_shared>> -> memref<320x128xf32, #tpu.memory_space<vmem_shared>>
        %dma_start3A_52 = arith.constant 0 : i32
        %dma_start3A_53 = tpu.memref_slice %arg5[%add3A_48, %dma_start3A_52] : memref<10000x128xf32, #tpu.memory_space<hbm>> -> memref<320x128xf32, #tpu.memory_space<hbm>>
        tpu.enqueue_dma source(%dma_start3A_53 : memref<320x128xf32, #tpu.memory_space<hbm>>) target(%dma_start3A_51 : memref<320x128xf32, #tpu.memory_space<vmem_shared>>) target_semaphore(%run_scoped3A : memref<!tpu.dma_semaphore, #tpu.memory_space<semaphore_mem>>)
        %dma_wait3A = arith.constant 4680 : i32
        %dma_wait3A_54 = arith.constant 0 : i32
        %dma_wait3A_55 = tpu.memref_slice %arg13[%dma_wait3A, %dma_wait3A_54] : memref<5072x128xf32, #tpu.memory_space<vmem_shared>> -> memref<320x128xf32, #tpu.memory_space<vmem_shared>>
        %dma_wait3A_56 = arith.constant 0 : i32
        %dma_wait3A_57 = tpu.memref_slice %arg5[%add3A_48, %dma_wait3A_56] : memref<10000x128xf32, #tpu.memory_space<hbm>> -> memref<320x128xf32, #tpu.memory_space<hbm>>
        tpu.wait_dma2 semaphore(%run_scoped3A : memref<!tpu.dma_semaphore, #tpu.memory_space<semaphore_mem>>) src(%dma_wait3A_57 : memref<320x128xf32, #tpu.memory_space<hbm>>) dst(%dma_wait3A_55 : memref<320x128xf32, #tpu.memory_space<vmem_shared>>)
        tpu.yield
      }) : () -> ()
    } else {
    }
    %barrier3A = arith.constant 0 : index
    tpu.barrier barrier_id(%barrier3A)
    %dma_start3A = arith.constant 0 : i32
    %dma_start3A_17 = arith.constant 0 : i32
    %dma_start3A_18 = tpu.memref_slice %arg8[%dma_start3A, %dma_start3A_17] : memref<160x128xi32, #tpu.memory_space<vmem>> -> memref<1x128xi32, #tpu.memory_space<vmem>>
    %dma_start3A_19 = tpu.memref_squeeze %dma_start3A_18 : memref<1x128xi32, #tpu.memory_space<vmem>> -> memref<128xi32, #tpu.memory_space<vmem>>
    %dma_start3A_20 = arith.constant 0 : i32
    %dma_start3A_21 = arith.constant 0 : i32
    %dma_start3A_22 = tpu.memref_slice %arg5[%dma_start3A_20, %dma_start3A_21] : memref<10000x128xf32, #tpu.memory_space<hbm>> -> memref<10000x128xf32, #tpu.memory_space<hbm>>
    tpu.enqueue_indirect_dma source(%dma_start3A_22 : memref<10000x128xf32, #tpu.memory_space<hbm>>) target(%arg10 : memref<128x128xf32, #tpu.memory_space<vmem>>) offsets(%dma_start3A_19 : memref<128xi32, #tpu.memory_space<vmem>>) semaphore(%arg14 : memref<!tpu.dma_semaphore, #tpu.memory_space<semaphore_mem>>)
    %dma_start3A_23 = arith.constant 1 : i32
    %dma_start3A_24 = arith.constant 0 : i32
    %dma_start3A_25 = tpu.memref_slice %arg8[%dma_start3A_23, %dma_start3A_24] : memref<160x128xi32, #tpu.memory_space<vmem>> -> memref<1x128xi32, #tpu.memory_space<vmem>>
    %dma_start3A_26 = tpu.memref_squeeze %dma_start3A_25 : memref<1x128xi32, #tpu.memory_space<vmem>> -> memref<128xi32, #tpu.memory_space<vmem>>
    %dma_start3A_27 = arith.constant 0 : i32
    %dma_start3A_28 = arith.constant 0 : i32
    %dma_start3A_29 = tpu.memref_slice %arg5[%dma_start3A_27, %dma_start3A_28] : memref<10000x128xf32, #tpu.memory_space<hbm>> -> memref<10000x128xf32, #tpu.memory_space<hbm>>
    tpu.enqueue_indirect_dma source(%dma_start3A_29 : memref<10000x128xf32, #tpu.memory_space<hbm>>) target(%arg11 : memref<128x128xf32, #tpu.memory_space<vmem>>) offsets(%dma_start3A_26 : memref<128xi32, #tpu.memory_space<vmem>>) semaphore(%arg15 : memref<!tpu.dma_semaphore, #tpu.memory_space<semaphore_mem>>)
    %scan3A = arith.constant 0 : i32
    %scan3A_30 = arith.constant 0 : i32
    %scan3A_31 = arith.constant 54 : i32
    %scan3A_32 = arith.addi %scan3A_30, %scan3A_31 : i32
    %scan3A_33 = arith.constant 1 : i32
    scf.for %scan3A_46 = %scan3A_30 to %scan3A_32 step %scan3A_33  : i32 {
      %mul3A_47 = arith.constant 3 : i32
      %mul3A_48 = arith.muli %mul3A_47, %scan3A_46 : i32
      %add3A = arith.constant 0 : i32
      %add3A_49 = arith.addi %mul3A_48, %add3A : i32
      %add3A_50 = arith.constant 2 : i32
      %add3A_51 = arith.addi %add3A_49, %add3A_50 : i32
      %lt3A_52 = arith.constant 160 : i32
      %lt3A_53 = arith.cmpi slt, %add3A_51, %lt3A_52 : i32
      %convert_element_type3A_54 = arith.extui %lt3A_53 : i1 to i32
      %cond3A_55 = arith.constant 0 : i32
      %cond3A_56 = arith.cmpi ne, %convert_element_type3A_54, %cond3A_55 : i32
      scf.if %cond3A_56 {
        %add3A_90 = arith.constant 2 : i32
        %add3A_91 = arith.addi %add3A_49, %add3A_90 : i32
        %dma_start3A_92 = arith.constant 0 : i32
        %dma_start3A_93 = tpu.memref_slice %arg8[%add3A_91, %dma_start3A_92] : memref<160x128xi32, #tpu.memory_space<vmem>> -> memref<1x128xi32, #tpu.memory_space<vmem>>
        %dma_start3A_94 = tpu.memref_squeeze %dma_start3A_93 : memref<1x128xi32, #tpu.memory_space<vmem>> -> memref<128xi32, #tpu.memory_space<vmem>>
        %dma_start3A_95 = arith.constant 0 : i32
        %dma_start3A_96 = arith.constant 0 : i32
        %dma_start3A_97 = tpu.memref_slice %arg5[%dma_start3A_95, %dma_start3A_96] : memref<10000x128xf32, #tpu.memory_space<hbm>> -> memref<10000x128xf32, #tpu.memory_space<hbm>>
        tpu.enqueue_indirect_dma source(%dma_start3A_97 : memref<10000x128xf32, #tpu.memory_space<hbm>>) target(%arg12 : memref<128x128xf32, #tpu.memory_space<vmem>>) offsets(%dma_start3A_94 : memref<128xi32, #tpu.memory_space<vmem>>) semaphore(%arg16 : memref<!tpu.dma_semaphore, #tpu.memory_space<semaphore_mem>>)
      } else {
      }
      %lt3A_57 = arith.constant 160 : i32
      %lt3A_58 = arith.cmpi slt, %add3A_49, %lt3A_57 : i32
      %convert_element_type3A_59 = arith.extui %lt3A_58 : i1 to i32
      %cond3A_60 = arith.constant 0 : i32
      %cond3A_61 = arith.cmpi ne, %convert_element_type3A_59, %cond3A_60 : i32
      scf.if %cond3A_61 {
        tpu.wait_dma2 semaphore(%arg14 : memref<!tpu.dma_semaphore, #tpu.memory_space<semaphore_mem>>) src(%arg6 : memref<128x128xf32, #tpu.memory_space<hbm>>) dst(%arg10 : memref<128x128xf32, #tpu.memory_space<vmem>>)
        "tpu.region"() ({
          %run_scoped3A = tpu.sem_alloc : memref<!tpu.dma_semaphore, #tpu.memory_space<semaphore_mem>>
          %dma_start3A_90 = arith.constant 0 : i32
          %dma_start3A_91 = tpu.memref_slice %arg9[%add3A_49, %dma_start3A_90] : memref<160x128xi32, #tpu.memory_space<vmem>> -> memref<1x128xi32, #tpu.memory_space<vmem>>
          %dma_start3A_92 = tpu.memref_squeeze %dma_start3A_91 : memref<1x128xi32, #tpu.memory_space<vmem>> -> memref<128xi32, #tpu.memory_space<vmem>>
          %dma_start3A_93 = arith.constant 0 : i32
          %dma_start3A_94 = arith.constant 0 : i32
          %dma_start3A_95 = tpu.memref_slice %arg13[%dma_start3A_93, %dma_start3A_94] : memref<5072x128xf32, #tpu.memory_space<vmem_shared>> -> memref<5072x128xf32, #tpu.memory_space<vmem_shared>>
          tpu.enqueue_indirect_dma source(%arg10 : memref<128x128xf32, #tpu.memory_space<vmem>>) target(%dma_start3A_95 : memref<5072x128xf32, #tpu.memory_space<vmem_shared>>) offsets(%dma_start3A_92 : memref<128xi32, #tpu.memory_space<vmem>>) semaphore(%run_scoped3A : memref<!tpu.dma_semaphore, #tpu.memory_space<semaphore_mem>>) {add = true}
          %dma_wait3A = arith.constant 0 : i32
          %dma_wait3A_96 = tpu.memref_slice %arg9[%add3A_49, %dma_wait3A] : memref<160x128xi32, #tpu.memory_space<vmem>> -> memref<1x128xi32, #tpu.memory_space<vmem>>
          %dma_wait3A_97 = tpu.memref_squeeze %dma_wait3A_96 : memref<1x128xi32, #tpu.memory_space<vmem>> -> memref<128xi32, #tpu.memory_space<vmem>>
          %dma_wait3A_98 = arith.constant 0 : i32
          %dma_wait3A_99 = arith.constant 0 : i32
          %dma_wait3A_100 = tpu.memref_slice %arg13[%dma_wait3A_98, %dma_wait3A_99] : memref<5072x128xf32, #tpu.memory_space<vmem_shared>> -> memref<5072x128xf32, #tpu.memory_space<vmem_shared>>
          tpu.wait_indirect_dma semaphore(%run_scoped3A : memref<!tpu.dma_semaphore, #tpu.memory_space<semaphore_mem>>) src(%arg10 : memref<128x128xf32, #tpu.memory_space<vmem>>) dst(%dma_wait3A_100 : memref<5072x128xf32, #tpu.memory_space<vmem_shared>>)
          tpu.yield
        }) : () -> ()
      } else {
      }
      %add3A_62 = arith.constant 1 : i32
      %add3A_63 = arith.addi %mul3A_48, %add3A_62 : i32
      %add3A_64 = arith.constant 2 : i32
      %add3A_65 = arith.addi %add3A_63, %add3A_64 : i32
      %lt3A_66 = arith.constant 160 : i32
      %lt3A_67 = arith.cmpi slt, %add3A_65, %lt3A_66 : i32
      %convert_element_type3A_68 = arith.extui %lt3A_67 : i1 to i32
      %cond3A_69 = arith.constant 0 : i32
      %cond3A_70 = arith.cmpi ne, %convert_element_type3A_68, %cond3A_69 : i32
      scf.if %cond3A_70 {
        %add3A_90 = arith.constant 2 : i32
        %add3A_91 = arith.addi %add3A_63, %add3A_90 : i32
        %dma_start3A_92 = arith.constant 0 : i32
        %dma_start3A_93 = tpu.memref_slice %arg8[%add3A_91, %dma_start3A_92] : memref<160x128xi32, #tpu.memory_space<vmem>> -> memref<1x128xi32, #tpu.memory_space<vmem>>
        %dma_start3A_94 = tpu.memref_squeeze %dma_start3A_93 : memref<1x128xi32, #tpu.memory_space<vmem>> -> memref<128xi32, #tpu.memory_space<vmem>>
        %dma_start3A_95 = arith.constant 0 : i32
        %dma_start3A_96 = arith.constant 0 : i32
        %dma_start3A_97 = tpu.memref_slice %arg5[%dma_start3A_95, %dma_start3A_96] : memref<10000x128xf32, #tpu.memory_space<hbm>> -> memref<10000x128xf32, #tpu.memory_space<hbm>>
        tpu.enqueue_indirect_dma source(%dma_start3A_97 : memref<10000x128xf32, #tpu.memory_space<hbm>>) target(%arg10 : memref<128x128xf32, #tpu.memory_space<vmem>>) offsets(%dma_start3A_94 : memref<128xi32, #tpu.memory_space<vmem>>) semaphore(%arg14 : memref<!tpu.dma_semaphore, #tpu.memory_space<semaphore_mem>>)
      } else {
      }
      %lt3A_71 = arith.constant 160 : i32
      %lt3A_72 = arith.cmpi slt, %add3A_63, %lt3A_71 : i32
      %convert_element_type3A_73 = arith.extui %lt3A_72 : i1 to i32
      %cond3A_74 = arith.constant 0 : i32
      %cond3A_75 = arith.cmpi ne, %convert_element_type3A_73, %cond3A_74 : i32
      scf.if %cond3A_75 {
        tpu.wait_dma2 semaphore(%arg15 : memref<!tpu.dma_semaphore, #tpu.memory_space<semaphore_mem>>) src(%arg6 : memref<128x128xf32, #tpu.memory_space<hbm>>) dst(%arg11 : memref<128x128xf32, #tpu.memory_space<vmem>>)
        "tpu.region"() ({
          %run_scoped3A = tpu.sem_alloc : memref<!tpu.dma_semaphore, #tpu.memory_space<semaphore_mem>>
          %dma_start3A_90 = arith.constant 0 : i32
          %dma_start3A_91 = tpu.memref_slice %arg9[%add3A_63, %dma_start3A_90] : memref<160x128xi32, #tpu.memory_space<vmem>> -> memref<1x128xi32, #tpu.memory_space<vmem>>
          %dma_start3A_92 = tpu.memref_squeeze %dma_start3A_91 : memref<1x128xi32, #tpu.memory_space<vmem>> -> memref<128xi32, #tpu.memory_space<vmem>>
          %dma_start3A_93 = arith.constant 0 : i32
          %dma_start3A_94 = arith.constant 0 : i32
          %dma_start3A_95 = tpu.memref_slice %arg13[%dma_start3A_93, %dma_start3A_94] : memref<5072x128xf32, #tpu.memory_space<vmem_shared>> -> memref<5072x128xf32, #tpu.memory_space<vmem_shared>>
          tpu.enqueue_indirect_dma source(%arg11 : memref<128x128xf32, #tpu.memory_space<vmem>>) target(%dma_start3A_95 : memref<5072x128xf32, #tpu.memory_space<vmem_shared>>) offsets(%dma_start3A_92 : memref<128xi32, #tpu.memory_space<vmem>>) semaphore(%run_scoped3A : memref<!tpu.dma_semaphore, #tpu.memory_space<semaphore_mem>>) {add = true}
          %dma_wait3A = arith.constant 0 : i32
          %dma_wait3A_96 = tpu.memref_slice %arg9[%add3A_63, %dma_wait3A] : memref<160x128xi32, #tpu.memory_space<vmem>> -> memref<1x128xi32, #tpu.memory_space<vmem>>
          %dma_wait3A_97 = tpu.memref_squeeze %dma_wait3A_96 : memref<1x128xi32, #tpu.memory_space<vmem>> -> memref<128xi32, #tpu.memory_space<vmem>>
          %dma_wait3A_98 = arith.constant 0 : i32
          %dma_wait3A_99 = arith.constant 0 : i32
          %dma_wait3A_100 = tpu.memref_slice %arg13[%dma_wait3A_98, %dma_wait3A_99] : memref<5072x128xf32, #tpu.memory_space<vmem_shared>> -> memref<5072x128xf32, #tpu.memory_space<vmem_shared>>
          tpu.wait_indirect_dma semaphore(%run_scoped3A : memref<!tpu.dma_semaphore, #tpu.memory_space<semaphore_mem>>) src(%arg11 : memref<128x128xf32, #tpu.memory_space<vmem>>) dst(%dma_wait3A_100 : memref<5072x128xf32, #tpu.memory_space<vmem_shared>>)
          tpu.yield
        }) : () -> ()
      } else {
      }
      %add3A_76 = arith.constant 2 : i32
      %add3A_77 = arith.addi %mul3A_48, %add3A_76 : i32
      %add3A_78 = arith.constant 2 : i32
      %add3A_79 = arith.addi %add3A_77, %add3A_78 : i32
      %lt3A_80 = arith.constant 160 : i32
      %lt3A_81 = arith.cmpi slt, %add3A_79, %lt3A_80 : i32
      %convert_element_type3A_82 = arith.extui %lt3A_81 : i1 to i32
      %cond3A_83 = arith.constant 0 : i32
      %cond3A_84 = arith.cmpi ne, %convert_element_type3A_82, %cond3A_83 : i32
      scf.if %cond3A_84 {
        %add3A_90 = arith.constant 2 : i32
        %add3A_91 = arith.addi %add3A_77, %add3A_90 : i32
        %dma_start3A_92 = arith.constant 0 : i32
        %dma_start3A_93 = tpu.memref_slice %arg8[%add3A_91, %dma_start3A_92] : memref<160x128xi32, #tpu.memory_space<vmem>> -> memref<1x128xi32, #tpu.memory_space<vmem>>
        %dma_start3A_94 = tpu.memref_squeeze %dma_start3A_93 : memref<1x128xi32, #tpu.memory_space<vmem>> -> memref<128xi32, #tpu.memory_space<vmem>>
        %dma_start3A_95 = arith.constant 0 : i32
        %dma_start3A_96 = arith.constant 0 : i32
        %dma_start3A_97 = tpu.memref_slice %arg5[%dma_start3A_95, %dma_start3A_96] : memref<10000x128xf32, #tpu.memory_space<hbm>> -> memref<10000x128xf32, #tpu.memory_space<hbm>>
        tpu.enqueue_indirect_dma source(%dma_start3A_97 : memref<10000x128xf32, #tpu.memory_space<hbm>>) target(%arg11 : memref<128x128xf32, #tpu.memory_space<vmem>>) offsets(%dma_start3A_94 : memref<128xi32, #tpu.memory_space<vmem>>) semaphore(%arg15 : memref<!tpu.dma_semaphore, #tpu.memory_space<semaphore_mem>>)
      } else {
      }
      %lt3A_85 = arith.constant 160 : i32
      %lt3A_86 = arith.cmpi slt, %add3A_77, %lt3A_85 : i32
      %convert_element_type3A_87 = arith.extui %lt3A_86 : i1 to i32
      %cond3A_88 = arith.constant 0 : i32
      %cond3A_89 = arith.cmpi ne, %convert_element_type3A_87, %cond3A_88 : i32
      scf.if %cond3A_89 {
        tpu.wait_dma2 semaphore(%arg16 : memref<!tpu.dma_semaphore, #tpu.memory_space<semaphore_mem>>) src(%arg6 : memref<128x128xf32, #tpu.memory_space<hbm>>) dst(%arg12 : memref<128x128xf32, #tpu.memory_space<vmem>>)
        "tpu.region"() ({
          %run_scoped3A = tpu.sem_alloc : memref<!tpu.dma_semaphore, #tpu.memory_space<semaphore_mem>>
          %dma_start3A_90 = arith.constant 0 : i32
          %dma_start3A_91 = tpu.memref_slice %arg9[%add3A_77, %dma_start3A_90] : memref<160x128xi32, #tpu.memory_space<vmem>> -> memref<1x128xi32, #tpu.memory_space<vmem>>
          %dma_start3A_92 = tpu.memref_squeeze %dma_start3A_91 : memref<1x128xi32, #tpu.memory_space<vmem>> -> memref<128xi32, #tpu.memory_space<vmem>>
          %dma_start3A_93 = arith.constant 0 : i32
          %dma_start3A_94 = arith.constant 0 : i32
          %dma_start3A_95 = tpu.memref_slice %arg13[%dma_start3A_93, %dma_start3A_94] : memref<5072x128xf32, #tpu.memory_space<vmem_shared>> -> memref<5072x128xf32, #tpu.memory_space<vmem_shared>>
          tpu.enqueue_indirect_dma source(%arg12 : memref<128x128xf32, #tpu.memory_space<vmem>>) target(%dma_start3A_95 : memref<5072x128xf32, #tpu.memory_space<vmem_shared>>) offsets(%dma_start3A_92 : memref<128xi32, #tpu.memory_space<vmem>>) semaphore(%run_scoped3A : memref<!tpu.dma_semaphore, #tpu.memory_space<semaphore_mem>>) {add = true}
          %dma_wait3A = arith.constant 0 : i32
          %dma_wait3A_96 = tpu.memref_slice %arg9[%add3A_77, %dma_wait3A] : memref<160x128xi32, #tpu.memory_space<vmem>> -> memref<1x128xi32, #tpu.memory_space<vmem>>
          %dma_wait3A_97 = tpu.memref_squeeze %dma_wait3A_96 : memref<1x128xi32, #tpu.memory_space<vmem>> -> memref<128xi32, #tpu.memory_space<vmem>>
          %dma_wait3A_98 = arith.constant 0 : i32
          %dma_wait3A_99 = arith.constant 0 : i32
          %dma_wait3A_100 = tpu.memref_slice %arg13[%dma_wait3A_98, %dma_wait3A_99] : memref<5072x128xf32, #tpu.memory_space<vmem_shared>> -> memref<5072x128xf32, #tpu.memory_space<vmem_shared>>
          tpu.wait_indirect_dma semaphore(%run_scoped3A : memref<!tpu.dma_semaphore, #tpu.memory_space<semaphore_mem>>) src(%arg12 : memref<128x128xf32, #tpu.memory_space<vmem>>) dst(%dma_wait3A_100 : memref<5072x128xf32, #tpu.memory_space<vmem_shared>>)
          tpu.yield
        }) : () -> ()
      } else {
      }
    }
    %scan3A_34 = arith.constant 54 : i32
    %barrier3A_35 = arith.constant 0 : index
    tpu.barrier barrier_id(%barrier3A_35)
    %lt3A_36 = arith.constant 15 : i32
    %lt3A_37 = arith.cmpi slt, %arg1, %lt3A_36 : i32
    %convert_element_type3A_38 = arith.extui %lt3A_37 : i1 to i32
    %cond3A_39 = arith.constant 0 : i32
    %cond3A_40 = arith.cmpi ne, %convert_element_type3A_38, %cond3A_39 : i32
    scf.if %cond3A_40 {
      %mul3A_46 = arith.constant 312 : i32
      %mul3A_47 = arith.muli %arg1, %mul3A_46 : i32
      %mul3A_48 = arith.constant 5000 : i32
      %mul3A_49 = arith.muli %arg0, %mul3A_48 : i32
      %add3A = arith.addi %mul3A_49, %mul3A_47 : i32
      "tpu.region"() ({
        %run_scoped3A = tpu.sem_alloc : memref<!tpu.dma_semaphore, #tpu.memory_space<semaphore_mem>>
        %dma_start3A_50 = arith.constant 0 : i32
        %dma_start3A_51 = tpu.memref_slice %arg7[%add3A, %dma_start3A_50] : memref<10000x128xf32, #tpu.memory_space<hbm>> -> memref<312x128xf32, #tpu.memory_space<hbm>>
        %dma_start3A_52 = arith.constant 0 : i32
        %dma_start3A_53 = tpu.memref_slice %arg13[%mul3A_47, %dma_start3A_52] : memref<5072x128xf32, #tpu.memory_space<vmem_shared>> -> memref<312x128xf32, #tpu.memory_space<vmem_shared>>
        tpu.enqueue_dma source(%dma_start3A_53 : memref<312x128xf32, #tpu.memory_space<vmem_shared>>) target(%dma_start3A_51 : memref<312x128xf32, #tpu.memory_space<hbm>>) target_semaphore(%run_scoped3A : memref<!tpu.dma_semaphore, #tpu.memory_space<semaphore_mem>>)
        %dma_wait3A = arith.constant 0 : i32
        %dma_wait3A_54 = tpu.memref_slice %arg7[%add3A, %dma_wait3A] : memref<10000x128xf32, #tpu.memory_space<hbm>> -> memref<312x128xf32, #tpu.memory_space<hbm>>
        %dma_wait3A_55 = arith.constant 0 : i32
        %dma_wait3A_56 = tpu.memref_slice %arg13[%mul3A_47, %dma_wait3A_55] : memref<5072x128xf32, #tpu.memory_space<vmem_shared>> -> memref<312x128xf32, #tpu.memory_space<vmem_shared>>
        tpu.wait_dma2 semaphore(%run_scoped3A : memref<!tpu.dma_semaphore, #tpu.memory_space<semaphore_mem>>) src(%dma_wait3A_56 : memref<312x128xf32, #tpu.memory_space<vmem_shared>>) dst(%dma_wait3A_54 : memref<312x128xf32, #tpu.memory_space<hbm>>)
        tpu.yield
      }) : () -> ()
    } else {
    }
    %eq3A_41 = arith.constant 15 : i32
    %eq3A_42 = arith.cmpi eq, %arg1, %eq3A_41 : i32
    %convert_element_type3A_43 = arith.extui %eq3A_42 : i1 to i32
    %cond3A_44 = arith.constant 0 : i32
    %cond3A_45 = arith.cmpi ne, %convert_element_type3A_43, %cond3A_44 : i32
    scf.if %cond3A_45 {
      %mul3A_46 = arith.constant 5000 : i32
      %mul3A_47 = arith.muli %arg0, %mul3A_46 : i32
      %add3A = arith.constant 4680 : i32
      %add3A_48 = arith.addi %mul3A_47, %add3A : i32
      "tpu.region"() ({
        %run_scoped3A = tpu.sem_alloc : memref<!tpu.dma_semaphore, #tpu.memory_space<semaphore_mem>>
        %dma_start3A_49 = arith.constant 0 : i32
        %dma_start3A_50 = tpu.memref_slice %arg7[%add3A_48, %dma_start3A_49] : memref<10000x128xf32, #tpu.memory_space<hbm>> -> memref<320x128xf32, #tpu.memory_space<hbm>>
        %dma_start3A_51 = arith.constant 4680 : i32
        %dma_start3A_52 = arith.constant 0 : i32
        %dma_start3A_53 = tpu.memref_slice %arg13[%dma_start3A_51, %dma_start3A_52] : memref<5072x128xf32, #tpu.memory_space<vmem_shared>> -> memref<320x128xf32, #tpu.memory_space<vmem_shared>>
        tpu.enqueue_dma source(%dma_start3A_53 : memref<320x128xf32, #tpu.memory_space<vmem_shared>>) target(%dma_start3A_50 : memref<320x128xf32, #tpu.memory_space<hbm>>) target_semaphore(%run_scoped3A : memref<!tpu.dma_semaphore, #tpu.memory_space<semaphore_mem>>)
        %dma_wait3A = arith.constant 0 : i32
        %dma_wait3A_54 = tpu.memref_slice %arg7[%add3A_48, %dma_wait3A] : memref<10000x128xf32, #tpu.memory_space<hbm>> -> memref<320x128xf32, #tpu.memory_space<hbm>>
        %dma_wait3A_55 = arith.constant 4680 : i32
        %dma_wait3A_56 = arith.constant 0 : i32
        %dma_wait3A_57 = tpu.memref_slice %arg13[%dma_wait3A_55, %dma_wait3A_56] : memref<5072x128xf32, #tpu.memory_space<vmem_shared>> -> memref<320x128xf32, #tpu.memory_space<vmem_shared>>
        tpu.wait_dma2 semaphore(%run_scoped3A : memref<!tpu.dma_semaphore, #tpu.memory_space<semaphore_mem>>) src(%dma_wait3A_57 : memref<320x128xf32, #tpu.memory_space<vmem_shared>>) dst(%dma_wait3A_54 : memref<320x128xf32, #tpu.memory_space<hbm>>)
        tpu.yield
      }) : () -> ()
    } else {
    }
    return
  }
}

#map = affine_map<(d0, d1) -> (0, 0)>
module attributes {stable_mosaic.version = 14 : i64} {
  func.func @_sc_agg_dual(%arg0: i32, %arg1: i32, %arg2: memref<2560x128xi32, #tpu.memory_space<hbm>>, %arg3: memref<2560x128xi32, #tpu.memory_space<hbm>>, %arg4: memref<2560x128xi32, #tpu.memory_space<hbm>>, %arg5: memref<10000x128xf32, #tpu.memory_space<hbm>>, %arg6: memref<10000x128xf32, #tpu.memory_space<hbm>>, %arg7: memref<128x128xf32, #tpu.memory_space<hbm>>, %arg8: memref<10000x128xf32, #tpu.memory_space<hbm>>, %arg9: memref<10000x128xf32, #tpu.memory_space<hbm>>, %arg10: memref<160x128xi32, #tpu.memory_space<vmem>>, %arg11: memref<160x128xi32, #tpu.memory_space<vmem>>, %arg12: memref<128x128xf32, #tpu.memory_space<vmem>>, %arg13: memref<128x128xf32, #tpu.memory_space<vmem>>, %arg14: memref<128x128xf32, #tpu.memory_space<vmem>>, %arg15: memref<5072x128xf32, #tpu.memory_space<vmem_shared>>, %arg16: memref<!tpu.dma_semaphore, #tpu.memory_space<semaphore_mem>>, %arg17: memref<!tpu.dma_semaphore, #tpu.memory_space<semaphore_mem>>, %arg18: memref<!tpu.dma_semaphore, #tpu.memory_space<semaphore_mem>>) attributes {dimension_semantics = [#tpu.dimension_semantics<core_parallel>, #tpu.dimension_semantics<subcore_parallel>], iteration_bounds = array<i64: 2, 16>, scalar_prefetch = 0 : i64, scratch_operands = 9 : i64, tpu.core_type = #tpu.core_type<sc_vector_subcore>, window_params = [{transform_indices = #map}, {transform_indices = #map}, {transform_indices = #map}, {transform_indices = #map}, {transform_indices = #map}, {transform_indices = #map}, {transform_indices = #map}, {transform_indices = #map}]} {
    %mul3A = arith.constant 160 : i32
    %mul3A_0 = arith.muli %arg1, %mul3A : i32
    "tpu.region"() ({
      %run_scoped3A = tpu.sem_alloc : memref<!tpu.dma_semaphore, #tpu.memory_space<semaphore_mem>>
      %dma_start3A_89 = arith.constant 0 : i32
      %dma_start3A_90 = tpu.memref_slice %arg2[%mul3A_0, %dma_start3A_89] : memref<2560x128xi32, #tpu.memory_space<hbm>> -> memref<160x128xi32, #tpu.memory_space<hbm>>
      %dma_start3A_91 = arith.constant 0 : i32
      %dma_start3A_92 = tpu.memref_slice %arg2[%mul3A_0, %dma_start3A_91] : memref<2560x128xi32, #tpu.memory_space<hbm>> -> memref<160x128xi32, #tpu.memory_space<hbm>>
      tpu.enqueue_dma source(%dma_start3A_92 : memref<160x128xi32, #tpu.memory_space<hbm>>) target(%arg10 : memref<160x128xi32, #tpu.memory_space<vmem>>) target_semaphore(%run_scoped3A : memref<!tpu.dma_semaphore, #tpu.memory_space<semaphore_mem>>)
      %dma_wait3A = arith.constant 0 : i32
      %dma_wait3A_93 = tpu.memref_slice %arg2[%mul3A_0, %dma_wait3A] : memref<2560x128xi32, #tpu.memory_space<hbm>> -> memref<160x128xi32, #tpu.memory_space<hbm>>
      %dma_wait3A_94 = arith.constant 0 : i32
      %dma_wait3A_95 = tpu.memref_slice %arg2[%mul3A_0, %dma_wait3A_94] : memref<2560x128xi32, #tpu.memory_space<hbm>> -> memref<160x128xi32, #tpu.memory_space<hbm>>
      tpu.wait_dma2 semaphore(%run_scoped3A : memref<!tpu.dma_semaphore, #tpu.memory_space<semaphore_mem>>) src(%dma_wait3A_95 : memref<160x128xi32, #tpu.memory_space<hbm>>) dst(%arg10 : memref<160x128xi32, #tpu.memory_space<vmem>>)
      tpu.yield
    }) : () -> ()
    %eq3A = arith.constant 0 : i32
    %eq3A_1 = arith.cmpi eq, %arg0, %eq3A : i32
    %convert_element_type3A = arith.extui %eq3A_1 : i1 to i32
    %cond3A = arith.constant 0 : i32
    %cond3A_2 = arith.cmpi ne, %convert_element_type3A, %cond3A : i32
    scf.if %cond3A_2 {
      %mul3A_89 = arith.constant 160 : i32
      %mul3A_90 = arith.muli %arg1, %mul3A_89 : i32
      "tpu.region"() ({
        %run_scoped3A = tpu.sem_alloc : memref<!tpu.dma_semaphore, #tpu.memory_space<semaphore_mem>>
        %dma_start3A_91 = arith.constant 0 : i32
        %dma_start3A_92 = tpu.memref_slice %arg3[%mul3A_90, %dma_start3A_91] : memref<2560x128xi32, #tpu.memory_space<hbm>> -> memref<160x128xi32, #tpu.memory_space<hbm>>
        %dma_start3A_93 = arith.constant 0 : i32
        %dma_start3A_94 = tpu.memref_slice %arg3[%mul3A_90, %dma_start3A_93] : memref<2560x128xi32, #tpu.memory_space<hbm>> -> memref<160x128xi32, #tpu.memory_space<hbm>>
        tpu.enqueue_dma source(%dma_start3A_94 : memref<160x128xi32, #tpu.memory_space<hbm>>) target(%arg11 : memref<160x128xi32, #tpu.memory_space<vmem>>) target_semaphore(%run_scoped3A : memref<!tpu.dma_semaphore, #tpu.memory_space<semaphore_mem>>)
        %dma_wait3A = arith.constant 0 : i32
        %dma_wait3A_95 = tpu.memref_slice %arg3[%mul3A_90, %dma_wait3A] : memref<2560x128xi32, #tpu.memory_space<hbm>> -> memref<160x128xi32, #tpu.memory_space<hbm>>
        %dma_wait3A_96 = arith.constant 0 : i32
        %dma_wait3A_97 = tpu.memref_slice %arg3[%mul3A_90, %dma_wait3A_96] : memref<2560x128xi32, #tpu.memory_space<hbm>> -> memref<160x128xi32, #tpu.memory_space<hbm>>
        tpu.wait_dma2 semaphore(%run_scoped3A : memref<!tpu.dma_semaphore, #tpu.memory_space<semaphore_mem>>) src(%dma_wait3A_97 : memref<160x128xi32, #tpu.memory_space<hbm>>) dst(%arg11 : memref<160x128xi32, #tpu.memory_space<vmem>>)
        tpu.yield
      }) : () -> ()
    } else {
    }
    %eq3A_3 = arith.constant 1 : i32
    %eq3A_4 = arith.cmpi eq, %arg0, %eq3A_3 : i32
    %convert_element_type3A_5 = arith.extui %eq3A_4 : i1 to i32
    %cond3A_6 = arith.constant 0 : i32
    %cond3A_7 = arith.cmpi ne, %convert_element_type3A_5, %cond3A_6 : i32
    scf.if %cond3A_7 {
      %mul3A_89 = arith.constant 160 : i32
      %mul3A_90 = arith.muli %arg1, %mul3A_89 : i32
      "tpu.region"() ({
        %run_scoped3A = tpu.sem_alloc : memref<!tpu.dma_semaphore, #tpu.memory_space<semaphore_mem>>
        %dma_start3A_91 = arith.constant 0 : i32
        %dma_start3A_92 = tpu.memref_slice %arg4[%mul3A_90, %dma_start3A_91] : memref<2560x128xi32, #tpu.memory_space<hbm>> -> memref<160x128xi32, #tpu.memory_space<hbm>>
        %dma_start3A_93 = arith.constant 0 : i32
        %dma_start3A_94 = tpu.memref_slice %arg4[%mul3A_90, %dma_start3A_93] : memref<2560x128xi32, #tpu.memory_space<hbm>> -> memref<160x128xi32, #tpu.memory_space<hbm>>
        tpu.enqueue_dma source(%dma_start3A_94 : memref<160x128xi32, #tpu.memory_space<hbm>>) target(%arg11 : memref<160x128xi32, #tpu.memory_space<vmem>>) target_semaphore(%run_scoped3A : memref<!tpu.dma_semaphore, #tpu.memory_space<semaphore_mem>>)
        %dma_wait3A = arith.constant 0 : i32
        %dma_wait3A_95 = tpu.memref_slice %arg4[%mul3A_90, %dma_wait3A] : memref<2560x128xi32, #tpu.memory_space<hbm>> -> memref<160x128xi32, #tpu.memory_space<hbm>>
        %dma_wait3A_96 = arith.constant 0 : i32
        %dma_wait3A_97 = tpu.memref_slice %arg4[%mul3A_90, %dma_wait3A_96] : memref<2560x128xi32, #tpu.memory_space<hbm>> -> memref<160x128xi32, #tpu.memory_space<hbm>>
        tpu.wait_dma2 semaphore(%run_scoped3A : memref<!tpu.dma_semaphore, #tpu.memory_space<semaphore_mem>>) src(%dma_wait3A_97 : memref<160x128xi32, #tpu.memory_space<hbm>>) dst(%arg11 : memref<160x128xi32, #tpu.memory_space<vmem>>)
        tpu.yield
      }) : () -> ()
    } else {
    }
    %lt3A = arith.constant 15 : i32
    %lt3A_8 = arith.cmpi slt, %arg1, %lt3A : i32
    %convert_element_type3A_9 = arith.extui %lt3A_8 : i1 to i32
    %cond3A_10 = arith.constant 0 : i32
    %cond3A_11 = arith.cmpi ne, %convert_element_type3A_9, %cond3A_10 : i32
    scf.if %cond3A_11 {
      %mul3A_89 = arith.constant 312 : i32
      %mul3A_90 = arith.muli %arg1, %mul3A_89 : i32
      %mul3A_91 = arith.constant 5000 : i32
      %mul3A_92 = arith.muli %arg0, %mul3A_91 : i32
      %add3A = arith.addi %mul3A_92, %mul3A_90 : i32
      "tpu.region"() ({
        %run_scoped3A = tpu.sem_alloc : memref<!tpu.dma_semaphore, #tpu.memory_space<semaphore_mem>>
        %dma_start3A_93 = arith.constant 0 : i32
        %dma_start3A_94 = tpu.memref_slice %arg15[%mul3A_90, %dma_start3A_93] : memref<5072x128xf32, #tpu.memory_space<vmem_shared>> -> memref<312x128xf32, #tpu.memory_space<vmem_shared>>
        %dma_start3A_95 = arith.constant 0 : i32
        %dma_start3A_96 = tpu.memref_slice %arg5[%add3A, %dma_start3A_95] : memref<10000x128xf32, #tpu.memory_space<hbm>> -> memref<312x128xf32, #tpu.memory_space<hbm>>
        tpu.enqueue_dma source(%dma_start3A_96 : memref<312x128xf32, #tpu.memory_space<hbm>>) target(%dma_start3A_94 : memref<312x128xf32, #tpu.memory_space<vmem_shared>>) target_semaphore(%run_scoped3A : memref<!tpu.dma_semaphore, #tpu.memory_space<semaphore_mem>>)
        %dma_wait3A = arith.constant 0 : i32
        %dma_wait3A_97 = tpu.memref_slice %arg15[%mul3A_90, %dma_wait3A] : memref<5072x128xf32, #tpu.memory_space<vmem_shared>> -> memref<312x128xf32, #tpu.memory_space<vmem_shared>>
        %dma_wait3A_98 = arith.constant 0 : i32
        %dma_wait3A_99 = tpu.memref_slice %arg5[%add3A, %dma_wait3A_98] : memref<10000x128xf32, #tpu.memory_space<hbm>> -> memref<312x128xf32, #tpu.memory_space<hbm>>
        tpu.wait_dma2 semaphore(%run_scoped3A : memref<!tpu.dma_semaphore, #tpu.memory_space<semaphore_mem>>) src(%dma_wait3A_99 : memref<312x128xf32, #tpu.memory_space<hbm>>) dst(%dma_wait3A_97 : memref<312x128xf32, #tpu.memory_space<vmem_shared>>)
        tpu.yield
      }) : () -> ()
    } else {
    }
    %eq3A_12 = arith.constant 15 : i32
    %eq3A_13 = arith.cmpi eq, %arg1, %eq3A_12 : i32
    %convert_element_type3A_14 = arith.extui %eq3A_13 : i1 to i32
    %cond3A_15 = arith.constant 0 : i32
    %cond3A_16 = arith.cmpi ne, %convert_element_type3A_14, %cond3A_15 : i32
    scf.if %cond3A_16 {
      %mul3A_89 = arith.constant 5000 : i32
      %mul3A_90 = arith.muli %arg0, %mul3A_89 : i32
      %add3A = arith.constant 4680 : i32
      %add3A_91 = arith.addi %mul3A_90, %add3A : i32
      "tpu.region"() ({
        %run_scoped3A = tpu.sem_alloc : memref<!tpu.dma_semaphore, #tpu.memory_space<semaphore_mem>>
        %dma_start3A_92 = arith.constant 4680 : i32
        %dma_start3A_93 = arith.constant 0 : i32
        %dma_start3A_94 = tpu.memref_slice %arg15[%dma_start3A_92, %dma_start3A_93] : memref<5072x128xf32, #tpu.memory_space<vmem_shared>> -> memref<320x128xf32, #tpu.memory_space<vmem_shared>>
        %dma_start3A_95 = arith.constant 0 : i32
        %dma_start3A_96 = tpu.memref_slice %arg5[%add3A_91, %dma_start3A_95] : memref<10000x128xf32, #tpu.memory_space<hbm>> -> memref<320x128xf32, #tpu.memory_space<hbm>>
        tpu.enqueue_dma source(%dma_start3A_96 : memref<320x128xf32, #tpu.memory_space<hbm>>) target(%dma_start3A_94 : memref<320x128xf32, #tpu.memory_space<vmem_shared>>) target_semaphore(%run_scoped3A : memref<!tpu.dma_semaphore, #tpu.memory_space<semaphore_mem>>)
        %dma_wait3A = arith.constant 4680 : i32
        %dma_wait3A_97 = arith.constant 0 : i32
        %dma_wait3A_98 = tpu.memref_slice %arg15[%dma_wait3A, %dma_wait3A_97] : memref<5072x128xf32, #tpu.memory_space<vmem_shared>> -> memref<320x128xf32, #tpu.memory_space<vmem_shared>>
        %dma_wait3A_99 = arith.constant 0 : i32
        %dma_wait3A_100 = tpu.memref_slice %arg5[%add3A_91, %dma_wait3A_99] : memref<10000x128xf32, #tpu.memory_space<hbm>> -> memref<320x128xf32, #tpu.memory_space<hbm>>
        tpu.wait_dma2 semaphore(%run_scoped3A : memref<!tpu.dma_semaphore, #tpu.memory_space<semaphore_mem>>) src(%dma_wait3A_100 : memref<320x128xf32, #tpu.memory_space<hbm>>) dst(%dma_wait3A_98 : memref<320x128xf32, #tpu.memory_space<vmem_shared>>)
        tpu.yield
      }) : () -> ()
    } else {
    }
    %barrier3A = arith.constant 0 : index
    tpu.barrier barrier_id(%barrier3A)
    %dma_start3A = arith.constant 0 : i32
    %dma_start3A_17 = arith.constant 0 : i32
    %dma_start3A_18 = tpu.memref_slice %arg10[%dma_start3A, %dma_start3A_17] : memref<160x128xi32, #tpu.memory_space<vmem>> -> memref<1x128xi32, #tpu.memory_space<vmem>>
    %dma_start3A_19 = tpu.memref_squeeze %dma_start3A_18 : memref<1x128xi32, #tpu.memory_space<vmem>> -> memref<128xi32, #tpu.memory_space<vmem>>
    %dma_start3A_20 = arith.constant 0 : i32
    %dma_start3A_21 = arith.constant 0 : i32
    %dma_start3A_22 = tpu.memref_slice %arg5[%dma_start3A_20, %dma_start3A_21] : memref<10000x128xf32, #tpu.memory_space<hbm>> -> memref<10000x128xf32, #tpu.memory_space<hbm>>
    tpu.enqueue_indirect_dma source(%dma_start3A_22 : memref<10000x128xf32, #tpu.memory_space<hbm>>) target(%arg12 : memref<128x128xf32, #tpu.memory_space<vmem>>) offsets(%dma_start3A_19 : memref<128xi32, #tpu.memory_space<vmem>>) semaphore(%arg16 : memref<!tpu.dma_semaphore, #tpu.memory_space<semaphore_mem>>)
    %dma_start3A_23 = arith.constant 1 : i32
    %dma_start3A_24 = arith.constant 0 : i32
    %dma_start3A_25 = tpu.memref_slice %arg10[%dma_start3A_23, %dma_start3A_24] : memref<160x128xi32, #tpu.memory_space<vmem>> -> memref<1x128xi32, #tpu.memory_space<vmem>>
    %dma_start3A_26 = tpu.memref_squeeze %dma_start3A_25 : memref<1x128xi32, #tpu.memory_space<vmem>> -> memref<128xi32, #tpu.memory_space<vmem>>
    %dma_start3A_27 = arith.constant 0 : i32
    %dma_start3A_28 = arith.constant 0 : i32
    %dma_start3A_29 = tpu.memref_slice %arg5[%dma_start3A_27, %dma_start3A_28] : memref<10000x128xf32, #tpu.memory_space<hbm>> -> memref<10000x128xf32, #tpu.memory_space<hbm>>
    tpu.enqueue_indirect_dma source(%dma_start3A_29 : memref<10000x128xf32, #tpu.memory_space<hbm>>) target(%arg13 : memref<128x128xf32, #tpu.memory_space<vmem>>) offsets(%dma_start3A_26 : memref<128xi32, #tpu.memory_space<vmem>>) semaphore(%arg17 : memref<!tpu.dma_semaphore, #tpu.memory_space<semaphore_mem>>)
    %scan3A = arith.constant 0 : i32
    %scan3A_30 = arith.constant 0 : i32
    %scan3A_31 = arith.constant 54 : i32
    %scan3A_32 = arith.addi %scan3A_30, %scan3A_31 : i32
    %scan3A_33 = arith.constant 1 : i32
    scf.for %scan3A_89 = %scan3A_30 to %scan3A_32 step %scan3A_33  : i32 {
      %mul3A_90 = arith.constant 3 : i32
      %mul3A_91 = arith.muli %mul3A_90, %scan3A_89 : i32
      %add3A = arith.constant 0 : i32
      %add3A_92 = arith.addi %mul3A_91, %add3A : i32
      %add3A_93 = arith.constant 2 : i32
      %add3A_94 = arith.addi %add3A_92, %add3A_93 : i32
      %lt3A_95 = arith.constant 160 : i32
      %lt3A_96 = arith.cmpi slt, %add3A_94, %lt3A_95 : i32
      %convert_element_type3A_97 = arith.extui %lt3A_96 : i1 to i32
      %cond3A_98 = arith.constant 0 : i32
      %cond3A_99 = arith.cmpi ne, %convert_element_type3A_97, %cond3A_98 : i32
      scf.if %cond3A_99 {
        %add3A_133 = arith.constant 2 : i32
        %add3A_134 = arith.addi %add3A_92, %add3A_133 : i32
        %dma_start3A_135 = arith.constant 0 : i32
        %dma_start3A_136 = tpu.memref_slice %arg10[%add3A_134, %dma_start3A_135] : memref<160x128xi32, #tpu.memory_space<vmem>> -> memref<1x128xi32, #tpu.memory_space<vmem>>
        %dma_start3A_137 = tpu.memref_squeeze %dma_start3A_136 : memref<1x128xi32, #tpu.memory_space<vmem>> -> memref<128xi32, #tpu.memory_space<vmem>>
        %dma_start3A_138 = arith.constant 0 : i32
        %dma_start3A_139 = arith.constant 0 : i32
        %dma_start3A_140 = tpu.memref_slice %arg5[%dma_start3A_138, %dma_start3A_139] : memref<10000x128xf32, #tpu.memory_space<hbm>> -> memref<10000x128xf32, #tpu.memory_space<hbm>>
        tpu.enqueue_indirect_dma source(%dma_start3A_140 : memref<10000x128xf32, #tpu.memory_space<hbm>>) target(%arg14 : memref<128x128xf32, #tpu.memory_space<vmem>>) offsets(%dma_start3A_137 : memref<128xi32, #tpu.memory_space<vmem>>) semaphore(%arg18 : memref<!tpu.dma_semaphore, #tpu.memory_space<semaphore_mem>>)
      } else {
      }
      %lt3A_100 = arith.constant 160 : i32
      %lt3A_101 = arith.cmpi slt, %add3A_92, %lt3A_100 : i32
      %convert_element_type3A_102 = arith.extui %lt3A_101 : i1 to i32
      %cond3A_103 = arith.constant 0 : i32
      %cond3A_104 = arith.cmpi ne, %convert_element_type3A_102, %cond3A_103 : i32
      scf.if %cond3A_104 {
        tpu.wait_dma2 semaphore(%arg16 : memref<!tpu.dma_semaphore, #tpu.memory_space<semaphore_mem>>) src(%arg7 : memref<128x128xf32, #tpu.memory_space<hbm>>) dst(%arg12 : memref<128x128xf32, #tpu.memory_space<vmem>>)
        "tpu.region"() ({
          %run_scoped3A = tpu.sem_alloc : memref<!tpu.dma_semaphore, #tpu.memory_space<semaphore_mem>>
          %dma_start3A_133 = arith.constant 0 : i32
          %dma_start3A_134 = tpu.memref_slice %arg11[%add3A_92, %dma_start3A_133] : memref<160x128xi32, #tpu.memory_space<vmem>> -> memref<1x128xi32, #tpu.memory_space<vmem>>
          %dma_start3A_135 = tpu.memref_squeeze %dma_start3A_134 : memref<1x128xi32, #tpu.memory_space<vmem>> -> memref<128xi32, #tpu.memory_space<vmem>>
          %dma_start3A_136 = arith.constant 0 : i32
          %dma_start3A_137 = arith.constant 0 : i32
          %dma_start3A_138 = tpu.memref_slice %arg15[%dma_start3A_136, %dma_start3A_137] : memref<5072x128xf32, #tpu.memory_space<vmem_shared>> -> memref<5072x128xf32, #tpu.memory_space<vmem_shared>>
          tpu.enqueue_indirect_dma source(%arg12 : memref<128x128xf32, #tpu.memory_space<vmem>>) target(%dma_start3A_138 : memref<5072x128xf32, #tpu.memory_space<vmem_shared>>) offsets(%dma_start3A_135 : memref<128xi32, #tpu.memory_space<vmem>>) semaphore(%run_scoped3A : memref<!tpu.dma_semaphore, #tpu.memory_space<semaphore_mem>>) {add = true}
          %dma_wait3A = arith.constant 0 : i32
          %dma_wait3A_139 = tpu.memref_slice %arg11[%add3A_92, %dma_wait3A] : memref<160x128xi32, #tpu.memory_space<vmem>> -> memref<1x128xi32, #tpu.memory_space<vmem>>
          %dma_wait3A_140 = tpu.memref_squeeze %dma_wait3A_139 : memref<1x128xi32, #tpu.memory_space<vmem>> -> memref<128xi32, #tpu.memory_space<vmem>>
          %dma_wait3A_141 = arith.constant 0 : i32
          %dma_wait3A_142 = arith.constant 0 : i32
          %dma_wait3A_143 = tpu.memref_slice %arg15[%dma_wait3A_141, %dma_wait3A_142] : memref<5072x128xf32, #tpu.memory_space<vmem_shared>> -> memref<5072x128xf32, #tpu.memory_space<vmem_shared>>
          tpu.wait_indirect_dma semaphore(%run_scoped3A : memref<!tpu.dma_semaphore, #tpu.memory_space<semaphore_mem>>) src(%arg12 : memref<128x128xf32, #tpu.memory_space<vmem>>) dst(%dma_wait3A_143 : memref<5072x128xf32, #tpu.memory_space<vmem_shared>>)
          tpu.yield
        }) : () -> ()
      } else {
      }
      %add3A_105 = arith.constant 1 : i32
      %add3A_106 = arith.addi %mul3A_91, %add3A_105 : i32
      %add3A_107 = arith.constant 2 : i32
      %add3A_108 = arith.addi %add3A_106, %add3A_107 : i32
      %lt3A_109 = arith.constant 160 : i32
      %lt3A_110 = arith.cmpi slt, %add3A_108, %lt3A_109 : i32
      %convert_element_type3A_111 = arith.extui %lt3A_110 : i1 to i32
      %cond3A_112 = arith.constant 0 : i32
      %cond3A_113 = arith.cmpi ne, %convert_element_type3A_111, %cond3A_112 : i32
      scf.if %cond3A_113 {
        %add3A_133 = arith.constant 2 : i32
        %add3A_134 = arith.addi %add3A_106, %add3A_133 : i32
        %dma_start3A_135 = arith.constant 0 : i32
        %dma_start3A_136 = tpu.memref_slice %arg10[%add3A_134, %dma_start3A_135] : memref<160x128xi32, #tpu.memory_space<vmem>> -> memref<1x128xi32, #tpu.memory_space<vmem>>
        %dma_start3A_137 = tpu.memref_squeeze %dma_start3A_136 : memref<1x128xi32, #tpu.memory_space<vmem>> -> memref<128xi32, #tpu.memory_space<vmem>>
        %dma_start3A_138 = arith.constant 0 : i32
        %dma_start3A_139 = arith.constant 0 : i32
        %dma_start3A_140 = tpu.memref_slice %arg5[%dma_start3A_138, %dma_start3A_139] : memref<10000x128xf32, #tpu.memory_space<hbm>> -> memref<10000x128xf32, #tpu.memory_space<hbm>>
        tpu.enqueue_indirect_dma source(%dma_start3A_140 : memref<10000x128xf32, #tpu.memory_space<hbm>>) target(%arg12 : memref<128x128xf32, #tpu.memory_space<vmem>>) offsets(%dma_start3A_137 : memref<128xi32, #tpu.memory_space<vmem>>) semaphore(%arg16 : memref<!tpu.dma_semaphore, #tpu.memory_space<semaphore_mem>>)
      } else {
      }
      %lt3A_114 = arith.constant 160 : i32
      %lt3A_115 = arith.cmpi slt, %add3A_106, %lt3A_114 : i32
      %convert_element_type3A_116 = arith.extui %lt3A_115 : i1 to i32
      %cond3A_117 = arith.constant 0 : i32
      %cond3A_118 = arith.cmpi ne, %convert_element_type3A_116, %cond3A_117 : i32
      scf.if %cond3A_118 {
        tpu.wait_dma2 semaphore(%arg17 : memref<!tpu.dma_semaphore, #tpu.memory_space<semaphore_mem>>) src(%arg7 : memref<128x128xf32, #tpu.memory_space<hbm>>) dst(%arg13 : memref<128x128xf32, #tpu.memory_space<vmem>>)
        "tpu.region"() ({
          %run_scoped3A = tpu.sem_alloc : memref<!tpu.dma_semaphore, #tpu.memory_space<semaphore_mem>>
          %dma_start3A_133 = arith.constant 0 : i32
          %dma_start3A_134 = tpu.memref_slice %arg11[%add3A_106, %dma_start3A_133] : memref<160x128xi32, #tpu.memory_space<vmem>> -> memref<1x128xi32, #tpu.memory_space<vmem>>
          %dma_start3A_135 = tpu.memref_squeeze %dma_start3A_134 : memref<1x128xi32, #tpu.memory_space<vmem>> -> memref<128xi32, #tpu.memory_space<vmem>>
          %dma_start3A_136 = arith.constant 0 : i32
          %dma_start3A_137 = arith.constant 0 : i32
          %dma_start3A_138 = tpu.memref_slice %arg15[%dma_start3A_136, %dma_start3A_137] : memref<5072x128xf32, #tpu.memory_space<vmem_shared>> -> memref<5072x128xf32, #tpu.memory_space<vmem_shared>>
          tpu.enqueue_indirect_dma source(%arg13 : memref<128x128xf32, #tpu.memory_space<vmem>>) target(%dma_start3A_138 : memref<5072x128xf32, #tpu.memory_space<vmem_shared>>) offsets(%dma_start3A_135 : memref<128xi32, #tpu.memory_space<vmem>>) semaphore(%run_scoped3A : memref<!tpu.dma_semaphore, #tpu.memory_space<semaphore_mem>>) {add = true}
          %dma_wait3A = arith.constant 0 : i32
          %dma_wait3A_139 = tpu.memref_slice %arg11[%add3A_106, %dma_wait3A] : memref<160x128xi32, #tpu.memory_space<vmem>> -> memref<1x128xi32, #tpu.memory_space<vmem>>
          %dma_wait3A_140 = tpu.memref_squeeze %dma_wait3A_139 : memref<1x128xi32, #tpu.memory_space<vmem>> -> memref<128xi32, #tpu.memory_space<vmem>>
          %dma_wait3A_141 = arith.constant 0 : i32
          %dma_wait3A_142 = arith.constant 0 : i32
          %dma_wait3A_143 = tpu.memref_slice %arg15[%dma_wait3A_141, %dma_wait3A_142] : memref<5072x128xf32, #tpu.memory_space<vmem_shared>> -> memref<5072x128xf32, #tpu.memory_space<vmem_shared>>
          tpu.wait_indirect_dma semaphore(%run_scoped3A : memref<!tpu.dma_semaphore, #tpu.memory_space<semaphore_mem>>) src(%arg13 : memref<128x128xf32, #tpu.memory_space<vmem>>) dst(%dma_wait3A_143 : memref<5072x128xf32, #tpu.memory_space<vmem_shared>>)
          tpu.yield
        }) : () -> ()
      } else {
      }
      %add3A_119 = arith.constant 2 : i32
      %add3A_120 = arith.addi %mul3A_91, %add3A_119 : i32
      %add3A_121 = arith.constant 2 : i32
      %add3A_122 = arith.addi %add3A_120, %add3A_121 : i32
      %lt3A_123 = arith.constant 160 : i32
      %lt3A_124 = arith.cmpi slt, %add3A_122, %lt3A_123 : i32
      %convert_element_type3A_125 = arith.extui %lt3A_124 : i1 to i32
      %cond3A_126 = arith.constant 0 : i32
      %cond3A_127 = arith.cmpi ne, %convert_element_type3A_125, %cond3A_126 : i32
      scf.if %cond3A_127 {
        %add3A_133 = arith.constant 2 : i32
        %add3A_134 = arith.addi %add3A_120, %add3A_133 : i32
        %dma_start3A_135 = arith.constant 0 : i32
        %dma_start3A_136 = tpu.memref_slice %arg10[%add3A_134, %dma_start3A_135] : memref<160x128xi32, #tpu.memory_space<vmem>> -> memref<1x128xi32, #tpu.memory_space<vmem>>
        %dma_start3A_137 = tpu.memref_squeeze %dma_start3A_136 : memref<1x128xi32, #tpu.memory_space<vmem>> -> memref<128xi32, #tpu.memory_space<vmem>>
        %dma_start3A_138 = arith.constant 0 : i32
        %dma_start3A_139 = arith.constant 0 : i32
        %dma_start3A_140 = tpu.memref_slice %arg5[%dma_start3A_138, %dma_start3A_139] : memref<10000x128xf32, #tpu.memory_space<hbm>> -> memref<10000x128xf32, #tpu.memory_space<hbm>>
        tpu.enqueue_indirect_dma source(%dma_start3A_140 : memref<10000x128xf32, #tpu.memory_space<hbm>>) target(%arg13 : memref<128x128xf32, #tpu.memory_space<vmem>>) offsets(%dma_start3A_137 : memref<128xi32, #tpu.memory_space<vmem>>) semaphore(%arg17 : memref<!tpu.dma_semaphore, #tpu.memory_space<semaphore_mem>>)
      } else {
      }
      %lt3A_128 = arith.constant 160 : i32
      %lt3A_129 = arith.cmpi slt, %add3A_120, %lt3A_128 : i32
      %convert_element_type3A_130 = arith.extui %lt3A_129 : i1 to i32
      %cond3A_131 = arith.constant 0 : i32
      %cond3A_132 = arith.cmpi ne, %convert_element_type3A_130, %cond3A_131 : i32
      scf.if %cond3A_132 {
        tpu.wait_dma2 semaphore(%arg18 : memref<!tpu.dma_semaphore, #tpu.memory_space<semaphore_mem>>) src(%arg7 : memref<128x128xf32, #tpu.memory_space<hbm>>) dst(%arg14 : memref<128x128xf32, #tpu.memory_space<vmem>>)
        "tpu.region"() ({
          %run_scoped3A = tpu.sem_alloc : memref<!tpu.dma_semaphore, #tpu.memory_space<semaphore_mem>>
          %dma_start3A_133 = arith.constant 0 : i32
          %dma_start3A_134 = tpu.memref_slice %arg11[%add3A_120, %dma_start3A_133] : memref<160x128xi32, #tpu.memory_space<vmem>> -> memref<1x128xi32, #tpu.memory_space<vmem>>
          %dma_start3A_135 = tpu.memref_squeeze %dma_start3A_134 : memref<1x128xi32, #tpu.memory_space<vmem>> -> memref<128xi32, #tpu.memory_space<vmem>>
          %dma_start3A_136 = arith.constant 0 : i32
          %dma_start3A_137 = arith.constant 0 : i32
          %dma_start3A_138 = tpu.memref_slice %arg15[%dma_start3A_136, %dma_start3A_137] : memref<5072x128xf32, #tpu.memory_space<vmem_shared>> -> memref<5072x128xf32, #tpu.memory_space<vmem_shared>>
          tpu.enqueue_indirect_dma source(%arg14 : memref<128x128xf32, #tpu.memory_space<vmem>>) target(%dma_start3A_138 : memref<5072x128xf32, #tpu.memory_space<vmem_shared>>) offsets(%dma_start3A_135 : memref<128xi32, #tpu.memory_space<vmem>>) semaphore(%run_scoped3A : memref<!tpu.dma_semaphore, #tpu.memory_space<semaphore_mem>>) {add = true}
          %dma_wait3A = arith.constant 0 : i32
          %dma_wait3A_139 = tpu.memref_slice %arg11[%add3A_120, %dma_wait3A] : memref<160x128xi32, #tpu.memory_space<vmem>> -> memref<1x128xi32, #tpu.memory_space<vmem>>
          %dma_wait3A_140 = tpu.memref_squeeze %dma_wait3A_139 : memref<1x128xi32, #tpu.memory_space<vmem>> -> memref<128xi32, #tpu.memory_space<vmem>>
          %dma_wait3A_141 = arith.constant 0 : i32
          %dma_wait3A_142 = arith.constant 0 : i32
          %dma_wait3A_143 = tpu.memref_slice %arg15[%dma_wait3A_141, %dma_wait3A_142] : memref<5072x128xf32, #tpu.memory_space<vmem_shared>> -> memref<5072x128xf32, #tpu.memory_space<vmem_shared>>
          tpu.wait_indirect_dma semaphore(%run_scoped3A : memref<!tpu.dma_semaphore, #tpu.memory_space<semaphore_mem>>) src(%arg14 : memref<128x128xf32, #tpu.memory_space<vmem>>) dst(%dma_wait3A_143 : memref<5072x128xf32, #tpu.memory_space<vmem_shared>>)
          tpu.yield
        }) : () -> ()
      } else {
      }
    }
    %scan3A_34 = arith.constant 54 : i32
    %barrier3A_35 = arith.constant 0 : index
    tpu.barrier barrier_id(%barrier3A_35)
    %lt3A_36 = arith.constant 15 : i32
    %lt3A_37 = arith.cmpi slt, %arg1, %lt3A_36 : i32
    %convert_element_type3A_38 = arith.extui %lt3A_37 : i1 to i32
    %cond3A_39 = arith.constant 0 : i32
    %cond3A_40 = arith.cmpi ne, %convert_element_type3A_38, %cond3A_39 : i32
    scf.if %cond3A_40 {
      %mul3A_89 = arith.constant 312 : i32
      %mul3A_90 = arith.muli %arg1, %mul3A_89 : i32
      %mul3A_91 = arith.constant 5000 : i32
      %mul3A_92 = arith.muli %arg0, %mul3A_91 : i32
      %add3A = arith.addi %mul3A_92, %mul3A_90 : i32
      "tpu.region"() ({
        %run_scoped3A = tpu.sem_alloc : memref<!tpu.dma_semaphore, #tpu.memory_space<semaphore_mem>>
        %dma_start3A_93 = arith.constant 0 : i32
        %dma_start3A_94 = tpu.memref_slice %arg8[%add3A, %dma_start3A_93] : memref<10000x128xf32, #tpu.memory_space<hbm>> -> memref<312x128xf32, #tpu.memory_space<hbm>>
        %dma_start3A_95 = arith.constant 0 : i32
        %dma_start3A_96 = tpu.memref_slice %arg15[%mul3A_90, %dma_start3A_95] : memref<5072x128xf32, #tpu.memory_space<vmem_shared>> -> memref<312x128xf32, #tpu.memory_space<vmem_shared>>
        tpu.enqueue_dma source(%dma_start3A_96 : memref<312x128xf32, #tpu.memory_space<vmem_shared>>) target(%dma_start3A_94 : memref<312x128xf32, #tpu.memory_space<hbm>>) target_semaphore(%run_scoped3A : memref<!tpu.dma_semaphore, #tpu.memory_space<semaphore_mem>>)
        %dma_wait3A = arith.constant 0 : i32
        %dma_wait3A_97 = tpu.memref_slice %arg8[%add3A, %dma_wait3A] : memref<10000x128xf32, #tpu.memory_space<hbm>> -> memref<312x128xf32, #tpu.memory_space<hbm>>
        %dma_wait3A_98 = arith.constant 0 : i32
        %dma_wait3A_99 = tpu.memref_slice %arg15[%mul3A_90, %dma_wait3A_98] : memref<5072x128xf32, #tpu.memory_space<vmem_shared>> -> memref<312x128xf32, #tpu.memory_space<vmem_shared>>
        tpu.wait_dma2 semaphore(%run_scoped3A : memref<!tpu.dma_semaphore, #tpu.memory_space<semaphore_mem>>) src(%dma_wait3A_99 : memref<312x128xf32, #tpu.memory_space<vmem_shared>>) dst(%dma_wait3A_97 : memref<312x128xf32, #tpu.memory_space<hbm>>)
        tpu.yield
      }) : () -> ()
    } else {
    }
    %eq3A_41 = arith.constant 15 : i32
    %eq3A_42 = arith.cmpi eq, %arg1, %eq3A_41 : i32
    %convert_element_type3A_43 = arith.extui %eq3A_42 : i1 to i32
    %cond3A_44 = arith.constant 0 : i32
    %cond3A_45 = arith.cmpi ne, %convert_element_type3A_43, %cond3A_44 : i32
    scf.if %cond3A_45 {
      %mul3A_89 = arith.constant 5000 : i32
      %mul3A_90 = arith.muli %arg0, %mul3A_89 : i32
      %add3A = arith.constant 4680 : i32
      %add3A_91 = arith.addi %mul3A_90, %add3A : i32
      "tpu.region"() ({
        %run_scoped3A = tpu.sem_alloc : memref<!tpu.dma_semaphore, #tpu.memory_space<semaphore_mem>>
        %dma_start3A_92 = arith.constant 0 : i32
        %dma_start3A_93 = tpu.memref_slice %arg8[%add3A_91, %dma_start3A_92] : memref<10000x128xf32, #tpu.memory_space<hbm>> -> memref<320x128xf32, #tpu.memory_space<hbm>>
        %dma_start3A_94 = arith.constant 4680 : i32
        %dma_start3A_95 = arith.constant 0 : i32
        %dma_start3A_96 = tpu.memref_slice %arg15[%dma_start3A_94, %dma_start3A_95] : memref<5072x128xf32, #tpu.memory_space<vmem_shared>> -> memref<320x128xf32, #tpu.memory_space<vmem_shared>>
        tpu.enqueue_dma source(%dma_start3A_96 : memref<320x128xf32, #tpu.memory_space<vmem_shared>>) target(%dma_start3A_93 : memref<320x128xf32, #tpu.memory_space<hbm>>) target_semaphore(%run_scoped3A : memref<!tpu.dma_semaphore, #tpu.memory_space<semaphore_mem>>)
        %dma_wait3A = arith.constant 0 : i32
        %dma_wait3A_97 = tpu.memref_slice %arg8[%add3A_91, %dma_wait3A] : memref<10000x128xf32, #tpu.memory_space<hbm>> -> memref<320x128xf32, #tpu.memory_space<hbm>>
        %dma_wait3A_98 = arith.constant 4680 : i32
        %dma_wait3A_99 = arith.constant 0 : i32
        %dma_wait3A_100 = tpu.memref_slice %arg15[%dma_wait3A_98, %dma_wait3A_99] : memref<5072x128xf32, #tpu.memory_space<vmem_shared>> -> memref<320x128xf32, #tpu.memory_space<vmem_shared>>
        tpu.wait_dma2 semaphore(%run_scoped3A : memref<!tpu.dma_semaphore, #tpu.memory_space<semaphore_mem>>) src(%dma_wait3A_100 : memref<320x128xf32, #tpu.memory_space<vmem_shared>>) dst(%dma_wait3A_97 : memref<320x128xf32, #tpu.memory_space<hbm>>)
        tpu.yield
      }) : () -> ()
    } else {
    }
    %barrier3A_46 = arith.constant 0 : index
    tpu.barrier barrier_id(%barrier3A_46)
    %lt3A_47 = arith.constant 15 : i32
    %lt3A_48 = arith.cmpi slt, %arg1, %lt3A_47 : i32
    %convert_element_type3A_49 = arith.extui %lt3A_48 : i1 to i32
    %cond3A_50 = arith.constant 0 : i32
    %cond3A_51 = arith.cmpi ne, %convert_element_type3A_49, %cond3A_50 : i32
    scf.if %cond3A_51 {
      %mul3A_89 = arith.constant 312 : i32
      %mul3A_90 = arith.muli %arg1, %mul3A_89 : i32
      %mul3A_91 = arith.constant 5000 : i32
      %mul3A_92 = arith.muli %arg0, %mul3A_91 : i32
      %add3A = arith.addi %mul3A_92, %mul3A_90 : i32
      "tpu.region"() ({
        %run_scoped3A = tpu.sem_alloc : memref<!tpu.dma_semaphore, #tpu.memory_space<semaphore_mem>>
        %dma_start3A_93 = arith.constant 0 : i32
        %dma_start3A_94 = tpu.memref_slice %arg15[%mul3A_90, %dma_start3A_93] : memref<5072x128xf32, #tpu.memory_space<vmem_shared>> -> memref<312x128xf32, #tpu.memory_space<vmem_shared>>
        %dma_start3A_95 = arith.constant 0 : i32
        %dma_start3A_96 = tpu.memref_slice %arg6[%add3A, %dma_start3A_95] : memref<10000x128xf32, #tpu.memory_space<hbm>> -> memref<312x128xf32, #tpu.memory_space<hbm>>
        tpu.enqueue_dma source(%dma_start3A_96 : memref<312x128xf32, #tpu.memory_space<hbm>>) target(%dma_start3A_94 : memref<312x128xf32, #tpu.memory_space<vmem_shared>>) target_semaphore(%run_scoped3A : memref<!tpu.dma_semaphore, #tpu.memory_space<semaphore_mem>>)
        %dma_wait3A = arith.constant 0 : i32
        %dma_wait3A_97 = tpu.memref_slice %arg15[%mul3A_90, %dma_wait3A] : memref<5072x128xf32, #tpu.memory_space<vmem_shared>> -> memref<312x128xf32, #tpu.memory_space<vmem_shared>>
        %dma_wait3A_98 = arith.constant 0 : i32
        %dma_wait3A_99 = tpu.memref_slice %arg6[%add3A, %dma_wait3A_98] : memref<10000x128xf32, #tpu.memory_space<hbm>> -> memref<312x128xf32, #tpu.memory_space<hbm>>
        tpu.wait_dma2 semaphore(%run_scoped3A : memref<!tpu.dma_semaphore, #tpu.memory_space<semaphore_mem>>) src(%dma_wait3A_99 : memref<312x128xf32, #tpu.memory_space<hbm>>) dst(%dma_wait3A_97 : memref<312x128xf32, #tpu.memory_space<vmem_shared>>)
        tpu.yield
      }) : () -> ()
    } else {
    }
    %eq3A_52 = arith.constant 15 : i32
    %eq3A_53 = arith.cmpi eq, %arg1, %eq3A_52 : i32
    %convert_element_type3A_54 = arith.extui %eq3A_53 : i1 to i32
    %cond3A_55 = arith.constant 0 : i32
    %cond3A_56 = arith.cmpi ne, %convert_element_type3A_54, %cond3A_55 : i32
    scf.if %cond3A_56 {
      %mul3A_89 = arith.constant 5000 : i32
      %mul3A_90 = arith.muli %arg0, %mul3A_89 : i32
      %add3A = arith.constant 4680 : i32
      %add3A_91 = arith.addi %mul3A_90, %add3A : i32
      "tpu.region"() ({
        %run_scoped3A = tpu.sem_alloc : memref<!tpu.dma_semaphore, #tpu.memory_space<semaphore_mem>>
        %dma_start3A_92 = arith.constant 4680 : i32
        %dma_start3A_93 = arith.constant 0 : i32
        %dma_start3A_94 = tpu.memref_slice %arg15[%dma_start3A_92, %dma_start3A_93] : memref<5072x128xf32, #tpu.memory_space<vmem_shared>> -> memref<320x128xf32, #tpu.memory_space<vmem_shared>>
        %dma_start3A_95 = arith.constant 0 : i32
        %dma_start3A_96 = tpu.memref_slice %arg6[%add3A_91, %dma_start3A_95] : memref<10000x128xf32, #tpu.memory_space<hbm>> -> memref<320x128xf32, #tpu.memory_space<hbm>>
        tpu.enqueue_dma source(%dma_start3A_96 : memref<320x128xf32, #tpu.memory_space<hbm>>) target(%dma_start3A_94 : memref<320x128xf32, #tpu.memory_space<vmem_shared>>) target_semaphore(%run_scoped3A : memref<!tpu.dma_semaphore, #tpu.memory_space<semaphore_mem>>)
        %dma_wait3A = arith.constant 4680 : i32
        %dma_wait3A_97 = arith.constant 0 : i32
        %dma_wait3A_98 = tpu.memref_slice %arg15[%dma_wait3A, %dma_wait3A_97] : memref<5072x128xf32, #tpu.memory_space<vmem_shared>> -> memref<320x128xf32, #tpu.memory_space<vmem_shared>>
        %dma_wait3A_99 = arith.constant 0 : i32
        %dma_wait3A_100 = tpu.memref_slice %arg6[%add3A_91, %dma_wait3A_99] : memref<10000x128xf32, #tpu.memory_space<hbm>> -> memref<320x128xf32, #tpu.memory_space<hbm>>
        tpu.wait_dma2 semaphore(%run_scoped3A : memref<!tpu.dma_semaphore, #tpu.memory_space<semaphore_mem>>) src(%dma_wait3A_100 : memref<320x128xf32, #tpu.memory_space<hbm>>) dst(%dma_wait3A_98 : memref<320x128xf32, #tpu.memory_space<vmem_shared>>)
        tpu.yield
      }) : () -> ()
    } else {
    }
    %barrier3A_57 = arith.constant 0 : index
    tpu.barrier barrier_id(%barrier3A_57)
    %dma_start3A_58 = arith.constant 0 : i32
    %dma_start3A_59 = arith.constant 0 : i32
    %dma_start3A_60 = tpu.memref_slice %arg10[%dma_start3A_58, %dma_start3A_59] : memref<160x128xi32, #tpu.memory_space<vmem>> -> memref<1x128xi32, #tpu.memory_space<vmem>>
    %dma_start3A_61 = tpu.memref_squeeze %dma_start3A_60 : memref<1x128xi32, #tpu.memory_space<vmem>> -> memref<128xi32, #tpu.memory_space<vmem>>
    %dma_start3A_62 = arith.constant 0 : i32
    %dma_start3A_63 = arith.constant 0 : i32
    %dma_start3A_64 = tpu.memref_slice %arg6[%dma_start3A_62, %dma_start3A_63] : memref<10000x128xf32, #tpu.memory_space<hbm>> -> memref<10000x128xf32, #tpu.memory_space<hbm>>
    tpu.enqueue_indirect_dma source(%dma_start3A_64 : memref<10000x128xf32, #tpu.memory_space<hbm>>) target(%arg12 : memref<128x128xf32, #tpu.memory_space<vmem>>) offsets(%dma_start3A_61 : memref<128xi32, #tpu.memory_space<vmem>>) semaphore(%arg16 : memref<!tpu.dma_semaphore, #tpu.memory_space<semaphore_mem>>)
    %dma_start3A_65 = arith.constant 1 : i32
    %dma_start3A_66 = arith.constant 0 : i32
    %dma_start3A_67 = tpu.memref_slice %arg10[%dma_start3A_65, %dma_start3A_66] : memref<160x128xi32, #tpu.memory_space<vmem>> -> memref<1x128xi32, #tpu.memory_space<vmem>>
    %dma_start3A_68 = tpu.memref_squeeze %dma_start3A_67 : memref<1x128xi32, #tpu.memory_space<vmem>> -> memref<128xi32, #tpu.memory_space<vmem>>
    %dma_start3A_69 = arith.constant 0 : i32
    %dma_start3A_70 = arith.constant 0 : i32
    %dma_start3A_71 = tpu.memref_slice %arg6[%dma_start3A_69, %dma_start3A_70] : memref<10000x128xf32, #tpu.memory_space<hbm>> -> memref<10000x128xf32, #tpu.memory_space<hbm>>
    tpu.enqueue_indirect_dma source(%dma_start3A_71 : memref<10000x128xf32, #tpu.memory_space<hbm>>) target(%arg13 : memref<128x128xf32, #tpu.memory_space<vmem>>) offsets(%dma_start3A_68 : memref<128xi32, #tpu.memory_space<vmem>>) semaphore(%arg17 : memref<!tpu.dma_semaphore, #tpu.memory_space<semaphore_mem>>)
    %scan3A_72 = arith.constant 0 : i32
    %scan3A_73 = arith.constant 0 : i32
    %scan3A_74 = arith.constant 54 : i32
    %scan3A_75 = arith.addi %scan3A_73, %scan3A_74 : i32
    %scan3A_76 = arith.constant 1 : i32
    scf.for %scan3A_89 = %scan3A_73 to %scan3A_75 step %scan3A_76  : i32 {
      %mul3A_90 = arith.constant 3 : i32
      %mul3A_91 = arith.muli %mul3A_90, %scan3A_89 : i32
      %add3A = arith.constant 0 : i32
      %add3A_92 = arith.addi %mul3A_91, %add3A : i32
      %add3A_93 = arith.constant 2 : i32
      %add3A_94 = arith.addi %add3A_92, %add3A_93 : i32
      %lt3A_95 = arith.constant 160 : i32
      %lt3A_96 = arith.cmpi slt, %add3A_94, %lt3A_95 : i32
      %convert_element_type3A_97 = arith.extui %lt3A_96 : i1 to i32
      %cond3A_98 = arith.constant 0 : i32
      %cond3A_99 = arith.cmpi ne, %convert_element_type3A_97, %cond3A_98 : i32
      scf.if %cond3A_99 {
        %add3A_133 = arith.constant 2 : i32
        %add3A_134 = arith.addi %add3A_92, %add3A_133 : i32
        %dma_start3A_135 = arith.constant 0 : i32
        %dma_start3A_136 = tpu.memref_slice %arg10[%add3A_134, %dma_start3A_135] : memref<160x128xi32, #tpu.memory_space<vmem>> -> memref<1x128xi32, #tpu.memory_space<vmem>>
        %dma_start3A_137 = tpu.memref_squeeze %dma_start3A_136 : memref<1x128xi32, #tpu.memory_space<vmem>> -> memref<128xi32, #tpu.memory_space<vmem>>
        %dma_start3A_138 = arith.constant 0 : i32
        %dma_start3A_139 = arith.constant 0 : i32
        %dma_start3A_140 = tpu.memref_slice %arg6[%dma_start3A_138, %dma_start3A_139] : memref<10000x128xf32, #tpu.memory_space<hbm>> -> memref<10000x128xf32, #tpu.memory_space<hbm>>
        tpu.enqueue_indirect_dma source(%dma_start3A_140 : memref<10000x128xf32, #tpu.memory_space<hbm>>) target(%arg14 : memref<128x128xf32, #tpu.memory_space<vmem>>) offsets(%dma_start3A_137 : memref<128xi32, #tpu.memory_space<vmem>>) semaphore(%arg18 : memref<!tpu.dma_semaphore, #tpu.memory_space<semaphore_mem>>)
      } else {
      }
      %lt3A_100 = arith.constant 160 : i32
      %lt3A_101 = arith.cmpi slt, %add3A_92, %lt3A_100 : i32
      %convert_element_type3A_102 = arith.extui %lt3A_101 : i1 to i32
      %cond3A_103 = arith.constant 0 : i32
      %cond3A_104 = arith.cmpi ne, %convert_element_type3A_102, %cond3A_103 : i32
      scf.if %cond3A_104 {
        tpu.wait_dma2 semaphore(%arg16 : memref<!tpu.dma_semaphore, #tpu.memory_space<semaphore_mem>>) src(%arg7 : memref<128x128xf32, #tpu.memory_space<hbm>>) dst(%arg12 : memref<128x128xf32, #tpu.memory_space<vmem>>)
        "tpu.region"() ({
          %run_scoped3A = tpu.sem_alloc : memref<!tpu.dma_semaphore, #tpu.memory_space<semaphore_mem>>
          %dma_start3A_133 = arith.constant 0 : i32
          %dma_start3A_134 = tpu.memref_slice %arg11[%add3A_92, %dma_start3A_133] : memref<160x128xi32, #tpu.memory_space<vmem>> -> memref<1x128xi32, #tpu.memory_space<vmem>>
          %dma_start3A_135 = tpu.memref_squeeze %dma_start3A_134 : memref<1x128xi32, #tpu.memory_space<vmem>> -> memref<128xi32, #tpu.memory_space<vmem>>
          %dma_start3A_136 = arith.constant 0 : i32
          %dma_start3A_137 = arith.constant 0 : i32
          %dma_start3A_138 = tpu.memref_slice %arg15[%dma_start3A_136, %dma_start3A_137] : memref<5072x128xf32, #tpu.memory_space<vmem_shared>> -> memref<5072x128xf32, #tpu.memory_space<vmem_shared>>
          tpu.enqueue_indirect_dma source(%arg12 : memref<128x128xf32, #tpu.memory_space<vmem>>) target(%dma_start3A_138 : memref<5072x128xf32, #tpu.memory_space<vmem_shared>>) offsets(%dma_start3A_135 : memref<128xi32, #tpu.memory_space<vmem>>) semaphore(%run_scoped3A : memref<!tpu.dma_semaphore, #tpu.memory_space<semaphore_mem>>) {add = true}
          %dma_wait3A = arith.constant 0 : i32
          %dma_wait3A_139 = tpu.memref_slice %arg11[%add3A_92, %dma_wait3A] : memref<160x128xi32, #tpu.memory_space<vmem>> -> memref<1x128xi32, #tpu.memory_space<vmem>>
          %dma_wait3A_140 = tpu.memref_squeeze %dma_wait3A_139 : memref<1x128xi32, #tpu.memory_space<vmem>> -> memref<128xi32, #tpu.memory_space<vmem>>
          %dma_wait3A_141 = arith.constant 0 : i32
          %dma_wait3A_142 = arith.constant 0 : i32
          %dma_wait3A_143 = tpu.memref_slice %arg15[%dma_wait3A_141, %dma_wait3A_142] : memref<5072x128xf32, #tpu.memory_space<vmem_shared>> -> memref<5072x128xf32, #tpu.memory_space<vmem_shared>>
          tpu.wait_indirect_dma semaphore(%run_scoped3A : memref<!tpu.dma_semaphore, #tpu.memory_space<semaphore_mem>>) src(%arg12 : memref<128x128xf32, #tpu.memory_space<vmem>>) dst(%dma_wait3A_143 : memref<5072x128xf32, #tpu.memory_space<vmem_shared>>)
          tpu.yield
        }) : () -> ()
      } else {
      }
      %add3A_105 = arith.constant 1 : i32
      %add3A_106 = arith.addi %mul3A_91, %add3A_105 : i32
      %add3A_107 = arith.constant 2 : i32
      %add3A_108 = arith.addi %add3A_106, %add3A_107 : i32
      %lt3A_109 = arith.constant 160 : i32
      %lt3A_110 = arith.cmpi slt, %add3A_108, %lt3A_109 : i32
      %convert_element_type3A_111 = arith.extui %lt3A_110 : i1 to i32
      %cond3A_112 = arith.constant 0 : i32
      %cond3A_113 = arith.cmpi ne, %convert_element_type3A_111, %cond3A_112 : i32
      scf.if %cond3A_113 {
        %add3A_133 = arith.constant 2 : i32
        %add3A_134 = arith.addi %add3A_106, %add3A_133 : i32
        %dma_start3A_135 = arith.constant 0 : i32
        %dma_start3A_136 = tpu.memref_slice %arg10[%add3A_134, %dma_start3A_135] : memref<160x128xi32, #tpu.memory_space<vmem>> -> memref<1x128xi32, #tpu.memory_space<vmem>>
        %dma_start3A_137 = tpu.memref_squeeze %dma_start3A_136 : memref<1x128xi32, #tpu.memory_space<vmem>> -> memref<128xi32, #tpu.memory_space<vmem>>
        %dma_start3A_138 = arith.constant 0 : i32
        %dma_start3A_139 = arith.constant 0 : i32
        %dma_start3A_140 = tpu.memref_slice %arg6[%dma_start3A_138, %dma_start3A_139] : memref<10000x128xf32, #tpu.memory_space<hbm>> -> memref<10000x128xf32, #tpu.memory_space<hbm>>
        tpu.enqueue_indirect_dma source(%dma_start3A_140 : memref<10000x128xf32, #tpu.memory_space<hbm>>) target(%arg12 : memref<128x128xf32, #tpu.memory_space<vmem>>) offsets(%dma_start3A_137 : memref<128xi32, #tpu.memory_space<vmem>>) semaphore(%arg16 : memref<!tpu.dma_semaphore, #tpu.memory_space<semaphore_mem>>)
      } else {
      }
      %lt3A_114 = arith.constant 160 : i32
      %lt3A_115 = arith.cmpi slt, %add3A_106, %lt3A_114 : i32
      %convert_element_type3A_116 = arith.extui %lt3A_115 : i1 to i32
      %cond3A_117 = arith.constant 0 : i32
      %cond3A_118 = arith.cmpi ne, %convert_element_type3A_116, %cond3A_117 : i32
      scf.if %cond3A_118 {
        tpu.wait_dma2 semaphore(%arg17 : memref<!tpu.dma_semaphore, #tpu.memory_space<semaphore_mem>>) src(%arg7 : memref<128x128xf32, #tpu.memory_space<hbm>>) dst(%arg13 : memref<128x128xf32, #tpu.memory_space<vmem>>)
        "tpu.region"() ({
          %run_scoped3A = tpu.sem_alloc : memref<!tpu.dma_semaphore, #tpu.memory_space<semaphore_mem>>
          %dma_start3A_133 = arith.constant 0 : i32
          %dma_start3A_134 = tpu.memref_slice %arg11[%add3A_106, %dma_start3A_133] : memref<160x128xi32, #tpu.memory_space<vmem>> -> memref<1x128xi32, #tpu.memory_space<vmem>>
          %dma_start3A_135 = tpu.memref_squeeze %dma_start3A_134 : memref<1x128xi32, #tpu.memory_space<vmem>> -> memref<128xi32, #tpu.memory_space<vmem>>
          %dma_start3A_136 = arith.constant 0 : i32
          %dma_start3A_137 = arith.constant 0 : i32
          %dma_start3A_138 = tpu.memref_slice %arg15[%dma_start3A_136, %dma_start3A_137] : memref<5072x128xf32, #tpu.memory_space<vmem_shared>> -> memref<5072x128xf32, #tpu.memory_space<vmem_shared>>
          tpu.enqueue_indirect_dma source(%arg13 : memref<128x128xf32, #tpu.memory_space<vmem>>) target(%dma_start3A_138 : memref<5072x128xf32, #tpu.memory_space<vmem_shared>>) offsets(%dma_start3A_135 : memref<128xi32, #tpu.memory_space<vmem>>) semaphore(%run_scoped3A : memref<!tpu.dma_semaphore, #tpu.memory_space<semaphore_mem>>) {add = true}
          %dma_wait3A = arith.constant 0 : i32
          %dma_wait3A_139 = tpu.memref_slice %arg11[%add3A_106, %dma_wait3A] : memref<160x128xi32, #tpu.memory_space<vmem>> -> memref<1x128xi32, #tpu.memory_space<vmem>>
          %dma_wait3A_140 = tpu.memref_squeeze %dma_wait3A_139 : memref<1x128xi32, #tpu.memory_space<vmem>> -> memref<128xi32, #tpu.memory_space<vmem>>
          %dma_wait3A_141 = arith.constant 0 : i32
          %dma_wait3A_142 = arith.constant 0 : i32
          %dma_wait3A_143 = tpu.memref_slice %arg15[%dma_wait3A_141, %dma_wait3A_142] : memref<5072x128xf32, #tpu.memory_space<vmem_shared>> -> memref<5072x128xf32, #tpu.memory_space<vmem_shared>>
          tpu.wait_indirect_dma semaphore(%run_scoped3A : memref<!tpu.dma_semaphore, #tpu.memory_space<semaphore_mem>>) src(%arg13 : memref<128x128xf32, #tpu.memory_space<vmem>>) dst(%dma_wait3A_143 : memref<5072x128xf32, #tpu.memory_space<vmem_shared>>)
          tpu.yield
        }) : () -> ()
      } else {
      }
      %add3A_119 = arith.constant 2 : i32
      %add3A_120 = arith.addi %mul3A_91, %add3A_119 : i32
      %add3A_121 = arith.constant 2 : i32
      %add3A_122 = arith.addi %add3A_120, %add3A_121 : i32
      %lt3A_123 = arith.constant 160 : i32
      %lt3A_124 = arith.cmpi slt, %add3A_122, %lt3A_123 : i32
      %convert_element_type3A_125 = arith.extui %lt3A_124 : i1 to i32
      %cond3A_126 = arith.constant 0 : i32
      %cond3A_127 = arith.cmpi ne, %convert_element_type3A_125, %cond3A_126 : i32
      scf.if %cond3A_127 {
        %add3A_133 = arith.constant 2 : i32
        %add3A_134 = arith.addi %add3A_120, %add3A_133 : i32
        %dma_start3A_135 = arith.constant 0 : i32
        %dma_start3A_136 = tpu.memref_slice %arg10[%add3A_134, %dma_start3A_135] : memref<160x128xi32, #tpu.memory_space<vmem>> -> memref<1x128xi32, #tpu.memory_space<vmem>>
        %dma_start3A_137 = tpu.memref_squeeze %dma_start3A_136 : memref<1x128xi32, #tpu.memory_space<vmem>> -> memref<128xi32, #tpu.memory_space<vmem>>
        %dma_start3A_138 = arith.constant 0 : i32
        %dma_start3A_139 = arith.constant 0 : i32
        %dma_start3A_140 = tpu.memref_slice %arg6[%dma_start3A_138, %dma_start3A_139] : memref<10000x128xf32, #tpu.memory_space<hbm>> -> memref<10000x128xf32, #tpu.memory_space<hbm>>
        tpu.enqueue_indirect_dma source(%dma_start3A_140 : memref<10000x128xf32, #tpu.memory_space<hbm>>) target(%arg13 : memref<128x128xf32, #tpu.memory_space<vmem>>) offsets(%dma_start3A_137 : memref<128xi32, #tpu.memory_space<vmem>>) semaphore(%arg17 : memref<!tpu.dma_semaphore, #tpu.memory_space<semaphore_mem>>)
      } else {
      }
      %lt3A_128 = arith.constant 160 : i32
      %lt3A_129 = arith.cmpi slt, %add3A_120, %lt3A_128 : i32
      %convert_element_type3A_130 = arith.extui %lt3A_129 : i1 to i32
      %cond3A_131 = arith.constant 0 : i32
      %cond3A_132 = arith.cmpi ne, %convert_element_type3A_130, %cond3A_131 : i32
      scf.if %cond3A_132 {
        tpu.wait_dma2 semaphore(%arg18 : memref<!tpu.dma_semaphore, #tpu.memory_space<semaphore_mem>>) src(%arg7 : memref<128x128xf32, #tpu.memory_space<hbm>>) dst(%arg14 : memref<128x128xf32, #tpu.memory_space<vmem>>)
        "tpu.region"() ({
          %run_scoped3A = tpu.sem_alloc : memref<!tpu.dma_semaphore, #tpu.memory_space<semaphore_mem>>
          %dma_start3A_133 = arith.constant 0 : i32
          %dma_start3A_134 = tpu.memref_slice %arg11[%add3A_120, %dma_start3A_133] : memref<160x128xi32, #tpu.memory_space<vmem>> -> memref<1x128xi32, #tpu.memory_space<vmem>>
          %dma_start3A_135 = tpu.memref_squeeze %dma_start3A_134 : memref<1x128xi32, #tpu.memory_space<vmem>> -> memref<128xi32, #tpu.memory_space<vmem>>
          %dma_start3A_136 = arith.constant 0 : i32
          %dma_start3A_137 = arith.constant 0 : i32
          %dma_start3A_138 = tpu.memref_slice %arg15[%dma_start3A_136, %dma_start3A_137] : memref<5072x128xf32, #tpu.memory_space<vmem_shared>> -> memref<5072x128xf32, #tpu.memory_space<vmem_shared>>
          tpu.enqueue_indirect_dma source(%arg14 : memref<128x128xf32, #tpu.memory_space<vmem>>) target(%dma_start3A_138 : memref<5072x128xf32, #tpu.memory_space<vmem_shared>>) offsets(%dma_start3A_135 : memref<128xi32, #tpu.memory_space<vmem>>) semaphore(%run_scoped3A : memref<!tpu.dma_semaphore, #tpu.memory_space<semaphore_mem>>) {add = true}
          %dma_wait3A = arith.constant 0 : i32
          %dma_wait3A_139 = tpu.memref_slice %arg11[%add3A_120, %dma_wait3A] : memref<160x128xi32, #tpu.memory_space<vmem>> -> memref<1x128xi32, #tpu.memory_space<vmem>>
          %dma_wait3A_140 = tpu.memref_squeeze %dma_wait3A_139 : memref<1x128xi32, #tpu.memory_space<vmem>> -> memref<128xi32, #tpu.memory_space<vmem>>
          %dma_wait3A_141 = arith.constant 0 : i32
          %dma_wait3A_142 = arith.constant 0 : i32
          %dma_wait3A_143 = tpu.memref_slice %arg15[%dma_wait3A_141, %dma_wait3A_142] : memref<5072x128xf32, #tpu.memory_space<vmem_shared>> -> memref<5072x128xf32, #tpu.memory_space<vmem_shared>>
          tpu.wait_indirect_dma semaphore(%run_scoped3A : memref<!tpu.dma_semaphore, #tpu.memory_space<semaphore_mem>>) src(%arg14 : memref<128x128xf32, #tpu.memory_space<vmem>>) dst(%dma_wait3A_143 : memref<5072x128xf32, #tpu.memory_space<vmem_shared>>)
          tpu.yield
        }) : () -> ()
      } else {
      }
    }
    %scan3A_77 = arith.constant 54 : i32
    %barrier3A_78 = arith.constant 0 : index
    tpu.barrier barrier_id(%barrier3A_78)
    %lt3A_79 = arith.constant 15 : i32
    %lt3A_80 = arith.cmpi slt, %arg1, %lt3A_79 : i32
    %convert_element_type3A_81 = arith.extui %lt3A_80 : i1 to i32
    %cond3A_82 = arith.constant 0 : i32
    %cond3A_83 = arith.cmpi ne, %convert_element_type3A_81, %cond3A_82 : i32
    scf.if %cond3A_83 {
      %mul3A_89 = arith.constant 312 : i32
      %mul3A_90 = arith.muli %arg1, %mul3A_89 : i32
      %mul3A_91 = arith.constant 5000 : i32
      %mul3A_92 = arith.muli %arg0, %mul3A_91 : i32
      %add3A = arith.addi %mul3A_92, %mul3A_90 : i32
      "tpu.region"() ({
        %run_scoped3A = tpu.sem_alloc : memref<!tpu.dma_semaphore, #tpu.memory_space<semaphore_mem>>
        %dma_start3A_93 = arith.constant 0 : i32
        %dma_start3A_94 = tpu.memref_slice %arg9[%add3A, %dma_start3A_93] : memref<10000x128xf32, #tpu.memory_space<hbm>> -> memref<312x128xf32, #tpu.memory_space<hbm>>
        %dma_start3A_95 = arith.constant 0 : i32
        %dma_start3A_96 = tpu.memref_slice %arg15[%mul3A_90, %dma_start3A_95] : memref<5072x128xf32, #tpu.memory_space<vmem_shared>> -> memref<312x128xf32, #tpu.memory_space<vmem_shared>>
        tpu.enqueue_dma source(%dma_start3A_96 : memref<312x128xf32, #tpu.memory_space<vmem_shared>>) target(%dma_start3A_94 : memref<312x128xf32, #tpu.memory_space<hbm>>) target_semaphore(%run_scoped3A : memref<!tpu.dma_semaphore, #tpu.memory_space<semaphore_mem>>)
        %dma_wait3A = arith.constant 0 : i32
        %dma_wait3A_97 = tpu.memref_slice %arg9[%add3A, %dma_wait3A] : memref<10000x128xf32, #tpu.memory_space<hbm>> -> memref<312x128xf32, #tpu.memory_space<hbm>>
        %dma_wait3A_98 = arith.constant 0 : i32
        %dma_wait3A_99 = tpu.memref_slice %arg15[%mul3A_90, %dma_wait3A_98] : memref<5072x128xf32, #tpu.memory_space<vmem_shared>> -> memref<312x128xf32, #tpu.memory_space<vmem_shared>>
        tpu.wait_dma2 semaphore(%run_scoped3A : memref<!tpu.dma_semaphore, #tpu.memory_space<semaphore_mem>>) src(%dma_wait3A_99 : memref<312x128xf32, #tpu.memory_space<vmem_shared>>) dst(%dma_wait3A_97 : memref<312x128xf32, #tpu.memory_space<hbm>>)
        tpu.yield
      }) : () -> ()
    } else {
    }
    %eq3A_84 = arith.constant 15 : i32
    %eq3A_85 = arith.cmpi eq, %arg1, %eq3A_84 : i32
    %convert_element_type3A_86 = arith.extui %eq3A_85 : i1 to i32
    %cond3A_87 = arith.constant 0 : i32
    %cond3A_88 = arith.cmpi ne, %convert_element_type3A_86, %cond3A_87 : i32
    scf.if %cond3A_88 {
      %mul3A_89 = arith.constant 5000 : i32
      %mul3A_90 = arith.muli %arg0, %mul3A_89 : i32
      %add3A = arith.constant 4680 : i32
      %add3A_91 = arith.addi %mul3A_90, %add3A : i32
      "tpu.region"() ({
        %run_scoped3A = tpu.sem_alloc : memref<!tpu.dma_semaphore, #tpu.memory_space<semaphore_mem>>
        %dma_start3A_92 = arith.constant 0 : i32
        %dma_start3A_93 = tpu.memref_slice %arg9[%add3A_91, %dma_start3A_92] : memref<10000x128xf32, #tpu.memory_space<hbm>> -> memref<320x128xf32, #tpu.memory_space<hbm>>
        %dma_start3A_94 = arith.constant 4680 : i32
        %dma_start3A_95 = arith.constant 0 : i32
        %dma_start3A_96 = tpu.memref_slice %arg15[%dma_start3A_94, %dma_start3A_95] : memref<5072x128xf32, #tpu.memory_space<vmem_shared>> -> memref<320x128xf32, #tpu.memory_space<vmem_shared>>
        tpu.enqueue_dma source(%dma_start3A_96 : memref<320x128xf32, #tpu.memory_space<vmem_shared>>) target(%dma_start3A_93 : memref<320x128xf32, #tpu.memory_space<hbm>>) target_semaphore(%run_scoped3A : memref<!tpu.dma_semaphore, #tpu.memory_space<semaphore_mem>>)
        %dma_wait3A = arith.constant 0 : i32
        %dma_wait3A_97 = tpu.memref_slice %arg9[%add3A_91, %dma_wait3A] : memref<10000x128xf32, #tpu.memory_space<hbm>> -> memref<320x128xf32, #tpu.memory_space<hbm>>
        %dma_wait3A_98 = arith.constant 4680 : i32
        %dma_wait3A_99 = arith.constant 0 : i32
        %dma_wait3A_100 = tpu.memref_slice %arg15[%dma_wait3A_98, %dma_wait3A_99] : memref<5072x128xf32, #tpu.memory_space<vmem_shared>> -> memref<320x128xf32, #tpu.memory_space<vmem_shared>>
        tpu.wait_dma2 semaphore(%run_scoped3A : memref<!tpu.dma_semaphore, #tpu.memory_space<semaphore_mem>>) src(%dma_wait3A_100 : memref<320x128xf32, #tpu.memory_space<vmem_shared>>) dst(%dma_wait3A_97 : memref<320x128xf32, #tpu.memory_space<hbm>>)
        tpu.yield
      }) : () -> ()
    } else {
    }
    return
  }
}

module attributes {stable_mosaic.version = 14 : i64} {
  func.func @_tc1_body(%arg0: i32, %arg1: memref<1000x128xf32, #tpu.memory_space<vmem>>, %arg2: memref<128x256xf32, #tpu.memory_space<vmem>>, %arg3: memref<1000x1xf32, #tpu.memory_space<vmem>>, %arg4: memref<1000x1xf32, #tpu.memory_space<vmem>>, %arg5: memref<256x128xi32, #tpu.memory_space<vmem>>, %arg6: memref<1000x128xf32, #tpu.memory_space<vmem>>, %arg7: memref<1000x128xf32, #tpu.memory_space<vmem>>, %arg8: memref<1000x1xf32, #tpu.memory_space<vmem>>, %arg9: memref<256x128xi32, #tpu.memory_space<vmem>>, %arg10: memref<256x128xi32, #tpu.memory_space<vmem>>) attributes {dimension_semantics = [#tpu.dimension_semantics<arbitrary>], iteration_bounds = array<i64: 10>, scalar_prefetch = 0 : i64, scratch_operands = 0 : i64, tpu.core_type = #tpu.core_type<tc>, window_params = [{transform_indices = @transform_0, window_bounds = array<i64: 1000, 128>}, {pipeline_mode = #tpu.pipeline_mode<synchronous>, transform_indices = @transform_1, window_bounds = array<i64: 128, 256>}, {transform_indices = @transform_2, window_bounds = array<i64: 1000, 1>}, {transform_indices = @transform_3, window_bounds = array<i64: 1000, 1>}, {transform_indices = @transform_4, window_bounds = array<i64: 256, 128>}, {transform_indices = @transform_5, window_bounds = array<i64: 1000, 128>}, {transform_indices = @transform_6, window_bounds = array<i64: 1000, 128>}, {transform_indices = @transform_7, window_bounds = array<i64: 1000, 1>}, {transform_indices = @transform_8, window_bounds = array<i64: 256, 128>}, {transform_indices = @transform_9, window_bounds = array<i64: 256, 128>}]} {
    %get3A = arith.constant 0 : index
    %get3A_0 = arith.constant 0 : index
    %get3A_1 = vector.load %arg3[%get3A, %get3A_0] : memref<1000x1xf32, #tpu.memory_space<vmem>>, vector<1000x1xf32>
    %get3A_2 = arith.constant 0 : index
    %get3A_3 = arith.constant 0 : index
    %get3A_4 = vector.load %arg4[%get3A_2, %get3A_3] : memref<1000x1xf32, #tpu.memory_space<vmem>>, vector<1000x1xf32>
    %add3A = arith.addf %get3A_1, %get3A_4 : vector<1000x1xf32>
    %add3A_5 = arith.constant 1.000000e+00 : f32
    %add3A_6 = vector.broadcast %add3A_5 : f32 to vector<1000x1xf32>
    %add3A_7 = arith.addf %add3A, %add3A_6 : vector<1000x1xf32>
    %rsqrt3A = math.rsqrt %add3A_7 : vector<1000x1xf32>
    %get3A_8 = arith.constant 0 : index
    %get3A_9 = arith.constant 0 : index
    %get3A_10 = vector.load %arg1[%get3A_8, %get3A_9] : memref<1000x128xf32, #tpu.memory_space<vmem>>, vector<1000x128xf32>
    %get3A_11 = arith.constant 0 : index
    %get3A_12 = arith.constant 0 : index
    %get3A_13 = vector.load %arg2[%get3A_11, %get3A_12] : memref<128x256xf32, #tpu.memory_space<vmem>>, vector<128x256xf32>
    %dot_general3A = arith.constant dense<0.000000e+00> : vector<1000x256xf32>
    %dot_general3A_14 = tpu.matmul %get3A_10, %get3A_13, %dot_general3A {dimension_numbers = #tpu.dot_dimension_numbers<[1], [0], [0], [1], [0, 0, 1, 1], [], []>, transpose_lhs_hint = false} : vector<1000x128xf32>, vector<128x256xf32>, vector<1000x256xf32> -> vector<1000x256xf32>
    %mul3A = vector.broadcast %rsqrt3A : vector<1000x1xf32> to vector<1000x256xf32>
    %mul3A_15 = arith.mulf %dot_general3A_14, %mul3A : vector<1000x256xf32>
    %slice3A = vector.extract_strided_slice %mul3A_15 {offsets = [0, 0], sizes = [1000, 128], strides = [1, 1]} : vector<1000x256xf32> to vector<1000x128xf32>
    %swap3A = arith.constant 0 : index
    %swap3A_16 = arith.constant 0 : index
    %swap3A_17 = vector.load %arg6[%swap3A, %swap3A_16] : memref<1000x128xf32, #tpu.memory_space<vmem>>, vector<1000x128xf32>
    tpu.vector_store %arg6[%swap3A, %swap3A_16], %slice3A {strides = array<i32>} : memref<1000x128xf32, #tpu.memory_space<vmem>>, vector<1000x128xf32>,
    %slice3A_18 = vector.extract_strided_slice %mul3A_15 {offsets = [0, 128], sizes = [1000, 128], strides = [1, 1]} : vector<1000x256xf32> to vector<1000x128xf32>
    %swap3A_19 = arith.constant 0 : index
    %swap3A_20 = arith.constant 0 : index
    %swap3A_21 = vector.load %arg7[%swap3A_19, %swap3A_20] : memref<1000x128xf32, #tpu.memory_space<vmem>>, vector<1000x128xf32>
    tpu.vector_store %arg7[%swap3A_19, %swap3A_20], %slice3A_18 {strides = array<i32>} : memref<1000x128xf32, #tpu.memory_space<vmem>>, vector<1000x128xf32>,
    %swap3A_22 = arith.constant 0 : index
    %swap3A_23 = arith.constant 0 : index
    %swap3A_24 = vector.load %arg8[%swap3A_22, %swap3A_23] : memref<1000x1xf32, #tpu.memory_space<vmem>>, vector<1000x1xf32>
    tpu.vector_store %arg8[%swap3A_22, %swap3A_23], %rsqrt3A {strides = array<i32>} : memref<1000x1xf32, #tpu.memory_space<vmem>>, vector<1000x1xf32>,
    %get3A_25 = arith.constant 0 : index
    %get3A_26 = arith.constant 0 : index
    %get3A_27 = vector.load %arg5[%get3A_25, %get3A_26] : memref<256x128xi32, #tpu.memory_space<vmem>>, vector<256x128xi32>
    %sub3A = arith.constant 0 : i32
    %sub3A_28 = vector.broadcast %sub3A : i32 to vector<256x128xi32>
    %sub3A_29 = arith.subi %get3A_27, %sub3A_28 : vector<256x128xi32>
    %lt3A = arith.constant 0 : i32
    %lt3A_30 = vector.broadcast %lt3A : i32 to vector<256x128xi32>
    %lt3A_31 = arith.cmpi slt, %sub3A_29, %lt3A_30 : vector<256x128xi32>
    %ge3A = arith.constant 5000 : i32
    %ge3A_32 = vector.broadcast %ge3A : i32 to vector<256x128xi32>
    %ge3A_33 = arith.cmpi sge, %sub3A_29, %ge3A_32 : vector<256x128xi32>
    %or3A = arith.ori %lt3A_31, %ge3A_33 : vector<256x128xi1>
    %and3A = arith.constant 63 : i32
    %and3A_34 = vector.broadcast %and3A : i32 to vector<256x128xi32>
    %and3A_35 = arith.andi %get3A_27, %and3A_34 : vector<256x128xi32>
    %add3A_36 = arith.constant 5000 : i32
    %add3A_37 = vector.broadcast %add3A_36 : i32 to vector<256x128xi32>
    %add3A_38 = arith.addi %add3A_37, %and3A_35 : vector<256x128xi32>
    %select_n3A = arith.select %or3A, %add3A_38, %sub3A_29 : vector<256x128xi1>, vector<256x128xi32>
    %swap3A_39 = arith.constant 0 : index
    %swap3A_40 = arith.constant 0 : index
    %swap3A_41 = vector.load %arg9[%swap3A_39, %swap3A_40] : memref<256x128xi32, #tpu.memory_space<vmem>>, vector<256x128xi32>
    tpu.vector_store %arg9[%swap3A_39, %swap3A_40], %select_n3A {strides = array<i32>} : memref<256x128xi32, #tpu.memory_space<vmem>>, vector<256x128xi32>,
    %sub3A_42 = arith.constant 5000 : i32
    %sub3A_43 = vector.broadcast %sub3A_42 : i32 to vector<256x128xi32>
    %sub3A_44 = arith.subi %get3A_27, %sub3A_43 : vector<256x128xi32>
    %lt3A_45 = arith.constant 0 : i32
    %lt3A_46 = vector.broadcast %lt3A_45 : i32 to vector<256x128xi32>
    %lt3A_47 = arith.cmpi slt, %sub3A_44, %lt3A_46 : vector<256x128xi32>
    %ge3A_48 = arith.constant 5000 : i32
    %ge3A_49 = vector.broadcast %ge3A_48 : i32 to vector<256x128xi32>
    %ge3A_50 = arith.cmpi sge, %sub3A_44, %ge3A_49 : vector<256x128xi32>
    %or3A_51 = arith.ori %lt3A_47, %ge3A_50 : vector<256x128xi1>
    %and3A_52 = arith.constant 63 : i32
    %and3A_53 = vector.broadcast %and3A_52 : i32 to vector<256x128xi32>
    %and3A_54 = arith.andi %get3A_27, %and3A_53 : vector<256x128xi32>
    %add3A_55 = arith.constant 5000 : i32
    %add3A_56 = vector.broadcast %add3A_55 : i32 to vector<256x128xi32>
    %add3A_57 = arith.addi %add3A_56, %and3A_54 : vector<256x128xi32>
    %select_n3A_58 = arith.select %or3A_51, %add3A_57, %sub3A_44 : vector<256x128xi1>, vector<256x128xi32>
    %swap3A_59 = arith.constant 0 : index
    %swap3A_60 = arith.constant 0 : index
    %swap3A_61 = vector.load %arg10[%swap3A_59, %swap3A_60] : memref<256x128xi32, #tpu.memory_space<vmem>>, vector<256x128xi32>
    tpu.vector_store %arg10[%swap3A_59, %swap3A_60], %select_n3A_58 {strides = array<i32>} : memref<256x128xi32, #tpu.memory_space<vmem>>, vector<256x128xi32>,
    return
  }
  func.func @transform_0(%arg0: i32) -> (i32, i32) {
    %c0_i32 = arith.constant 0 : i32
    %c0_i32_0 = arith.constant 0 : i32
    return %arg0, %c0_i32 : i32, i32
  }
  func.func @transform_1(%arg0: i32) -> (i32, i32) {
    %c0_i32 = arith.constant 0 : i32
    %c0_i32_0 = arith.constant 0 : i32
    %c0_i32_1 = arith.constant 0 : i32
    return %c0_i32, %c0_i32_0 : i32, i32
  }
  func.func @transform_2(%arg0: i32) -> (i32, i32) {
    %c0_i32 = arith.constant 0 : i32
    %c0_i32_0 = arith.constant 0 : i32
    return %arg0, %c0_i32 : i32, i32
  }
  func.func @transform_3(%arg0: i32) -> (i32, i32) {
    %c0_i32 = arith.constant 0 : i32
    %c0_i32_0 = arith.constant 0 : i32
    return %arg0, %c0_i32 : i32, i32
  }
  func.func @transform_4(%arg0: i32) -> (i32, i32) {
    %c0_i32 = arith.constant 0 : i32
    %c0_i32_0 = arith.constant 0 : i32
    return %arg0, %c0_i32 : i32, i32
  }
  func.func @transform_5(%arg0: i32) -> (i32, i32) {
    %c0_i32 = arith.constant 0 : i32
    %c0_i32_0 = arith.constant 0 : i32
    return %arg0, %c0_i32 : i32, i32
  }
  func.func @transform_6(%arg0: i32) -> (i32, i32) {
    %c0_i32 = arith.constant 0 : i32
    %c0_i32_0 = arith.constant 0 : i32
    return %arg0, %c0_i32 : i32, i32
  }
  func.func @transform_7(%arg0: i32) -> (i32, i32) {
    %c0_i32 = arith.constant 0 : i32
    %c0_i32_0 = arith.constant 0 : i32
    return %arg0, %c0_i32 : i32, i32
  }
  func.func @transform_8(%arg0: i32) -> (i32, i32) {
    %c0_i32 = arith.constant 0 : i32
    %c0_i32_0 = arith.constant 0 : i32
    return %arg0, %c0_i32 : i32, i32
  }
  func.func @transform_9(%arg0: i32) -> (i32, i32) {
    %c0_i32 = arith.constant 0 : i32
    %c0_i32_0 = arith.constant 0 : i32
    return %arg0, %c0_i32 : i32, i32
  }
}

module attributes {stable_mosaic.version = 14 : i64} {
  func.func @_tc2_body(%arg0: i32, %arg1: memref<1000x128xf32, #tpu.memory_space<vmem>>, %arg2: memref<1000x128xf32, #tpu.memory_space<vmem>>, %arg3: memref<1000x1xf32, #tpu.memory_space<vmem>>, %arg4: memref<1x128xf32, #tpu.memory_space<vmem>>, %arg5: memref<1x128xf32, #tpu.memory_space<vmem>>, %arg6: memref<128x128xf32, #tpu.memory_space<vmem>>, %arg7: memref<128x128xf32, #tpu.memory_space<vmem>>, %arg8: memref<1000x128xf32, #tpu.memory_space<vmem>>) attributes {dimension_semantics = [#tpu.dimension_semantics<arbitrary>], iteration_bounds = array<i64: 10>, scalar_prefetch = 0 : i64, scratch_operands = 0 : i64, tpu.core_type = #tpu.core_type<tc>, window_params = [{transform_indices = @transform_0, window_bounds = array<i64: 1000, 128>}, {transform_indices = @transform_1, window_bounds = array<i64: 1000, 128>}, {transform_indices = @transform_2, window_bounds = array<i64: 1000, 1>}, {pipeline_mode = #tpu.pipeline_mode<synchronous>, transform_indices = @transform_3, window_bounds = array<i64: 1, 128>}, {pipeline_mode = #tpu.pipeline_mode<synchronous>, transform_indices = @transform_4, window_bounds = array<i64: 1, 128>}, {pipeline_mode = #tpu.pipeline_mode<synchronous>, transform_indices = @transform_5, window_bounds = array<i64: 128, 128>}, {pipeline_mode = #tpu.pipeline_mode<synchronous>, transform_indices = @transform_6, window_bounds = array<i64: 128, 128>}, {transform_indices = @transform_7, window_bounds = array<i64: 1000, 128>}]} {
    %get3A = arith.constant 0 : index
    %get3A_0 = arith.constant 0 : index
    %get3A_1 = vector.load %arg3[%get3A, %get3A_0] : memref<1000x1xf32, #tpu.memory_space<vmem>>, vector<1000x1xf32>
    %get3A_2 = arith.constant 0 : index
    %get3A_3 = arith.constant 0 : index
    %get3A_4 = vector.load %arg1[%get3A_2, %get3A_3] : memref<1000x128xf32, #tpu.memory_space<vmem>>, vector<1000x128xf32>
    %mul3A = vector.broadcast %get3A_1 : vector<1000x1xf32> to vector<1000x128xf32>
    %mul3A_5 = arith.mulf %get3A_4, %mul3A : vector<1000x128xf32>
    %get3A_6 = arith.constant 0 : index
    %get3A_7 = arith.constant 0 : index
    %get3A_8 = vector.load %arg4[%get3A_6, %get3A_7] : memref<1x128xf32, #tpu.memory_space<vmem>>, vector<1x128xf32>
    %add3A = vector.broadcast %get3A_8 : vector<1x128xf32> to vector<1000x128xf32>
    %add3A_9 = arith.addf %mul3A_5, %add3A : vector<1000x128xf32>
    %max3A = arith.constant 0.000000e+00 : f32
    %max3A_10 = vector.broadcast %max3A : f32 to vector<1000x128xf32>
    %max3A_11 = arith.maximumf %add3A_9, %max3A_10 : vector<1000x128xf32>
    %get3A_12 = arith.constant 0 : index
    %get3A_13 = arith.constant 0 : index
    %get3A_14 = vector.load %arg2[%get3A_12, %get3A_13] : memref<1000x128xf32, #tpu.memory_space<vmem>>, vector<1000x128xf32>
    %mul3A_15 = vector.broadcast %get3A_1 : vector<1000x1xf32> to vector<1000x128xf32>
    %mul3A_16 = arith.mulf %get3A_14, %mul3A_15 : vector<1000x128xf32>
    %get3A_17 = arith.constant 0 : index
    %get3A_18 = arith.constant 0 : index
    %get3A_19 = vector.load %arg5[%get3A_17, %get3A_18] : memref<1x128xf32, #tpu.memory_space<vmem>>, vector<1x128xf32>
    %add3A_20 = vector.broadcast %get3A_19 : vector<1x128xf32> to vector<1000x128xf32>
    %add3A_21 = arith.addf %mul3A_16, %add3A_20 : vector<1000x128xf32>
    %max3A_22 = arith.constant 0.000000e+00 : f32
    %max3A_23 = vector.broadcast %max3A_22 : f32 to vector<1000x128xf32>
    %max3A_24 = arith.maximumf %add3A_21, %max3A_23 : vector<1000x128xf32>
    %get3A_25 = arith.constant 0 : index
    %get3A_26 = arith.constant 0 : index
    %get3A_27 = vector.load %arg6[%get3A_25, %get3A_26] : memref<128x128xf32, #tpu.memory_space<vmem>>, vector<128x128xf32>
    %dot_general3A = arith.constant dense<0.000000e+00> : vector<1000x128xf32>
    %dot_general3A_28 = tpu.matmul %max3A_11, %get3A_27, %dot_general3A {dimension_numbers = #tpu.dot_dimension_numbers<[1], [0], [0], [1], [0, 0, 1, 1], [], []>, transpose_lhs_hint = false} : vector<1000x128xf32>, vector<128x128xf32>, vector<1000x128xf32> -> vector<1000x128xf32>
    %get3A_29 = arith.constant 0 : index
    %get3A_30 = arith.constant 0 : index
    %get3A_31 = vector.load %arg7[%get3A_29, %get3A_30] : memref<128x128xf32, #tpu.memory_space<vmem>>, vector<128x128xf32>
    %dot_general3A_32 = arith.constant dense<0.000000e+00> : vector<1000x128xf32>
    %dot_general3A_33 = tpu.matmul %max3A_24, %get3A_31, %dot_general3A_32 {dimension_numbers = #tpu.dot_dimension_numbers<[1], [0], [0], [1], [0, 0, 1, 1], [], []>, transpose_lhs_hint = false} : vector<1000x128xf32>, vector<128x128xf32>, vector<1000x128xf32> -> vector<1000x128xf32>
    %add3A_34 = arith.addf %dot_general3A_28, %dot_general3A_33 : vector<1000x128xf32>
    %mul3A_35 = vector.broadcast %get3A_1 : vector<1000x1xf32> to vector<1000x128xf32>
    %mul3A_36 = arith.mulf %add3A_34, %mul3A_35 : vector<1000x128xf32>
    %swap3A = arith.constant 0 : index
    %swap3A_37 = arith.constant 0 : index
    %swap3A_38 = vector.load %arg8[%swap3A, %swap3A_37] : memref<1000x128xf32, #tpu.memory_space<vmem>>, vector<1000x128xf32>
    tpu.vector_store %arg8[%swap3A, %swap3A_37], %mul3A_36 {strides = array<i32>} : memref<1000x128xf32, #tpu.memory_space<vmem>>, vector<1000x128xf32>,
    return
  }
  func.func @transform_0(%arg0: i32) -> (i32, i32) {
    %c0_i32 = arith.constant 0 : i32
    %c0_i32_0 = arith.constant 0 : i32
    return %arg0, %c0_i32 : i32, i32
  }
  func.func @transform_1(%arg0: i32) -> (i32, i32) {
    %c0_i32 = arith.constant 0 : i32
    %c0_i32_0 = arith.constant 0 : i32
    return %arg0, %c0_i32 : i32, i32
  }
  func.func @transform_2(%arg0: i32) -> (i32, i32) {
    %c0_i32 = arith.constant 0 : i32
    %c0_i32_0 = arith.constant 0 : i32
    return %arg0, %c0_i32 : i32, i32
  }
  func.func @transform_3(%arg0: i32) -> (i32, i32) {
    %c0_i32 = arith.constant 0 : i32
    %c0_i32_0 = arith.constant 0 : i32
    %c0_i32_1 = arith.constant 0 : i32
    return %c0_i32, %c0_i32_0 : i32, i32
  }
  func.func @transform_4(%arg0: i32) -> (i32, i32) {
    %c0_i32 = arith.constant 0 : i32
    %c0_i32_0 = arith.constant 0 : i32
    %c0_i32_1 = arith.constant 0 : i32
    return %c0_i32, %c0_i32_0 : i32, i32
  }
  func.func @transform_5(%arg0: i32) -> (i32, i32) {
    %c0_i32 = arith.constant 0 : i32
    %c0_i32_0 = arith.constant 0 : i32
    %c0_i32_1 = arith.constant 0 : i32
    return %c0_i32, %c0_i32_0 : i32, i32
  }
  func.func @transform_6(%arg0: i32) -> (i32, i32) {
    %c0_i32 = arith.constant 0 : i32
    %c0_i32_0 = arith.constant 0 : i32
    %c0_i32_1 = arith.constant 0 : i32
    return %c0_i32, %c0_i32_0 : i32, i32
  }
  func.func @transform_7(%arg0: i32) -> (i32, i32) {
    %c0_i32 = arith.constant 0 : i32
    %c0_i32_0 = arith.constant 0 : i32
    return %arg0, %c0_i32 : i32, i32
  }
}

module attributes {stable_mosaic.version = 14 : i64} {
  func.func @_tc3_body(%arg0: i32, %arg1: memref<1000x128xf32, #tpu.memory_space<vmem>>, %arg2: memref<1000x1xf32, #tpu.memory_space<vmem>>, %arg3: memref<1x128xf32, #tpu.memory_space<vmem>>, %arg4: memref<1000x128xf32, #tpu.memory_space<vmem>>) attributes {dimension_semantics = [#tpu.dimension_semantics<arbitrary>], iteration_bounds = array<i64: 10>, scalar_prefetch = 0 : i64, scratch_operands = 0 : i64, tpu.core_type = #tpu.core_type<tc>, window_params = [{transform_indices = @transform_0, window_bounds = array<i64: 1000, 128>}, {transform_indices = @transform_1, window_bounds = array<i64: 1000, 1>}, {pipeline_mode = #tpu.pipeline_mode<synchronous>, transform_indices = @transform_2, window_bounds = array<i64: 1, 128>}, {transform_indices = @transform_3, window_bounds = array<i64: 1000, 128>}]} {
    %get3A = arith.constant 0 : index
    %get3A_0 = arith.constant 0 : index
    %get3A_1 = vector.load %arg1[%get3A, %get3A_0] : memref<1000x128xf32, #tpu.memory_space<vmem>>, vector<1000x128xf32>
    %get3A_2 = arith.constant 0 : index
    %get3A_3 = arith.constant 0 : index
    %get3A_4 = vector.load %arg2[%get3A_2, %get3A_3] : memref<1000x1xf32, #tpu.memory_space<vmem>>, vector<1000x1xf32>
    %mul3A = vector.broadcast %get3A_4 : vector<1000x1xf32> to vector<1000x128xf32>
    %mul3A_5 = arith.mulf %get3A_1, %mul3A : vector<1000x128xf32>
    %get3A_6 = arith.constant 0 : index
    %get3A_7 = arith.constant 0 : index
    %get3A_8 = vector.load %arg3[%get3A_6, %get3A_7] : memref<1x128xf32, #tpu.memory_space<vmem>>, vector<1x128xf32>
    %add3A = vector.broadcast %get3A_8 : vector<1x128xf32> to vector<1000x128xf32>
    %add3A_9 = arith.addf %mul3A_5, %add3A : vector<1000x128xf32>
    %swap3A = arith.constant 0 : index
    %swap3A_10 = arith.constant 0 : index
    %swap3A_11 = vector.load %arg4[%swap3A, %swap3A_10] : memref<1000x128xf32, #tpu.memory_space<vmem>>, vector<1000x128xf32>
    tpu.vector_store %arg4[%swap3A, %swap3A_10], %add3A_9 {strides = array<i32>} : memref<1000x128xf32, #tpu.memory_space<vmem>>, vector<1000x128xf32>,
    return
  }
  func.func @transform_0(%arg0: i32) -> (i32, i32) {
    %c0_i32 = arith.constant 0 : i32
    %c0_i32_0 = arith.constant 0 : i32
    return %arg0, %c0_i32 : i32, i32
  }
  func.func @transform_1(%arg0: i32) -> (i32, i32) {
    %c0_i32 = arith.constant 0 : i32
    %c0_i32_0 = arith.constant 0 : i32
    return %arg0, %c0_i32 : i32, i32
  }
  func.func @transform_2(%arg0: i32) -> (i32, i32) {
    %c0_i32 = arith.constant 0 : i32
    %c0_i32_0 = arith.constant 0 : i32
    %c0_i32_1 = arith.constant 0 : i32
    return %c0_i32, %c0_i32_0 : i32, i32
  }
  func.func @transform_3(%arg0: i32) -> (i32, i32) {
    %c0_i32 = arith.constant 0 : i32
    %c0_i32_0 = arith.constant 0 : i32
    return %arg0, %c0_i32 : i32, i32
  }
}

</mosaic_0001>

<sc_bundles>
// kernel: kernel.11.cloned.1.call-start
scs
__scs_entry_jumppad:
0x0: {  	(pc) =	sbr.rel $0x88, $3  }
0x1: {  	(tag) =	ssettag $0x0;
	lr =	simm.s32 $0x1  }
0x2: {  	[smem:$0x3F9B] =	sst lr;
	_ =	strace $0xD0000000  }
0x3: {  	_ = 	snop  }
0x4: {  	_ = 	snop  }
0x5: {  	_ = 	snop  }
0x6: {  	_ = 	snop  }
0x7: {  	_ = 	snop  }
__scs_overlays_trampoline_lowered:
0x8: {  	[smem:$0x3FAA] =	sst s0  }
0x9: {  	[smem:$0x3FAB] =	sst s1  }
0xa: {  	[smem:$0x3FAC] =	sst s2  }
0xb: {  	[smem:$0x3FAD] =	sst s3  }
0xc: {  	[smem:$0x3FAE] =	sst s4  }
0xd: {  	[smem:$0x3FAF] =	sst s5  }
0xe: {  	[smem:$0x3FB0] =	sst s6  }
0xf: {  	[smem:$0x3FB1] =	sst s7  }
0x10: {  	[smem:$0x3FB2] =	sst s8  }
0x11: {  	[smem:$0x3FB3] =	sst s9;
	s0 =	simm.s32 @!p0 $0x0  }
0x12: {  	s1 =	sld [smem:$0x3F99];
	s0 =	simm.s32 @p0 $0x1  }
0x13: {  	[smem:$0x3FB4] =	sst s0;
	s0 =	simm.s32 @!p1 $0x0  }
0x14: {  	s2 =	sld [smem:$0x3F98];
	s0 =	simm.s32 @p1 $0x1  }
0x15: {  	[smem:$0x3FB5] =	sst s0;
	s0 =	simm.s32 @!p2 $0x0  }
0x16: {  	s3 =	sld [smem:$0x3FDB];
	s0 =	simm.s32 @p2 $0x1  }
0x17: {  	s4 =	simm.s32 $0x1BF5;
	[smem:$0x3FB7] =	sst s0  }
0x18: {  	s0 =	sld [smem:$0x3F9A];
	_ =	swait.ge [sflag:s4], $0x0  }
0x19: {  	s7 =	sld [smem:$0x3F9B]  }
0x1a: {  	s8 =	sadd.s32 $0xFFFFE003, lr  }
0x1b: {  	s9 =	sadd.s32 $0xFFFFFEF7, lr;
	s5 =	simm.s32 $0xFFFFFFFF;
	p2 =	slt.u32 s8, $0xFFFFF086  }
0x1c: {  	p1 =	slt.u32 s9, $0xF7A;
	s5 =	simm.s32 @!p2 $0x0  }
0x1d: {  	s5 =	simm.s32 @p1 $0x1;
	p0 =	seq.s32 s7, s2  }
0x1e: {  	s7 =	smul.u32 @!p0 $0xF7A, s2;
	p2 =	seq.s32 @!p0 s5, $0x0  }
0x1f: {  	s9 =	smul.u32 $0xF7A, s1;
	s8 =	simm.s32 @!p0 $0x1BF5;
	p2 =	por !p2, p0  }
0x20: {  	[sflag:s8] =	ssyncset.s32 @!p0 $0xFFFFF086;
	s6 =	sadd.s32 @!p0 s3, s7;
	s7 =	simm.s32 @!p0 $0x108  }
0x21: {  	s3 =	sadd.s32 s3, s9;
	s6 =	sadd.s32 @!p0 $0x88, s6;
	s7 =	simm.s32 @p2 $0x1082  }
0x22: {  	[simem:s7], [sflag:s8] =	dma.local @!p0 [hbm:s6], $0xF7A  }
0x23: {  	s9 =	sor.u32 $0xD0000000, s2;
	s6 =	simm.s32 $0x108;
	_ =	swait.ge @!p0 [sflag:s8], $0x0  }
0x24: {  	s3 =	sadd.s32 $0x88, s3;
	s6 =	simm.s32 @!p1 $0x1082;
	[sflag:s4] =	ssyncset.s32 $0xFFFFF086  }
0x25: {  	[simem:s6], [sflag:s4] =	dma.local [hbm:s3], $0xF7A  }
0x26: {  	[smem:$0x3F9B] =	sst s1;
	(tag) =	ssettag s2;
	_ =	strace s9  }
0x27: {  	s1 =	sld [smem:$0x3FAB]  }
0x28: {  	s2 =	sld [smem:$0x3FAC]  }
0x29: {  	s4 =	sld [smem:$0x3FAE]  }
0x2a: {  	p0 =	seq.s32 s5, $0x0;
	s5 =	sld [smem:$0x3FAF]  }
0x2b: {  	s6 =	sld [smem:$0x3FB0]  }
0x2c: {  	s7 =	sld [smem:$0x3FB1]  }
0x2d: {  	s3 =	simm.s32 $0x108;
	s8 =	sld [smem:$0x3FB2]  }
0x2e: {  	s3 =	simm.s32 @!p0 $0x1082;
	s9 =	sld [smem:$0x3FB3]  }
0x2f: {  	lr =	sadd.s32 s0, s3;
	s0 =	sld [smem:$0x3FAA]  }
0x30: {  	s3 =	sld [smem:$0x3FAD]  }
0x31: {  	[smem:$0x3FB6] =	sst s10  }
0x32: {  	s10 =	sld [smem:$0x3FB4];
	_ =	sdelay $0x3  }
0x33: {  	p0 =	seq.s32 s10, $0x1;
	s10 =	sld [smem:$0x3FB6];
	_ =	sdelay $0x3  }
0x34: {  	[smem:$0x3FB6] =	sst s10  }
0x35: {  	s10 =	sld [smem:$0x3FB5];
	_ =	sdelay $0x3  }
0x36: {  	p1 =	seq.s32 s10, $0x1;
	s10 =	sld [smem:$0x3FB6];
	_ =	sdelay $0x3  }
0x37: {  	[smem:$0x3FB6] =	sst s10  }
0x38: {  	s10 =	sld [smem:$0x3FB7]  }
0x39: {  	_ = 	snop;
	(pc) =	sbr.ind lr, $3  }
0x3a: {  	_ = 	snop  }
0x3b: {  	_ = 	snop  }
0x3c: {  	p2 =	seq.s32 s10, $0x1;
	s10 =	sld [smem:$0x3FB6]  }
0x3d: {  	_ =	shalt  }
0x3e: {  	_ =	shalt  }
0x3f: {  	_ =	shalt  }
0x40: {  	_ =	shalt  }
0x41: {  	_ =	shalt  }
0x42: {  	_ =	shalt  }
0x43: {  	_ =	shalt  }
0x44: {  	_ =	shalt  }
0x45: {  	_ =	shalt  }
0x46: {  	_ =	shalt  }
0x47: {  	_ =	shalt  }
0x48: {  	_ =	shalt  }
0x49: {  	_ =	shalt  }
0x4a: {  	_ =	shalt  }
0x4b: {  	_ =	shalt  }
0x4c: {  	_ =	shalt  }
0x4d: {  	_ =	shalt  }
0x4e: {  	_ =	shalt  }
0x4f: {  	_ =	shalt  }
0x50: {  	_ =	shalt  }
0x51: {  	_ =	shalt  }
0x52: {  	_ =	shalt  }
0x53: {  	_ =	shalt  }
0x54: {  	_ =	shalt  }
0x55: {  	_ =	shalt  }
0x56: {  	_ =	shalt  }
0x57: {  	_ =	shalt  }
0x58: {  	_ =	shalt  }
0x59: {  	_ =	shalt  }
0x5a: {  	_ =	shalt  }
0x5b: {  	_ =	shalt  }
0x5c: {  	_ =	shalt  }
0x5d: {  	_ =	shalt  }
0x5e: {  	_ =	shalt  }
0x5f: {  	_ =	shalt  }
0x60: {  	_ =	shalt  }
0x61: {  	_ =	shalt  }
0x62: {  	_ =	shalt  }
0x63: {  	_ =	shalt  }
0x64: {  	_ =	shalt  }
0x65: {  	_ =	shalt  }
0x66: {  	_ =	shalt  }
0x67: {  	_ =	shalt  }
0x68: {  	_ =	shalt  }
0x69: {  	_ =	shalt  }
0x6a: {  	_ =	shalt  }
0x6b: {  	_ =	shalt  }
0x6c: {  	_ =	shalt  }
0x6d: {  	_ =	shalt  }
0x6e: {  	_ =	shalt  }
0x6f: {  	_ =	shalt  }
0x70: {  	_ =	shalt  }
0x71: {  	_ =	shalt  }
0x72: {  	_ =	shalt  }
0x73: {  	_ =	shalt  }
0x74: {  	_ =	shalt  }
0x75: {  	_ =	shalt  }
0x76: {  	_ =	shalt  }
0x77: {  	_ =	shalt  }
0x78: {  	_ =	shalt  }
0x79: {  	_ =	shalt  }
0x7a: {  	_ =	shalt  }
0x7b: {  	_ =	shalt  }
0x7c: {  	_ =	shalt  }
0x7d: {  	_ =	shalt  }
0x7e: {  	_ =	shalt  }
0x7f: {  	_ =	shalt  }
0x80: {  	_ =	shalt  }
0x81: {  	_ =	shalt  }
0x82: {  	_ =	shalt  }
0x83: {  	_ =	shalt  }
0x84: {  	_ =	shalt  }
0x85: {  	_ =	shalt  }
0x86: {  	_ =	shalt  }
0x87: {  	_ =	shalt  }
.Lfunc_end0:
.L_simem_size_0:
called_computation.1_lowered:
.L_overlay_start_0:
0x88: {  	s2 =	sld [smem:$0x3FD9]  }
0x89: {  	s3 =	sld [smem:$0x3FFE];
	_ =	sdelay $0x1  }
0x8a: {  	s1 =	srdreg.scid  }
0x8b: {  	s0 =	sand.u32 $0x1, s1  }
0x8c: {  	s17 =	sshll.u32 s0, $0xA;
	s2 =	sadd.s32 s3, s2  }
0x8d: {  	s2 =	sadd.s32 s2, s17  }
0x8e: {  	[smem:$0x3FC2] =	sst s2  }
0x8f: {  	_ = 	snop  }
0x90: {  	s2 =	sld [smem:$0x3FD0];
	(tm) =	ssettm $0x1  }
0x91: {  	s18 =	sld [smem:$0x3FFB];
	_ =	sdelay $0x3  }
0x92: {  	_ =	strace s18  }
0x93: {  	s3 =	sld [smem:$0x3FFC];
	_ =	sdelay $0x3  }
0x94: {  	_ =	strace s3  }
0x95: {  	s3 =	sld [smem:$0x3FFD];
	_ =	sdelay $0x3  }
0x96: {  	_ =	strace s3  }
0x97: {  	_ =	strace $0x8FFFFFFF  }
0x98: {  	s19 =	sld [smem:$0x3FDB];
	_ =	sdelay $0x1  }
0x99: {  	s4 =	simm.s32 $_scs_section_size  }
0x9a: {  	s5 =	simm.s32 $_size__tile_overlayer_lowered;
	s6 =	simm.s32 $_tile_overlayer_lowered  }
0x9b: {  	s22 =	simm.s32 $0x1BFF;
	s21 =	sshll.u32 s6, $0x1;
	s3 =	sadd.s32 s4, s19  }
0x9c: {  	s7 =	simm.s32 $0x0;
	s20 =	sshll.u32 s5, $0x1;
	s5 =	sadd.s32 s21, s3  }
0x9d: {  	[timem:s7], [sflag:s22] =	dma.local [hbm:s5], s20  }
0x9e: {  	_ =	swait.ge [sflag:s22], s20  }
0x9f: {  	s4 =	ssub.s32 $0x0, s20;
	[sflag:s22] =	ssyncset.done $0x0  }
0xa0: {  	[sflag:s22] =	ssyncadd.s32 s4;
	_ =	sdelay $0x1  }
0xa1: {  	s23 =	simm.s32 $0x1B8B  }
0xa2: {  	_ =	swait.ge [sflag:s23], $0x1  }
0xa3: {  	[sflag:s23] =	ssyncset.done $0x0  }
0xa4: {  	s25 =	simm.s32 $0x1B8E;
	s24 =	sld [smem:$0x3FFE];
	[sflag:s23] =	ssyncadd.s32 $0xFFFFFFFF  }
0xa5: {  	s26 =	simm.s32 $execute0_lowered;
	[smem:$0x3FD2] =	sst s25  }
0xa6: {  	s5 =	sshll.u32 s26, $0x1;
	_ =	strace $0x80000049;
	[dreg:$0x1] =	wrdreg $0xFFFFFFFF  }
0xa7: {  	s28 =	simm.s32 $_size_execute0_lowered;
	s3 =	sadd.s32 s3, s5;
	[dreg:$0x0] =	wrdreg $0x0  }
0xa8: {  	s5 =	sshll.u32 s28, $0x1;
	[dreg:$0x2] =	wrdreg s3  }
0xa9: {  	[dreg:$0x3] =	wrdreg s5  }
0xaa: {  	[dreg:$0x4] =	wrdreg $0xC0  }
0xab: {  	_ =	task [dreg:s7], $0x5FFFF  }
0xac: {  	[dreg:$0x1] =	wrdreg $0xFFFFFFFF  }
0xad: {  	[dreg:$0x0] =	wrdreg $0x60  }
0xae: {  	[dreg:$0x2] =	wrdreg s24  }
0xaf: {  	[dreg:$0x3] =	wrdreg s2  }
0xb0: {  	[dreg:$0x4] =	wrdreg $0x160000  }
0xb1: {  	[dreg:$0x5] =	wrdreg $0x9  }
0xb2: {  	_ =	task.clear_ibuf [dreg:s7], $0x6FFFF;
	_ =	strace $0x90000049  }
0xb3: {  	s29 =	simm.s32 $0x9;
	_ =	strace $0x8000004B  }
0xb4: {  	_ =	swait.ge [sflag:s29], $0x1  }
0xb5: {  	[sflag:s29] =	ssyncadd.s32 $0xFFFFFFFF  }
0xb6: {  	_ =	strace $0x9000004B  }
0xb7: {  	_ =	sfence  }
0xb8: {  	s30 =	sld [smem:$0x0];
	_ =	sdelay $0x2  }
0xb9: {  	s31 =	sshll.u32 s1, $0xD;
	s1 =	sshrl.u32 s1, $0x2  }
0xba: {  	s3 =	sand.u32 $0x4000, s31;
	s1 =	sadd.s32 s1, s30  }
0xbb: {  	s0 =	sor.u32 s3, s0;
	s1 =	sshll.u32 s1, $0x11  }
0xbc: {  	s0 =	sor.u32 s1, s0  }
0xbd: {  	s0 =	sadd.s32 $0x8F2B, s0  }
0xbe: {  	[sflag:s0] =	ssyncadd.remote.s32 $0x1  }
0xbf: {  	_ =	sfence.sel $0xFFFF  }
0xc0: {  	[dreg:$0x0] =	wrdreg $0xFFFFFFFF;
	(pc) =	sbr.abs _section_cstart, $3  }
0xc1: {  	[dreg:$0x1] =	wrdreg $0xFFFFFFFF  }
0xc2: {  	_ =	task.clear_ibuf [dreg:s7], $0x2FFFF;
	_ =	strace $0x9FFFFFFF  }
0xc3: {  	(tm) =	ssettm $0x7FFFFFFF  }
tec
execute0_lowered:
.L_overlay_start_1:
0x0: {  	(tag) =	ssettag $0x1  }
0x1: {  	s0 =	rddreg [dreg:$0x0]  }
0x2: {  	s2 =	rddreg [dreg:$0x1]  }
0x3: {  	s3 =	rddreg [dreg:$0x2];
	s4 =	simm.s32 $0x0  }
0x4: {  	s18 =	stileid.u32;
	s5 =	srdreg.scid;
	s17 =	simm.s32 $0x17000  }
0x5: {  	s28 =	simm.s32 $0x2;
	s29 =	simm.s32 $0x3;
	s30 =	simm.s32 $0x4F00  }
0x6: {  	s31 =	simm.s32 $0x9F00;
	[smem:$0x7FF] =	sst s4;
	s1 =	smul.u32 $0xA00, s18  }
0x7: {  	s6 =	sand.u32 $0x1, s5;
	s7 =	smul.u32 $0x27000, s18;
	s5 =	sadd.s32 $0x21000, s0  }
0x8: {  	s12 =	sadd.s32 $0x48A00, s0;
	s11 =	smul.u32 $0x1380, s18;
	s19 =	sadd.s32 $0x92400, s3  }
0x9: {  	_ =	strace $0x8000004A;
	s8 =	ssub.s32 $0x2, s6;
	s9 =	smul.u32 $0x13880, s6  }
0xa: {  	s21 =	smul.u32 $0x9C400, s6;
	p0 =	seq.s32 s6, $0x1;
	s1 =	sadd.s32 s1, s0  }
0xb: {  	s10 =	sshrl.u32 s8, $0x1;
	s0 =	sadd.s32 $0x6FC00, s0;
	s22 =	sshrl.u32 s7, $0x2  }
0xc: {  	s17 =	simm.s32 @!p0 $0x3000;
	p0 =	seq.s32 s18, $0xF;
	s18 =	simm.s32 $0x4  }
0xd: {  	s8 =	ssub.s32 s8, s10;
	s13 =	sadd.s32 $0xD000, s1;
	s6 =	sadd.s32 s22, s3  }
0xe: {  	s23 =	sadd.s32 s11, s9;
	s24 =	sshrl.u32 s21, $0x3;
	s17 =	sadd.s32 s17, s1  }
0xf: {  	s20 =	sshrl.u32 @p0 s19, $0x3;
	s21 =	simm.s32 $0x80;
	[dreg:$0x4] =	wrdreg s13  }
0x10: {  	s22 =	simm.s32 $0xA000;
	s19 =	simm.s32 $0x0;
	[dreg:$0x5] =	wrdreg s6  }
0x11: {  	s9 =	sadd.s32 s2, s23;
	s7 =	sadd.s32 $0x12480, s24;
	s26 =	sadd.s32 s12, s23  }
0x12: {  	s11 =	sadd.s32 s5, s23;
	s14 =	sadd.s32 s0, s23;
	s16 =	smax.u32 s8, $0x1  }
0x13: {  	s23 =	simm.s32 $0xE000;
	s24 =	simm.s32 $0x12000;
	[dreg:$0x6] =	wrdreg s9  }
0x14: {  	s25 =	sadd.s32 s2, s7;
	[dreg:$0x8] =	wrdreg s26;
	s12 =	sadd.s32 s12, s7  }
0x15: {  	s13 =	sadd.s32 s5, s7;
	s15 =	sadd.s32 s0, s7;
	s26 =	simm.s32 $0x5  }
0x16: {  	s0 =	simm.s32 $0x9F80;
	[dreg:$0x7] =	wrdreg s25;
	s25 =	simm.s32 $0x1  }
.LBB2_1:
0x17: {  	s1 =	rddreg [dreg:$0x4]  }
0x18: {  	[tilespmem:s4], [sflag:$0x4] =	stream.linear.gather [hbm4b:s1+s4], $0x5000, $0x38;
	[tilespmem:$0x1FE80] =	vst v63  }
0x19: {  	_ =	swait.ge [sflag:s18], $0x5000  }
0x1a: {  	[sflag:s18] =	ssyncset.done $0x0  }
0x1b: {  	s7 =	simm.s32 $0x5000;
	[sflag:s18] =	ssyncadd.s32 $0xFFFFB000  }
0x1c: {  	[tilespmem:s7], [sflag:$0x4] =	stream.linear.gather [hbm4b:s17+s4], $0x5000, $0x38;
	[tilespmem:$0x1FE80] =	vst v63  }
0x1d: {  	_ =	swait.ge [sflag:s18], $0x5000  }
0x1e: {  	[sflag:s18] =	ssyncset.done $0x0  }
0x1f: {  	s1 =	simm.s32 @p0 $0x1FC4;
	s6 =	rddreg [dreg:$0x7];
	[sflag:s18] =	ssyncadd.s32 $0xFFFFB000  }
0x20: {  	[spmem:s20], [sflag:s1] =	dma.local @p0 [hbm:s6], $0x1400  }
0x21: {  	s1 =	simm.s32 @p0 $0x4  }
0x22: {  	s6 =	stileid.u32;
	_ =	swait.ge @p0 [sflag:s1], $0x1400  }
0x23: {  	s6 =	sshll.u32 @!p0 s6, $0x6;
	[sflag:s1] =	ssyncset.done @p0 $0x0  }
0x24: {  	[sflag:s1] =	ssyncadd.s32 @p0 $0xFFFFEC00;
	s1 =	sor.u32 @!p0 $0x1C04, s6;
	s6 =	rddreg [dreg:$0x5]  }
0x25: {  	s7 =	rddreg [dreg:$0x6];
	s6 =	sshrl.u32 @!p0 s6, $0x3  }
0x26: {  	[spmem:s6], [sflag:s1] =	dma.local @!p0 [hbm:s7], $0x1380  }
0x27: {  	s7 =	simm.s32 @!p0 $0x4  }
0x28: {  	_ =	swait.ge @!p0 [sflag:s7], $0x1380  }
0x29: {  	[sflag:s7] =	ssyncset.done @!p0 $0x0  }
0x2a: {  	[sflag:s7] =	ssyncadd.s32 @!p0 $0xFFFFEC80  }
0x2b: {  	[bflag:$0x0] =	sbarrier.arrive $0xFFFF  }
0x2c: {  	[tilespmem:s22], [sflag:$0x1] =	stream.indirect.gather [hbm4b:s2+s21], $0x80, s4, s21, $0xb8;
	[tilespmem:$0x1FE80] =	vst v63  }
0x2d: {  	_ = 	snop  }
0x2e: {  	[tilespmem:s23], [sflag:$0x2] =	stream.indirect.gather [hbm4b:s2+s21], $0x80, s21, s21, $0xb8;
	[tilespmem:$0x1FE80] =	vst v63  }
0x2f: {  	s8 =	simm.s32 $0x100  }
0x30: {  	[tilespmem:s24], [sflag:$0x3] =	stream.indirect.gather [hbm4b:s2+s21], $0x80, s8, s21, $0xb8;
	[tilespmem:$0x1FE80] =	vst v63  }
0x31: {  	_ =	swait.ge [sflag:s25], $0x4000  }
0x32: {  	[sflag:s25] =	ssyncset.done $0x0  }
0x33: {  	s9 =	simm.s32 $0x5000;
	[sflag:s25] =	ssyncadd.s32 $0xFFFFC000  }
0x34: {  	[spmem:s3] =	stream.indirect.scatter.add.f32 [tilespmem:s22], [sflag:$0x5], $0x80, s9, s21, $0xb8;
	[tilespmem:$0x1FE80] =	vst v63  }
0x35: {  	_ =	swait.ge [sflag:s26], $0x4000  }
0x36: {  	[sflag:s26] =	ssyncset.done $0x0  }
0x37: {  	s10 =	simm.s32 $0x180;
	[sflag:s26] =	ssyncadd.s32 $0xFFFFC000  }
0x38: {  	[tilespmem:s22], [sflag:$0x1] =	stream.indirect.gather [hbm4b:s2+s21], $0x80, s10, s21, $0xb8;
	[tilespmem:$0x1FE80] =	vst v63  }
0x39: {  	_ =	swait.ge [sflag:s28], $0x4000  }
0x3a: {  	[sflag:s28] =	ssyncset.done $0x0  }
0x3b: {  	s8 =	simm.s32 $0x5080;
	[sflag:s28] =	ssyncadd.s32 $0xFFFFC000  }
0x3c: {  	[spmem:s3] =	stream.indirect.scatter.add.f32 [tilespmem:s23], [sflag:$0x5], $0x80, s8, s21, $0xb8;
	[tilespmem:$0x1FE80] =	vst v63  }
0x3d: {  	_ =	swait.ge [sflag:s26], $0x4000  }
0x3e: {  	[sflag:s26] =	ssyncset.done $0x0  }
0x3f: {  	s9 =	simm.s32 $0x200;
	[sflag:s26] =	ssyncadd.s32 $0xFFFFC000  }
0x40: {  	[tilespmem:s23], [sflag:$0x2] =	stream.indirect.gather [hbm4b:s2+s21], $0x80, s9, s21, $0xb8;
	[tilespmem:$0x1FE80] =	vst v63  }
0x41: {  	_ =	swait.ge [sflag:s29], $0x4000  }
0x42: {  	[sflag:s29] =	ssyncset.done $0x0  }
0x43: {  	s10 =	simm.s32 $0x5100;
	[sflag:s29] =	ssyncadd.s32 $0xFFFFC000  }
0x44: {  	[spmem:s3] =	stream.indirect.scatter.add.f32 [tilespmem:s24], [sflag:$0x4], $0x80, s10, s21, $0xb8;
	[tilespmem:$0x1FE80] =	vst v63  }
0x45: {  	_ =	swait.ge [sflag:s18], $0x4000  }
0x46: {  	s7 =	simm.s32 $0xC00;
	s8 =	simm.s32 $0x180;
	[sflag:s18] =	ssyncset.done $0x0  }
.LBB2_2:
0x47: {  	s9 =	sadd.s32 $0x100, s8  }
0x48: {  	[sflag:s18] =	ssyncadd.s32 $0xFFFFC000;
	s10 =	smov.u32 s7;
	s7 =	sadd.s32 $0x600, s7  }
0x49: {  	[tilespmem:s24], [sflag:$0x3] =	stream.indirect.gather [hbm4b:s2+s21], $0x80, s9, s21, $0xb8;
	[tilespmem:$0x1FE80] =	vst v63  }
0x4a: {  	p1 =	sne.s32 s7, $0x13800;
	_ =	swait.ge [sflag:s25], $0x4000  }
0x4b: {  	[sflag:s25] =	ssyncset.done $0x0  }
0x4c: {  	s9 =	sadd.s32 $0x5000, s8;
	[sflag:s25] =	ssyncadd.s32 $0xFFFFC000  }
0x4d: {  	[spmem:s3] =	stream.indirect.scatter.add.f32 [tilespmem:s22], [sflag:$0x5], $0x80, s9, s21, $0xb8;
	[tilespmem:$0x1FE80] =	vst v63  }
0x4e: {  	_ =	swait.ge [sflag:s26], $0x4000  }
0x4f: {  	[sflag:s26] =	ssyncset.done $0x0  }
0x50: {  	s9 =	sadd.s32 $0x180, s8;
	[sflag:s26] =	ssyncadd.s32 $0xFFFFC000  }
0x51: {  	[tilespmem:s22], [sflag:$0x1] =	stream.indirect.gather [hbm4b:s2+s21], $0x80, s9, s21, $0xb8;
	[tilespmem:$0x1FE80] =	vst v63  }
0x52: {  	_ =	swait.ge [sflag:s28], $0x4000  }
0x53: {  	[sflag:s28] =	ssyncset.done $0x0  }
0x54: {  	s9 =	sadd.s32 $0x5080, s8;
	[sflag:s28] =	ssyncadd.s32 $0xFFFFC000  }
0x55: {  	[spmem:s3] =	stream.indirect.scatter.add.f32 [tilespmem:s23], [sflag:$0x5], $0x80, s9, s21, $0xb8;
	[tilespmem:$0x1FE80] =	vst v63  }
0x56: {  	_ =	swait.ge [sflag:s26], $0x4000  }
0x57: {  	[sflag:s26] =	ssyncset.done $0x0  }
0x58: {  	s9 =	sadd.s32 $0x200, s8;
	[sflag:s26] =	ssyncadd.s32 $0xFFFFC000  }
0x59: {  	[tilespmem:s23], [sflag:$0x2] =	stream.indirect.gather [hbm4b:s2+s21], $0x80, s9, s21, $0xb8;
	[tilespmem:$0x1FE80] =	vst v63  }
0x5a: {  	_ =	swait.ge [sflag:s29], $0x4000  }
.Ltmp0:
0x5b: {  	[sflag:s29] =	ssyncset.done $0x0;
	(pc) =	sbr.rel @p1 .LBB2_2-.Ltmp0, $4  }
0x5c: {  	s8 =	sadd.s32 $0x5100, s8;
	[sflag:s29] =	ssyncadd.s32 $0xFFFFC000  }
0x5d: {  	[spmem:s3] =	stream.indirect.scatter.add.f32 [tilespmem:s24], [sflag:$0x4], $0x80, s8, s21, $0xb8;
	[tilespmem:$0x1FE80] =	vst v63  }
0x5e: {  	_ =	swait.ge [sflag:s18], $0x4000  }
0x5f: {  	s8 =	sshra.s32 s10, $0x2;
	[sflag:s18] =	ssyncset.done $0x0  }
0x60: {  	s9 =	sadd.s32 $0x100, s8;
	[sflag:s18] =	ssyncadd.s32 $0xFFFFC000  }
0x61: {  	[tilespmem:s24], [sflag:$0x3] =	stream.indirect.gather [hbm4b:s2+s21], $0x80, s9, s21, $0xb8;
	[tilespmem:$0x1FE80] =	vst v63  }
0x62: {  	_ =	swait.ge [sflag:s25], $0x4000  }
0x63: {  	[sflag:s25] =	ssyncset.done $0x0  }
0x64: {  	s10 =	sadd.s32 $0x5000, s8;
	[sflag:s25] =	ssyncadd.s32 $0xFFFFC000  }
0x65: {  	[spmem:s3] =	stream.indirect.scatter.add.f32 [tilespmem:s22], [sflag:$0x5], $0x80, s10, s21, $0xb8;
	[tilespmem:$0x1FE80] =	vst v63  }
0x66: {  	_ =	swait.ge [sflag:s26], $0x4000  }
0x67: {  	[sflag:s26] =	ssyncset.done $0x0  }
0x68: {  	s10 =	sadd.s32 $0x180, s8;
	[sflag:s26] =	ssyncadd.s32 $0xFFFFC000  }
0x69: {  	[tilespmem:s22], [sflag:$0x1] =	stream.indirect.gather [hbm4b:s2+s21], $0x80, s10, s21, $0xb8;
	[tilespmem:$0x1FE80] =	vst v63  }
0x6a: {  	_ =	swait.ge [sflag:s28], $0x4000  }
0x6b: {  	[sflag:s28] =	ssyncset.done $0x0  }
0x6c: {  	s10 =	sadd.s32 $0x5080, s8;
	[sflag:s28] =	ssyncadd.s32 $0xFFFFC000  }
0x6d: {  	[spmem:s3] =	stream.indirect.scatter.add.f32 [tilespmem:s23], [sflag:$0x5], $0x80, s10, s21, $0xb8;
	[tilespmem:$0x1FE80] =	vst v63  }
0x6e: {  	_ =	swait.ge [sflag:s26], $0x4000  }
0x6f: {  	[sflag:s26] =	ssyncset.done $0x0  }
0x70: {  	s10 =	sadd.s32 $0x200, s8;
	[sflag:s26] =	ssyncadd.s32 $0xFFFFC000  }
0x71: {  	[tilespmem:s23], [sflag:$0x2] =	stream.indirect.gather [hbm4b:s2+s21], $0x80, s10, s21, $0xb8;
	[tilespmem:$0x1FE80] =	vst v63  }
0x72: {  	_ =	swait.ge [sflag:s29], $0x4000  }
0x73: {  	[sflag:s29] =	ssyncset.done $0x0  }
0x74: {  	s9 =	sadd.s32 $0x5100, s8;
	[sflag:s29] =	ssyncadd.s32 $0xFFFFC000  }
0x75: {  	[spmem:s3] =	stream.indirect.scatter.add.f32 [tilespmem:s24], [sflag:$0x4], $0x80, s9, s21, $0xb8;
	[tilespmem:$0x1FE80] =	vst v63  }
0x76: {  	_ =	swait.ge [sflag:s18], $0x4000  }
0x77: {  	[sflag:s18] =	ssyncset.done $0x0  }
0x78: {  	[sflag:s18] =	ssyncadd.s32 $0xFFFFC000  }
0x79: {  	[tilespmem:s24], [sflag:$0x3] =	stream.indirect.gather [hbm4b:s2+s21], $0x80, s30, s21, $0xb8;
	[tilespmem:$0x1FE80] =	vst v63  }
0x7a: {  	_ =	swait.ge [sflag:s25], $0x4000  }
0x7b: {  	s7 =	sshra.s32 s7, $0x2;
	[sflag:s25] =	ssyncset.done $0x0  }
0x7c: {  	s10 =	sadd.s32 $0x5000, s7;
	[sflag:s25] =	ssyncadd.s32 $0xFFFFC000  }
0x7d: {  	[spmem:s3] =	stream.indirect.scatter.add.f32 [tilespmem:s22], [sflag:$0x5], $0x80, s10, s21, $0xb8;
	[tilespmem:$0x1FE80] =	vst v63  }
0x7e: {  	_ =	swait.ge [sflag:s26], $0x4000  }
0x7f: {  	[sflag:s26] =	ssyncset.done $0x0  }
0x80: {  	s9 =	sadd.s32 $0x180, s7;
	[sflag:s26] =	ssyncadd.s32 $0xFFFFC000  }
0x81: {  	[tilespmem:s22], [sflag:$0x1] =	stream.indirect.gather [hbm4b:s2+s21], $0x80, s9, s21, $0xb8;
	[tilespmem:$0x1FE80] =	vst v63  }
0x82: {  	_ =	swait.ge [sflag:s28], $0x4000  }
0x83: {  	[sflag:s28] =	ssyncset.done $0x0  }
0x84: {  	s7 =	sadd.s32 $0x5080, s7;
	[sflag:s28] =	ssyncadd.s32 $0xFFFFC000  }
0x85: {  	[spmem:s3] =	stream.indirect.scatter.add.f32 [tilespmem:s23], [sflag:$0x5], $0x80, s7, s21, $0xb8;
	[tilespmem:$0x1FE80] =	vst v63  }
0x86: {  	_ =	swait.ge [sflag:s26], $0x4000  }
0x87: {  	[sflag:s26] =	ssyncset.done $0x0  }
0x88: {  	[sflag:s26] =	ssyncadd.s32 $0xFFFFC000  }
0x89: {  	_ =	swait.ge [sflag:s29], $0x4000  }
0x8a: {  	[sflag:s29] =	ssyncset.done $0x0  }
0x8b: {  	[sflag:s29] =	ssyncadd.s32 $0xFFFFC000  }
0x8c: {  	[spmem:s3] =	stream.indirect.scatter.add.f32 [tilespmem:s24], [sflag:$0x4], $0x80, s31, s21, $0xb8;
	[tilespmem:$0x1FE80] =	vst v63  }
0x8d: {  	_ =	swait.ge [sflag:s18], $0x4000  }
0x8e: {  	[sflag:s18] =	ssyncset.done $0x0  }
0x8f: {  	[sflag:s18] =	ssyncadd.s32 $0xFFFFC000  }
0x90: {  	_ =	swait.ge [sflag:s25], $0x4000  }
0x91: {  	[sflag:s25] =	ssyncset.done $0x0  }
0x92: {  	[sflag:s25] =	ssyncadd.s32 $0xFFFFC000  }
0x93: {  	[spmem:s3] =	stream.indirect.scatter.add.f32 [tilespmem:s22], [sflag:$0x5], $0x80, s0, s21, $0xb8;
	[tilespmem:$0x1FE80] =	vst v63  }
0x94: {  	_ =	swait.ge [sflag:s26], $0x4000  }
0x95: {  	[sflag:s26] =	ssyncset.done $0x0  }
0x96: {  	[sflag:s26] =	ssyncadd.s32 $0xFFFFC000  }
0x97: {  	s8 =	simm.s32 @p0 $0x4;
	s7 =	simm.s32 @p0 $0x1FC4;
	[bflag:$0x0] =	sbarrier.arrive $0xFFFF  }
0x98: {  	[hbm:s12], [sflag:s7] =	dma.local @p0 [spmem:s20], $0x1400  }
0x99: {  	_ =	swait.ge @p0 [sflag:s8], $0x1400  }
0x9a: {  	[sflag:s8] =	ssyncset.done @p0 $0x0  }
0x9b: {  	[sflag:s8] =	ssyncadd.s32 @p0 $0xFFFFEC00  }
0x9c: {  	[bflag:$0x0] =	sbarrier.arrive @p0 $0xFFFF  }
0x9d: {  	[spmem:s20], [sflag:s7] =	dma.local @p0 [hbm:s13], $0x1400  }
0x9e: {  	_ =	swait.ge @p0 [sflag:s8], $0x1400  }
0x9f: {  	[sflag:s8] =	ssyncset.done @p0 $0x0  }
0xa0: {  	s7 =	rddreg [dreg:$0x8];
	[sflag:s8] =	ssyncadd.s32 @p0 $0xFFFFEC00  }
0xa1: {  	[hbm:s7], [sflag:s1] =	dma.local @!p0 [spmem:s6], $0x1380  }
0xa2: {  	s7 =	simm.s32 @!p0 $0x4  }
0xa3: {  	_ =	swait.ge @!p0 [sflag:s7], $0x1380  }
0xa4: {  	[sflag:s7] =	ssyncset.done @!p0 $0x0  }
0xa5: {  	[sflag:s7] =	ssyncadd.s32 @!p0 $0xFFFFEC80  }
0xa6: {  	[bflag:$0x0] =	sbarrier.arrive @!p0 $0xFFFF  }
0xa7: {  	[spmem:s6], [sflag:s1] =	dma.local @!p0 [hbm:s11], $0x1380  }
0xa8: {  	_ =	swait.ge @!p0 [sflag:s7], $0x1380  }
0xa9: {  	[sflag:s7] =	ssyncset.done @!p0 $0x0  }
0xaa: {  	[sflag:s7] =	ssyncadd.s32 @!p0 $0xFFFFEC80  }
0xab: {  	s10 =	simm.s32 $0x0;
	[bflag:$0x0] =	sbarrier.arrive $0xFFFF  }
0xac: {  	[tilespmem:s22], [sflag:$0x1] =	stream.indirect.gather [hbm4b:s5+s21], $0x80, s10, s21, $0xb8;
	[tilespmem:$0x1FE80] =	vst v63  }
0xad: {  	_ = 	snop  }
0xae: {  	[tilespmem:s23], [sflag:$0x2] =	stream.indirect.gather [hbm4b:s5+s21], $0x80, s21, s21, $0xb8;
	[tilespmem:$0x1FE80] =	vst v63  }
0xaf: {  	s8 =	simm.s32 $0x100  }
0xb0: {  	[tilespmem:s24], [sflag:$0x3] =	stream.indirect.gather [hbm4b:s5+s21], $0x80, s8, s21, $0xb8;
	[tilespmem:$0x1FE80] =	vst v63  }
0xb1: {  	_ =	swait.ge [sflag:s25], $0x4000  }
0xb2: {  	[sflag:s25] =	ssyncset.done $0x0  }
0xb3: {  	s9 =	simm.s32 $0x5000;
	[sflag:s25] =	ssyncadd.s32 $0xFFFFC000  }
0xb4: {  	[spmem:s3] =	stream.indirect.scatter.add.f32 [tilespmem:s22], [sflag:$0x5], $0x80, s9, s21, $0xb8;
	[tilespmem:$0x1FE80] =	vst v63  }
0xb5: {  	_ =	swait.ge [sflag:s26], $0x4000  }
0xb6: {  	[sflag:s26] =	ssyncset.done $0x0  }
0xb7: {  	s10 =	simm.s32 $0x180;
	[sflag:s26] =	ssyncadd.s32 $0xFFFFC000  }
0xb8: {  	[tilespmem:s22], [sflag:$0x1] =	stream.indirect.gather [hbm4b:s5+s21], $0x80, s10, s21, $0xb8;
	[tilespmem:$0x1FE80] =	vst v63  }
0xb9: {  	_ =	swait.ge [sflag:s28], $0x4000  }
0xba: {  	[sflag:s28] =	ssyncset.done $0x0  }
0xbb: {  	s8 =	simm.s32 $0x5080;
	[sflag:s28] =	ssyncadd.s32 $0xFFFFC000  }
0xbc: {  	[spmem:s3] =	stream.indirect.scatter.add.f32 [tilespmem:s23], [sflag:$0x5], $0x80, s8, s21, $0xb8;
	[tilespmem:$0x1FE80] =	vst v63  }
0xbd: {  	_ =	swait.ge [sflag:s26], $0x4000  }
0xbe: {  	[sflag:s26] =	ssyncset.done $0x0  }
0xbf: {  	s9 =	simm.s32 $0x200;
	[sflag:s26] =	ssyncadd.s32 $0xFFFFC000  }
0xc0: {  	[tilespmem:s23], [sflag:$0x2] =	stream.indirect.gather [hbm4b:s5+s21], $0x80, s9, s21, $0xb8;
	[tilespmem:$0x1FE80] =	vst v63  }
0xc1: {  	_ =	swait.ge [sflag:s29], $0x4000  }
0xc2: {  	[sflag:s29] =	ssyncset.done $0x0  }
0xc3: {  	s10 =	simm.s32 $0x5100;
	[sflag:s29] =	ssyncadd.s32 $0xFFFFC000  }
0xc4: {  	[spmem:s3] =	stream.indirect.scatter.add.f32 [tilespmem:s24], [sflag:$0x4], $0x80, s10, s21, $0xb8;
	[tilespmem:$0x1FE80] =	vst v63  }
0xc5: {  	_ =	swait.ge [sflag:s18], $0x4000  }
0xc6: {  	s7 =	simm.s32 $0xC00;
	s8 =	simm.s32 $0x180;
	[sflag:s18] =	ssyncset.done $0x0  }
.LBB2_4:
0xc7: {  	s9 =	sadd.s32 $0x100, s8  }
0xc8: {  	[sflag:s18] =	ssyncadd.s32 $0xFFFFC000;
	s10 =	smov.u32 s7;
	s7 =	sadd.s32 $0x600, s7  }
0xc9: {  	[tilespmem:s24], [sflag:$0x3] =	stream.indirect.gather [hbm4b:s5+s21], $0x80, s9, s21, $0xb8;
	[tilespmem:$0x1FE80] =	vst v63  }
0xca: {  	p1 =	sne.s32 s7, $0x13800;
	_ =	swait.ge [sflag:s25], $0x4000  }
0xcb: {  	[sflag:s25] =	ssyncset.done $0x0  }
0xcc: {  	s9 =	sadd.s32 $0x5000, s8;
	[sflag:s25] =	ssyncadd.s32 $0xFFFFC000  }
0xcd: {  	[spmem:s3] =	stream.indirect.scatter.add.f32 [tilespmem:s22], [sflag:$0x5], $0x80, s9, s21, $0xb8;
	[tilespmem:$0x1FE80] =	vst v63  }
0xce: {  	_ =	swait.ge [sflag:s26], $0x4000  }
0xcf: {  	[sflag:s26] =	ssyncset.done $0x0  }
0xd0: {  	s9 =	sadd.s32 $0x180, s8;
	[sflag:s26] =	ssyncadd.s32 $0xFFFFC000  }
0xd1: {  	[tilespmem:s22], [sflag:$0x1] =	stream.indirect.gather [hbm4b:s5+s21], $0x80, s9, s21, $0xb8;
	[tilespmem:$0x1FE80] =	vst v63  }
0xd2: {  	_ =	swait.ge [sflag:s28], $0x4000  }
0xd3: {  	[sflag:s28] =	ssyncset.done $0x0  }
0xd4: {  	s9 =	sadd.s32 $0x5080, s8;
	[sflag:s28] =	ssyncadd.s32 $0xFFFFC000  }
0xd5: {  	[spmem:s3] =	stream.indirect.scatter.add.f32 [tilespmem:s23], [sflag:$0x5], $0x80, s9, s21, $0xb8;
	[tilespmem:$0x1FE80] =	vst v63  }
0xd6: {  	_ =	swait.ge [sflag:s26], $0x4000  }
0xd7: {  	[sflag:s26] =	ssyncset.done $0x0  }
0xd8: {  	s9 =	sadd.s32 $0x200, s8;
	[sflag:s26] =	ssyncadd.s32 $0xFFFFC000  }
0xd9: {  	[tilespmem:s23], [sflag:$0x2] =	stream.indirect.gather [hbm4b:s5+s21], $0x80, s9, s21, $0xb8;
	[tilespmem:$0x1FE80] =	vst v63  }
0xda: {  	_ =	swait.ge [sflag:s29], $0x4000  }
.Ltmp1:
0xdb: {  	[sflag:s29] =	ssyncset.done $0x0;
	(pc) =	sbr.rel @p1 .LBB2_4-.Ltmp1, $4  }
0xdc: {  	s8 =	sadd.s32 $0x5100, s8;
	[sflag:s29] =	ssyncadd.s32 $0xFFFFC000  }
0xdd: {  	[spmem:s3] =	stream.indirect.scatter.add.f32 [tilespmem:s24], [sflag:$0x4], $0x80, s8, s21, $0xb8;
	[tilespmem:$0x1FE80] =	vst v63  }
0xde: {  	_ =	swait.ge [sflag:s18], $0x4000  }
0xdf: {  	s8 =	sshra.s32 s10, $0x2;
	[sflag:s18] =	ssyncset.done $0x0  }
0xe0: {  	s9 =	sadd.s32 $0x100, s8;
	[sflag:s18] =	ssyncadd.s32 $0xFFFFC000  }
0xe1: {  	[tilespmem:s24], [sflag:$0x3] =	stream.indirect.gather [hbm4b:s5+s21], $0x80, s9, s21, $0xb8;
	[tilespmem:$0x1FE80] =	vst v63  }
0xe2: {  	_ =	swait.ge [sflag:s25], $0x4000  }
0xe3: {  	[sflag:s25] =	ssyncset.done $0x0  }
0xe4: {  	s10 =	sadd.s32 $0x5000, s8;
	[sflag:s25] =	ssyncadd.s32 $0xFFFFC000  }
0xe5: {  	[spmem:s3] =	stream.indirect.scatter.add.f32 [tilespmem:s22], [sflag:$0x5], $0x80, s10, s21, $0xb8;
	[tilespmem:$0x1FE80] =	vst v63  }
0xe6: {  	_ =	swait.ge [sflag:s26], $0x4000  }
0xe7: {  	[sflag:s26] =	ssyncset.done $0x0  }
0xe8: {  	s10 =	sadd.s32 $0x180, s8;
	[sflag:s26] =	ssyncadd.s32 $0xFFFFC000  }
0xe9: {  	[tilespmem:s22], [sflag:$0x1] =	stream.indirect.gather [hbm4b:s5+s21], $0x80, s10, s21, $0xb8;
	[tilespmem:$0x1FE80] =	vst v63  }
0xea: {  	_ =	swait.ge [sflag:s28], $0x4000  }
0xeb: {  	[sflag:s28] =	ssyncset.done $0x0  }
0xec: {  	s10 =	sadd.s32 $0x5080, s8;
	[sflag:s28] =	ssyncadd.s32 $0xFFFFC000  }
0xed: {  	[spmem:s3] =	stream.indirect.scatter.add.f32 [tilespmem:s23], [sflag:$0x5], $0x80, s10, s21, $0xb8;
	[tilespmem:$0x1FE80] =	vst v63  }
0xee: {  	_ =	swait.ge [sflag:s26], $0x4000  }
0xef: {  	[sflag:s26] =	ssyncset.done $0x0  }
0xf0: {  	s10 =	sadd.s32 $0x200, s8;
	[sflag:s26] =	ssyncadd.s32 $0xFFFFC000  }
0xf1: {  	[tilespmem:s23], [sflag:$0x2] =	stream.indirect.gather [hbm4b:s5+s21], $0x80, s10, s21, $0xb8;
	[tilespmem:$0x1FE80] =	vst v63  }
0xf2: {  	_ =	swait.ge [sflag:s29], $0x4000  }
0xf3: {  	[sflag:s29] =	ssyncset.done $0x0  }
0xf4: {  	s10 =	sadd.s32 $0x5100, s8;
	[sflag:s29] =	ssyncadd.s32 $0xFFFFC000  }
0xf5: {  	[spmem:s3] =	stream.indirect.scatter.add.f32 [tilespmem:s24], [sflag:$0x4], $0x80, s10, s21, $0xb8;
	[tilespmem:$0x1FE80] =	vst v63  }
0xf6: {  	_ =	swait.ge [sflag:s18], $0x4000  }
0xf7: {  	[sflag:s18] =	ssyncset.done $0x0  }
0xf8: {  	[sflag:s18] =	ssyncadd.s32 $0xFFFFC000  }
0xf9: {  	[tilespmem:s24], [sflag:$0x3] =	stream.indirect.gather [hbm4b:s5+s21], $0x80, s30, s21, $0xb8;
	[tilespmem:$0x1FE80] =	vst v63  }
0xfa: {  	_ =	swait.ge [sflag:s25], $0x4000  }
0xfb: {  	s7 =	sshra.s32 s7, $0x2;
	[sflag:s25] =	ssyncset.done $0x0  }
0xfc: {  	s9 =	sadd.s32 $0x5000, s7;
	[sflag:s25] =	ssyncadd.s32 $0xFFFFC000  }
0xfd: {  	[spmem:s3] =	stream.indirect.scatter.add.f32 [tilespmem:s22], [sflag:$0x5], $0x80, s9, s21, $0xb8;
	[tilespmem:$0x1FE80] =	vst v63  }
0xfe: {  	_ =	swait.ge [sflag:s26], $0x4000  }
0xff: {  	[sflag:s26] =	ssyncset.done $0x0  }
0x100: {  	s10 =	sadd.s32 $0x180, s7;
	[sflag:s26] =	ssyncadd.s32 $0xFFFFC000  }
0x101: {  	[tilespmem:s22], [sflag:$0x1] =	stream.indirect.gather [hbm4b:s5+s21], $0x80, s10, s21, $0xb8;
	[tilespmem:$0x1FE80] =	vst v63  }
0x102: {  	_ =	swait.ge [sflag:s28], $0x4000  }
0x103: {  	[sflag:s28] =	ssyncset.done $0x0  }
0x104: {  	s7 =	sadd.s32 $0x5080, s7;
	[sflag:s28] =	ssyncadd.s32 $0xFFFFC000  }
0x105: {  	[spmem:s3] =	stream.indirect.scatter.add.f32 [tilespmem:s23], [sflag:$0x5], $0x80, s7, s21, $0xb8;
	[tilespmem:$0x1FE80] =	vst v63  }
0x106: {  	_ =	swait.ge [sflag:s26], $0x4000  }
0x107: {  	[sflag:s26] =	ssyncset.done $0x0  }
0x108: {  	[sflag:s26] =	ssyncadd.s32 $0xFFFFC000  }
0x109: {  	_ =	swait.ge [sflag:s29], $0x4000  }
0x10a: {  	[sflag:s29] =	ssyncset.done $0x0  }
0x10b: {  	[sflag:s29] =	ssyncadd.s32 $0xFFFFC000  }
0x10c: {  	[spmem:s3] =	stream.indirect.scatter.add.f32 [tilespmem:s24], [sflag:$0x4], $0x80, s31, s21, $0xb8;
	[tilespmem:$0x1FE80] =	vst v63  }
0x10d: {  	_ =	swait.ge [sflag:s18], $0x4000  }
0x10e: {  	[sflag:s18] =	ssyncset.done $0x0  }
0x10f: {  	[sflag:s18] =	ssyncadd.s32 $0xFFFFC000  }
0x110: {  	_ =	swait.ge [sflag:s25], $0x4000  }
0x111: {  	[sflag:s25] =	ssyncset.done $0x0  }
0x112: {  	[sflag:s25] =	ssyncadd.s32 $0xFFFFC000  }
0x113: {  	[spmem:s3] =	stream.indirect.scatter.add.f32 [tilespmem:s22], [sflag:$0x5], $0x80, s0, s21, $0xb8;
	[tilespmem:$0x1FE80] =	vst v63  }
0x114: {  	_ =	swait.ge [sflag:s26], $0x4000  }
0x115: {  	[sflag:s26] =	ssyncset.done $0x0  }
0x116: {  	[sflag:s26] =	ssyncadd.s32 $0xFFFFC000  }
0x117: {  	s7 =	simm.s32 @p0 $0x1FC4;
	[bflag:$0x0] =	sbarrier.arrive $0xFFFF  }
0x118: {  	[hbm:s15], [sflag:s7] =	dma.local @p0 [spmem:s20], $0x1400  }
0x119: {  	s7 =	simm.s32 @p0 $0x4  }
0x11a: {  	_ =	swait.ge @p0 [sflag:s7], $0x1400  }
0x11b: {  	s19 =	sadd.s32 $0x1, s19;
	[sflag:s7] =	ssyncset.done @p0 $0x0  }
0x11c: {  	p1 =	sne.s32 s19, s16;
	[sflag:s7] =	ssyncadd.s32 @p0 $0xFFFFEC00  }
0x11d: {  	[hbm:s14], [sflag:s1] =	dma.local @!p0 [spmem:s6], $0x1380  }
.Ltmp2:
0x11e: {  	_ = 	snop;
	(pc) =	sbr.rel @p1 .LBB2_1-.Ltmp2, $4  }
0x11f: {  	s1 =	simm.s32 @!p0 $0x4  }
0x120: {  	_ =	swait.ge @!p0 [sflag:s1], $0x1380  }
0x121: {  	[sflag:s1] =	ssyncset.done @!p0 $0x0  }
0x122: {  	[sflag:s1] =	ssyncadd.s32 @!p0 $0xFFFFEC80  }
0x123: {  	_ =	sfence.sel $0x180000  }
0x124: {  	[bflag:$0x0] =	sbarrier.arrive $0xFFFF  }
0x125: {  	_ =	strace $0x9000004A  }
0x126: {  	s0 =	stileid.u32;
	[bflag:$0x2] =	sbarrier.arrive $0xFFFF  }
0x127: {  	p0 =	sne.s32 s0, $0x0;
	s0 =	rddreg [dreg:$0x3]  }
0x128: {  	s0 =	sadd.s32 @!p0 $0x100000, s0  }
0x129: {  	[sflag:s0] =	ssyncadd.tile.s32 @!p0 $0x1;
	_ =	shalt  }
.Lfunc_end2:
_tile_overlayer_lowered:
.L_overlay_start_2:
0x12a: {  	(tag) =	ssettag $0x2  }
0x12b: {  	s0 =	rddreg [dreg:$0x0];
	s2 =	stileid.u32  }
0x12c: {  	s1 =	rddreg [dreg:$0x1];
	p0 =	sne.s32 s2, $0x0  }
0x12d: {  	s3 =	rddreg [dreg:$0x2];
	[bflag:$0x3] =	sbarrier.arrive $0xFFFF;
	s2 =	simm.s32 @!p0 $0x1C04  }
0x12e: {  	[timem:s3], [sflag:s2] =	dma.local @!p0 [hbm:s0], s1  }
0x12f: {  	s0 =	simm.s32 @!p0 $0x4  }
0x130: {  	_ =	swait.ge @!p0 [sflag:s0], s1  }
0x131: {  	s1 =	ssub.s32 @!p0 $0x0, s1;
	[sflag:s0] =	ssyncset.done @!p0 $0x0  }
0x132: {  	[sflag:s0] =	ssyncadd.s32 @!p0 s1  }
0x133: {  	[bflag:$0x3] =	sbarrier.arrive $0xFFFF  }
0x134: {  	_ =	shalt  }

// kernel: kernel.14.cloned.1.call-start
scs
__scs_entry_jumppad:
0x0: {  	(pc) =	sbr.rel $0x88, $3  }
0x1: {  	(tag) =	ssettag $0x0;
	lr =	simm.s32 $0x1  }
0x2: {  	[smem:$0x3F9B] =	sst lr;
	_ =	strace $0xD0000000  }
0x3: {  	_ = 	snop  }
0x4: {  	_ = 	snop  }
0x5: {  	_ = 	snop  }
0x6: {  	_ = 	snop  }
0x7: {  	_ = 	snop  }
__scs_overlays_trampoline_lowered:
0x8: {  	[smem:$0x3FAA] =	sst s0  }
0x9: {  	[smem:$0x3FAB] =	sst s1  }
0xa: {  	[smem:$0x3FAC] =	sst s2  }
0xb: {  	[smem:$0x3FAD] =	sst s3  }
0xc: {  	[smem:$0x3FAE] =	sst s4  }
0xd: {  	[smem:$0x3FAF] =	sst s5  }
0xe: {  	[smem:$0x3FB0] =	sst s6  }
0xf: {  	[smem:$0x3FB1] =	sst s7  }
0x10: {  	[smem:$0x3FB2] =	sst s8  }
0x11: {  	[smem:$0x3FB3] =	sst s9;
	s0 =	simm.s32 @!p0 $0x0  }
0x12: {  	s1 =	sld [smem:$0x3F99];
	s0 =	simm.s32 @p0 $0x1  }
0x13: {  	[smem:$0x3FB4] =	sst s0;
	s0 =	simm.s32 @!p1 $0x0  }
0x14: {  	s2 =	sld [smem:$0x3F98];
	s0 =	simm.s32 @p1 $0x1  }
0x15: {  	[smem:$0x3FB5] =	sst s0;
	s0 =	simm.s32 @!p2 $0x0  }
0x16: {  	s3 =	sld [smem:$0x3FDB];
	s0 =	simm.s32 @p2 $0x1  }
0x17: {  	s4 =	simm.s32 $0x1BF5;
	[smem:$0x3FB7] =	sst s0  }
0x18: {  	s0 =	sld [smem:$0x3F9A];
	_ =	swait.ge [sflag:s4], $0x0  }
0x19: {  	s7 =	sld [smem:$0x3F9B]  }
0x1a: {  	s8 =	sadd.s32 $0xFFFFE003, lr  }
0x1b: {  	s9 =	sadd.s32 $0xFFFFFEF7, lr;
	s5 =	simm.s32 $0xFFFFFFFF;
	p2 =	slt.u32 s8, $0xFFFFF086  }
0x1c: {  	p1 =	slt.u32 s9, $0xF7A;
	s5 =	simm.s32 @!p2 $0x0  }
0x1d: {  	s5 =	simm.s32 @p1 $0x1;
	p0 =	seq.s32 s7, s2  }
0x1e: {  	s7 =	smul.u32 @!p0 $0xF7A, s2;
	p2 =	seq.s32 @!p0 s5, $0x0  }
0x1f: {  	s9 =	smul.u32 $0xF7A, s1;
	s8 =	simm.s32 @!p0 $0x1BF5;
	p2 =	por !p2, p0  }
0x20: {  	[sflag:s8] =	ssyncset.s32 @!p0 $0xFFFFF086;
	s6 =	sadd.s32 @!p0 s3, s7;
	s7 =	simm.s32 @!p0 $0x108  }
0x21: {  	s3 =	sadd.s32 s3, s9;
	s6 =	sadd.s32 @!p0 $0x88, s6;
	s7 =	simm.s32 @p2 $0x1082  }
0x22: {  	[simem:s7], [sflag:s8] =	dma.local @!p0 [hbm:s6], $0xF7A  }
0x23: {  	s9 =	sor.u32 $0xD0000000, s2;
	s6 =	simm.s32 $0x108;
	_ =	swait.ge @!p0 [sflag:s8], $0x0  }
0x24: {  	s3 =	sadd.s32 $0x88, s3;
	s6 =	simm.s32 @!p1 $0x1082;
	[sflag:s4] =	ssyncset.s32 $0xFFFFF086  }
0x25: {  	[simem:s6], [sflag:s4] =	dma.local [hbm:s3], $0xF7A  }
0x26: {  	[smem:$0x3F9B] =	sst s1;
	(tag) =	ssettag s2;
	_ =	strace s9  }
0x27: {  	s1 =	sld [smem:$0x3FAB]  }
0x28: {  	s2 =	sld [smem:$0x3FAC]  }
0x29: {  	s4 =	sld [smem:$0x3FAE]  }
0x2a: {  	p0 =	seq.s32 s5, $0x0;
	s5 =	sld [smem:$0x3FAF]  }
0x2b: {  	s6 =	sld [smem:$0x3FB0]  }
0x2c: {  	s7 =	sld [smem:$0x3FB1]  }
0x2d: {  	s3 =	simm.s32 $0x108;
	s8 =	sld [smem:$0x3FB2]  }
0x2e: {  	s3 =	simm.s32 @!p0 $0x1082;
	s9 =	sld [smem:$0x3FB3]  }
0x2f: {  	lr =	sadd.s32 s0, s3;
	s0 =	sld [smem:$0x3FAA]  }
0x30: {  	s3 =	sld [smem:$0x3FAD]  }
0x31: {  	[smem:$0x3FB6] =	sst s10  }
0x32: {  	s10 =	sld [smem:$0x3FB4];
	_ =	sdelay $0x3  }
0x33: {  	p0 =	seq.s32 s10, $0x1;
	s10 =	sld [smem:$0x3FB6];
	_ =	sdelay $0x3  }
0x34: {  	[smem:$0x3FB6] =	sst s10  }
0x35: {  	s10 =	sld [smem:$0x3FB5];
	_ =	sdelay $0x3  }
0x36: {  	p1 =	seq.s32 s10, $0x1;
	s10 =	sld [smem:$0x3FB6];
	_ =	sdelay $0x3  }
0x37: {  	[smem:$0x3FB6] =	sst s10  }
0x38: {  	s10 =	sld [smem:$0x3FB7]  }
0x39: {  	_ = 	snop;
	(pc) =	sbr.ind lr, $3  }
0x3a: {  	_ = 	snop  }
0x3b: {  	_ = 	snop  }
0x3c: {  	p2 =	seq.s32 s10, $0x1;
	s10 =	sld [smem:$0x3FB6]  }
0x3d: {  	_ =	shalt  }
0x3e: {  	_ =	shalt  }
0x3f: {  	_ =	shalt  }
0x40: {  	_ =	shalt  }
0x41: {  	_ =	shalt  }
0x42: {  	_ =	shalt  }
0x43: {  	_ =	shalt  }
0x44: {  	_ =	shalt  }
0x45: {  	_ =	shalt  }
0x46: {  	_ =	shalt  }
0x47: {  	_ =	shalt  }
0x48: {  	_ =	shalt  }
0x49: {  	_ =	shalt  }
0x4a: {  	_ =	shalt  }
0x4b: {  	_ =	shalt  }
0x4c: {  	_ =	shalt  }
0x4d: {  	_ =	shalt  }
0x4e: {  	_ =	shalt  }
0x4f: {  	_ =	shalt  }
0x50: {  	_ =	shalt  }
0x51: {  	_ =	shalt  }
0x52: {  	_ =	shalt  }
0x53: {  	_ =	shalt  }
0x54: {  	_ =	shalt  }
0x55: {  	_ =	shalt  }
0x56: {  	_ =	shalt  }
0x57: {  	_ =	shalt  }
0x58: {  	_ =	shalt  }
0x59: {  	_ =	shalt  }
0x5a: {  	_ =	shalt  }
0x5b: {  	_ =	shalt  }
0x5c: {  	_ =	shalt  }
0x5d: {  	_ =	shalt  }
0x5e: {  	_ =	shalt  }
0x5f: {  	_ =	shalt  }
0x60: {  	_ =	shalt  }
0x61: {  	_ =	shalt  }
0x62: {  	_ =	shalt  }
0x63: {  	_ =	shalt  }
0x64: {  	_ =	shalt  }
0x65: {  	_ =	shalt  }
0x66: {  	_ =	shalt  }
0x67: {  	_ =	shalt  }
0x68: {  	_ =	shalt  }
0x69: {  	_ =	shalt  }
0x6a: {  	_ =	shalt  }
0x6b: {  	_ =	shalt  }
0x6c: {  	_ =	shalt  }
0x6d: {  	_ =	shalt  }
0x6e: {  	_ =	shalt  }
0x6f: {  	_ =	shalt  }
0x70: {  	_ =	shalt  }
0x71: {  	_ =	shalt  }
0x72: {  	_ =	shalt  }
0x73: {  	_ =	shalt  }
0x74: {  	_ =	shalt  }
0x75: {  	_ =	shalt  }
0x76: {  	_ =	shalt  }
0x77: {  	_ =	shalt  }
0x78: {  	_ =	shalt  }
0x79: {  	_ =	shalt  }
0x7a: {  	_ =	shalt  }
0x7b: {  	_ =	shalt  }
0x7c: {  	_ =	shalt  }
0x7d: {  	_ =	shalt  }
0x7e: {  	_ =	shalt  }
0x7f: {  	_ =	shalt  }
0x80: {  	_ =	shalt  }
0x81: {  	_ =	shalt  }
0x82: {  	_ =	shalt  }
0x83: {  	_ =	shalt  }
0x84: {  	_ =	shalt  }
0x85: {  	_ =	shalt  }
0x86: {  	_ =	shalt  }
0x87: {  	_ =	shalt  }
.Lfunc_end0:
.L_simem_size_0:
called_computation.2_lowered:
.L_overlay_start_0:
0x88: {  	s2 =	sld [smem:$0x3FD9]  }
0x89: {  	s3 =	sld [smem:$0x3FFE];
	_ =	sdelay $0x1  }
0x8a: {  	s1 =	srdreg.scid  }
0x8b: {  	s0 =	sand.u32 $0x1, s1  }
0x8c: {  	s17 =	sshll.u32 s0, $0xA;
	s2 =	sadd.s32 s3, s2  }
0x8d: {  	s2 =	sadd.s32 s2, s17  }
0x8e: {  	[smem:$0x3FC2] =	sst s2  }
0x8f: {  	_ = 	snop  }
0x90: {  	s2 =	sld [smem:$0x3FD0];
	(tm) =	ssettm $0x1  }
0x91: {  	s18 =	sld [smem:$0x3FFB];
	_ =	sdelay $0x3  }
0x92: {  	_ =	strace s18  }
0x93: {  	s3 =	sld [smem:$0x3FFC];
	_ =	sdelay $0x3  }
0x94: {  	_ =	strace s3  }
0x95: {  	s3 =	sld [smem:$0x3FFD];
	_ =	sdelay $0x3  }
0x96: {  	_ =	strace s3  }
0x97: {  	_ =	strace $0x8FFFFFFF  }
0x98: {  	s19 =	sld [smem:$0x3FDB];
	_ =	sdelay $0x1  }
0x99: {  	s4 =	simm.s32 $_scs_section_size  }
0x9a: {  	s5 =	simm.s32 $_size__tile_overlayer_lowered;
	s6 =	simm.s32 $_tile_overlayer_lowered  }
0x9b: {  	s22 =	simm.s32 $0x1BFF;
	s21 =	sshll.u32 s6, $0x1;
	s3 =	sadd.s32 s4, s19  }
0x9c: {  	s7 =	simm.s32 $0x0;
	s20 =	sshll.u32 s5, $0x1;
	s5 =	sadd.s32 s21, s3  }
0x9d: {  	[timem:s7], [sflag:s22] =	dma.local [hbm:s5], s20  }
0x9e: {  	_ =	swait.ge [sflag:s22], s20  }
0x9f: {  	s4 =	ssub.s32 $0x0, s20;
	[sflag:s22] =	ssyncset.done $0x0  }
0xa0: {  	[sflag:s22] =	ssyncadd.s32 s4;
	_ =	sdelay $0x1  }
0xa1: {  	s23 =	simm.s32 $0x1B8B  }
0xa2: {  	_ =	swait.ge [sflag:s23], $0x1  }
0xa3: {  	[sflag:s23] =	ssyncset.done $0x0  }
0xa4: {  	s25 =	simm.s32 $0x1B8E;
	s24 =	sld [smem:$0x3FFE];
	[sflag:s23] =	ssyncadd.s32 $0xFFFFFFFF  }
0xa5: {  	s26 =	simm.s32 $execute0_lowered;
	[smem:$0x3FD2] =	sst s25  }
0xa6: {  	s5 =	sshll.u32 s26, $0x1;
	_ =	strace $0x8000004C;
	[dreg:$0x1] =	wrdreg $0xFFFFFFFF  }
0xa7: {  	s28 =	simm.s32 $_size_execute0_lowered;
	s3 =	sadd.s32 s3, s5;
	[dreg:$0x0] =	wrdreg $0x0  }
0xa8: {  	s5 =	sshll.u32 s28, $0x1;
	[dreg:$0x2] =	wrdreg s3  }
0xa9: {  	[dreg:$0x3] =	wrdreg s5  }
0xaa: {  	[dreg:$0x4] =	wrdreg $0xC0  }
0xab: {  	_ =	task [dreg:s7], $0x5FFFF  }
0xac: {  	[dreg:$0x1] =	wrdreg $0xFFFFFFFF  }
0xad: {  	[dreg:$0x0] =	wrdreg $0x60  }
0xae: {  	[dreg:$0x2] =	wrdreg s24  }
0xaf: {  	[dreg:$0x3] =	wrdreg s2  }
0xb0: {  	[dreg:$0x4] =	wrdreg $0x160000  }
0xb1: {  	[dreg:$0x5] =	wrdreg $0x9  }
0xb2: {  	_ =	task.clear_ibuf [dreg:s7], $0x6FFFF;
	_ =	strace $0x9000004C  }
0xb3: {  	s29 =	simm.s32 $0x9;
	_ =	strace $0x8000004E  }
0xb4: {  	_ =	swait.ge [sflag:s29], $0x1  }
0xb5: {  	[sflag:s29] =	ssyncadd.s32 $0xFFFFFFFF  }
0xb6: {  	_ =	strace $0x9000004E  }
0xb7: {  	_ =	sfence  }
0xb8: {  	s30 =	sld [smem:$0x0];
	_ =	sdelay $0x2  }
0xb9: {  	s31 =	sshll.u32 s1, $0xD;
	s1 =	sshrl.u32 s1, $0x2  }
0xba: {  	s3 =	sand.u32 $0x4000, s31;
	s1 =	sadd.s32 s1, s30  }
0xbb: {  	s0 =	sor.u32 s3, s0;
	s1 =	sshll.u32 s1, $0x11  }
0xbc: {  	s0 =	sor.u32 s1, s0  }
0xbd: {  	s0 =	sadd.s32 $0x8F2B, s0  }
0xbe: {  	[sflag:s0] =	ssyncadd.remote.s32 $0x1  }
0xbf: {  	_ =	sfence.sel $0xFFFF  }
0xc0: {  	[dreg:$0x0] =	wrdreg $0xFFFFFFFF;
	(pc) =	sbr.abs _section_cstart, $3  }
0xc1: {  	[dreg:$0x1] =	wrdreg $0xFFFFFFFF  }
0xc2: {  	_ =	task.clear_ibuf [dreg:s7], $0x2FFFF;
	_ =	strace $0x9FFFFFFF  }
0xc3: {  	(tm) =	ssettm $0x7FFFFFFF  }
tec
execute0_lowered:
.L_overlay_start_1:
0x0: {  	(tag) =	ssettag $0x1  }
0x1: {  	s5 =	rddreg [dreg:$0x0]  }
0x2: {  	s2 =	rddreg [dreg:$0x1]  }
0x3: {  	s3 =	rddreg [dreg:$0x2]  }
0x4: {  	s0 =	stileid.u32;
	s4 =	simm.s32 $0x0;
	s7 =	srdreg.scid  }
0x5: {  	s18 =	simm.s32 $0xA000;
	s19 =	simm.s32 $0xE000;
	s20 =	simm.s32 $0x12000  }
0x6: {  	s21 =	simm.s32 $0x1;
	s22 =	simm.s32 $0x5;
	s6 =	smul.u32 $0xA00, s0  }
0x7: {  	s28 =	simm.s32 $0x9F80;
	s29 =	simm.s32 $0x0;
	s8 =	smul.u32 $0x27000, s0  }
0x8: {  	[smem:$0x7FF] =	sst s4;
	s7 =	sand.u32 $0x1, s7;
	s10 =	smul.u32 $0x1380, s0  }
0x9: {  	s12 =	sadd.s32 $0x21000, s5;
	s15 =	sadd.s32 $0x92400, s3;
	s9 =	smul.u32 $0x13880, s7  }
0xa: {  	_ =	strace $0x8000004D;
	s23 =	ssub.s32 $0x2, s7;
	s13 =	smul.u32 $0x9C400, s7  }
0xb: {  	p0 =	seq.s32 s7, $0x1;
	s11 =	sadd.s32 s6, s5;
	s24 =	sshrl.u32 s23, $0x1  }
0xc: {  	s25 =	sshrl.u32 s8, $0x2;
	s14 =	ssub.s32 s23, s24;
	s5 =	sadd.s32 $0xD000, s11  }
0xd: {  	s26 =	sadd.s32 s10, s9;
	s30 =	sshrl.u32 s13, $0x3;
	s16 =	sadd.s32 s25, s3  }
0xe: {  	s13 =	simm.s32 $0x17000;
	s23 =	simm.s32 $0x2;
	s24 =	simm.s32 $0x3  }
0xf: {  	s25 =	simm.s32 $0x4F00;
	s6 =	sadd.s32 s2, s26;
	s31 =	sadd.s32 $0x12480, s30  }
0x10: {  	s8 =	sadd.s32 s12, s26;
	s13 =	simm.s32 @!p0 $0x3000;
	s10 =	smax.u32 s14, $0x1  }
0x11: {  	p0 =	seq.s32 s0, $0xF;
	s26 =	simm.s32 $0x9F00;
	s7 =	sadd.s32 s2, s31  }
0x12: {  	s9 =	sadd.s32 s12, s31;
	s11 =	sadd.s32 s13, s11;
	s12 =	simm.s32 $0x4  }
0x13: {  	s13 =	simm.s32 $0x5000;
	s17 =	sshll.u32 @!p0 s0, $0x6;
	s14 =	sshrl.u32 @p0 s15, $0x3  }
0x14: {  	s16 =	sshrl.u32 @!p0 s16, $0x3;
	s15 =	sor.u32 @!p0 $0x1C04, s17;
	s17 =	simm.s32 $0x80  }
.LBB2_1:
0x15: {  	[tilespmem:s4], [sflag:$0x4] =	stream.linear.gather [hbm4b:s5+s4], $0x5000, $0x38;
	[tilespmem:$0x1FE80] =	vst v63  }
0x16: {  	_ =	swait.ge [sflag:s12], $0x5000  }
0x17: {  	[sflag:s12] =	ssyncset.done $0x0  }
0x18: {  	[sflag:s12] =	ssyncadd.s32 $0xFFFFB000  }
0x19: {  	[tilespmem:s13], [sflag:$0x4] =	stream.linear.gather [hbm4b:s11+s4], $0x5000, $0x38;
	[tilespmem:$0x1FE80] =	vst v63  }
0x1a: {  	_ =	swait.ge [sflag:s12], $0x5000  }
0x1b: {  	[sflag:s12] =	ssyncset.done $0x0  }
0x1c: {  	s30 =	simm.s32 @p0 $0x1FC4;
	[sflag:s12] =	ssyncadd.s32 $0xFFFFB000  }
0x1d: {  	[spmem:s14], [sflag:s30] =	dma.local @p0 [hbm:s7], $0x1400  }
0x1e: {  	s30 =	simm.s32 @p0 $0x4  }
0x1f: {  	_ =	swait.ge @p0 [sflag:s30], $0x1400  }
0x20: {  	[sflag:s30] =	ssyncset.done @p0 $0x0  }
0x21: {  	[sflag:s30] =	ssyncadd.s32 @p0 $0xFFFFEC00;
	s30 =	simm.s32 @!p0 $0x4  }
0x22: {  	[spmem:s16], [sflag:s15] =	dma.local @!p0 [hbm:s6], $0x1380  }
0x23: {  	_ =	swait.ge @!p0 [sflag:s30], $0x1380  }
0x24: {  	[sflag:s30] =	ssyncset.done @!p0 $0x0  }
0x25: {  	[sflag:s30] =	ssyncadd.s32 @!p0 $0xFFFFEC80  }
0x26: {  	[bflag:$0x0] =	sbarrier.arrive $0xFFFF  }
0x27: {  	[tilespmem:s18], [sflag:$0x1] =	stream.indirect.gather [hbm4b:s2+s17], $0x80, s4, s17, $0xb8;
	[tilespmem:$0x1FE80] =	vst v63  }
0x28: {  	_ = 	snop  }
0x29: {  	[tilespmem:s19], [sflag:$0x2] =	stream.indirect.gather [hbm4b:s2+s17], $0x80, s17, s17, $0xb8;
	[tilespmem:$0x1FE80] =	vst v63  }
0x2a: {  	s30 =	simm.s32 $0x100  }
0x2b: {  	[tilespmem:s20], [sflag:$0x3] =	stream.indirect.gather [hbm4b:s2+s17], $0x80, s30, s17, $0xb8;
	[tilespmem:$0x1FE80] =	vst v63  }
0x2c: {  	_ =	swait.ge [sflag:s21], $0x4000  }
0x2d: {  	[sflag:s21] =	ssyncset.done $0x0  }
0x2e: {  	s30 =	simm.s32 $0x5000;
	[sflag:s21] =	ssyncadd.s32 $0xFFFFC000  }
0x2f: {  	[spmem:s3] =	stream.indirect.scatter.add.f32 [tilespmem:s18], [sflag:$0x5], $0x80, s30, s17, $0xb8;
	[tilespmem:$0x1FE80] =	vst v63  }
0x30: {  	_ =	swait.ge [sflag:s22], $0x4000  }
0x31: {  	[sflag:s22] =	ssyncset.done $0x0  }
0x32: {  	s30 =	simm.s32 $0x180;
	[sflag:s22] =	ssyncadd.s32 $0xFFFFC000  }
0x33: {  	[tilespmem:s18], [sflag:$0x1] =	stream.indirect.gather [hbm4b:s2+s17], $0x80, s30, s17, $0xb8;
	[tilespmem:$0x1FE80] =	vst v63  }
0x34: {  	_ =	swait.ge [sflag:s23], $0x4000  }
0x35: {  	[sflag:s23] =	ssyncset.done $0x0  }
0x36: {  	s30 =	simm.s32 $0x5080;
	[sflag:s23] =	ssyncadd.s32 $0xFFFFC000  }
0x37: {  	[spmem:s3] =	stream.indirect.scatter.add.f32 [tilespmem:s19], [sflag:$0x5], $0x80, s30, s17, $0xb8;
	[tilespmem:$0x1FE80] =	vst v63  }
0x38: {  	_ =	swait.ge [sflag:s22], $0x4000  }
0x39: {  	[sflag:s22] =	ssyncset.done $0x0  }
0x3a: {  	s30 =	simm.s32 $0x200;
	[sflag:s22] =	ssyncadd.s32 $0xFFFFC000  }
0x3b: {  	[tilespmem:s19], [sflag:$0x2] =	stream.indirect.gather [hbm4b:s2+s17], $0x80, s30, s17, $0xb8;
	[tilespmem:$0x1FE80] =	vst v63  }
0x3c: {  	_ =	swait.ge [sflag:s24], $0x4000  }
0x3d: {  	[sflag:s24] =	ssyncset.done $0x0  }
0x3e: {  	s30 =	simm.s32 $0x5100;
	[sflag:s24] =	ssyncadd.s32 $0xFFFFC000  }
0x3f: {  	[spmem:s3] =	stream.indirect.scatter.add.f32 [tilespmem:s20], [sflag:$0x4], $0x80, s30, s17, $0xb8;
	[tilespmem:$0x1FE80] =	vst v63  }
0x40: {  	_ =	swait.ge [sflag:s12], $0x4000  }
0x41: {  	s31 =	simm.s32 $0x180;
	s30 =	simm.s32 $0xC00;
	[sflag:s12] =	ssyncset.done $0x0  }
.LBB2_2:
0x42: {  	s0 =	sadd.s32 $0x100, s31  }
0x43: {  	[sflag:s12] =	ssyncadd.s32 $0xFFFFC000;
	s1 =	smov.u32 s30;
	s30 =	sadd.s32 $0x600, s30  }
0x44: {  	[tilespmem:s20], [sflag:$0x3] =	stream.indirect.gather [hbm4b:s2+s17], $0x80, s0, s17, $0xb8;
	[tilespmem:$0x1FE80] =	vst v63  }
0x45: {  	p1 =	sne.s32 s30, $0x13800;
	_ =	swait.ge [sflag:s21], $0x4000  }
0x46: {  	[sflag:s21] =	ssyncset.done $0x0  }
0x47: {  	s0 =	sadd.s32 $0x5000, s31;
	[sflag:s21] =	ssyncadd.s32 $0xFFFFC000  }
0x48: {  	[spmem:s3] =	stream.indirect.scatter.add.f32 [tilespmem:s18], [sflag:$0x5], $0x80, s0, s17, $0xb8;
	[tilespmem:$0x1FE80] =	vst v63  }
0x49: {  	_ =	swait.ge [sflag:s22], $0x4000  }
0x4a: {  	[sflag:s22] =	ssyncset.done $0x0  }
0x4b: {  	s0 =	sadd.s32 $0x180, s31;
	[sflag:s22] =	ssyncadd.s32 $0xFFFFC000  }
0x4c: {  	[tilespmem:s18], [sflag:$0x1] =	stream.indirect.gather [hbm4b:s2+s17], $0x80, s0, s17, $0xb8;
	[tilespmem:$0x1FE80] =	vst v63  }
0x4d: {  	_ =	swait.ge [sflag:s23], $0x4000  }
0x4e: {  	[sflag:s23] =	ssyncset.done $0x0  }
0x4f: {  	s0 =	sadd.s32 $0x5080, s31;
	[sflag:s23] =	ssyncadd.s32 $0xFFFFC000  }
0x50: {  	[spmem:s3] =	stream.indirect.scatter.add.f32 [tilespmem:s19], [sflag:$0x5], $0x80, s0, s17, $0xb8;
	[tilespmem:$0x1FE80] =	vst v63  }
0x51: {  	_ =	swait.ge [sflag:s22], $0x4000  }
0x52: {  	[sflag:s22] =	ssyncset.done $0x0  }
0x53: {  	s0 =	sadd.s32 $0x200, s31;
	[sflag:s22] =	ssyncadd.s32 $0xFFFFC000  }
0x54: {  	[tilespmem:s19], [sflag:$0x2] =	stream.indirect.gather [hbm4b:s2+s17], $0x80, s0, s17, $0xb8;
	[tilespmem:$0x1FE80] =	vst v63  }
0x55: {  	_ =	swait.ge [sflag:s24], $0x4000  }
.Ltmp0:
0x56: {  	[sflag:s24] =	ssyncset.done $0x0;
	(pc) =	sbr.rel @p1 .LBB2_2-.Ltmp0, $4  }
0x57: {  	s0 =	sadd.s32 $0x5100, s31;
	[sflag:s24] =	ssyncadd.s32 $0xFFFFC000  }
0x58: {  	[spmem:s3] =	stream.indirect.scatter.add.f32 [tilespmem:s20], [sflag:$0x4], $0x80, s0, s17, $0xb8;
	[tilespmem:$0x1FE80] =	vst v63  }
0x59: {  	_ =	swait.ge [sflag:s12], $0x4000  }
0x5a: {  	s31 =	sshra.s32 s1, $0x2;
	[sflag:s12] =	ssyncset.done $0x0  }
0x5b: {  	s0 =	sadd.s32 $0x100, s31;
	[sflag:s12] =	ssyncadd.s32 $0xFFFFC000  }
0x5c: {  	[tilespmem:s20], [sflag:$0x3] =	stream.indirect.gather [hbm4b:s2+s17], $0x80, s0, s17, $0xb8;
	[tilespmem:$0x1FE80] =	vst v63  }
0x5d: {  	_ =	swait.ge [sflag:s21], $0x4000  }
0x5e: {  	[sflag:s21] =	ssyncset.done $0x0  }
0x5f: {  	s1 =	sadd.s32 $0x5000, s31;
	[sflag:s21] =	ssyncadd.s32 $0xFFFFC000  }
0x60: {  	[spmem:s3] =	stream.indirect.scatter.add.f32 [tilespmem:s18], [sflag:$0x5], $0x80, s1, s17, $0xb8;
	[tilespmem:$0x1FE80] =	vst v63  }
0x61: {  	_ =	swait.ge [sflag:s22], $0x4000  }
0x62: {  	[sflag:s22] =	ssyncset.done $0x0  }
0x63: {  	s1 =	sadd.s32 $0x180, s31;
	[sflag:s22] =	ssyncadd.s32 $0xFFFFC000  }
0x64: {  	[tilespmem:s18], [sflag:$0x1] =	stream.indirect.gather [hbm4b:s2+s17], $0x80, s1, s17, $0xb8;
	[tilespmem:$0x1FE80] =	vst v63  }
0x65: {  	_ =	swait.ge [sflag:s23], $0x4000  }
0x66: {  	[sflag:s23] =	ssyncset.done $0x0  }
0x67: {  	s1 =	sadd.s32 $0x5080, s31;
	[sflag:s23] =	ssyncadd.s32 $0xFFFFC000  }
0x68: {  	[spmem:s3] =	stream.indirect.scatter.add.f32 [tilespmem:s19], [sflag:$0x5], $0x80, s1, s17, $0xb8;
	[tilespmem:$0x1FE80] =	vst v63  }
0x69: {  	_ =	swait.ge [sflag:s22], $0x4000  }
0x6a: {  	[sflag:s22] =	ssyncset.done $0x0  }
0x6b: {  	s1 =	sadd.s32 $0x200, s31;
	[sflag:s22] =	ssyncadd.s32 $0xFFFFC000  }
0x6c: {  	[tilespmem:s19], [sflag:$0x2] =	stream.indirect.gather [hbm4b:s2+s17], $0x80, s1, s17, $0xb8;
	[tilespmem:$0x1FE80] =	vst v63  }
0x6d: {  	_ =	swait.ge [sflag:s24], $0x4000  }
0x6e: {  	[sflag:s24] =	ssyncset.done $0x0  }
0x6f: {  	s1 =	sadd.s32 $0x5100, s31;
	[sflag:s24] =	ssyncadd.s32 $0xFFFFC000  }
0x70: {  	[spmem:s3] =	stream.indirect.scatter.add.f32 [tilespmem:s20], [sflag:$0x4], $0x80, s1, s17, $0xb8;
	[tilespmem:$0x1FE80] =	vst v63  }
0x71: {  	_ =	swait.ge [sflag:s12], $0x4000  }
0x72: {  	[sflag:s12] =	ssyncset.done $0x0  }
0x73: {  	[sflag:s12] =	ssyncadd.s32 $0xFFFFC000  }
0x74: {  	[tilespmem:s20], [sflag:$0x3] =	stream.indirect.gather [hbm4b:s2+s17], $0x80, s25, s17, $0xb8;
	[tilespmem:$0x1FE80] =	vst v63  }
0x75: {  	_ =	swait.ge [sflag:s21], $0x4000  }
0x76: {  	s30 =	sshra.s32 s30, $0x2;
	[sflag:s21] =	ssyncset.done $0x0  }
0x77: {  	s1 =	sadd.s32 $0x5000, s30;
	[sflag:s21] =	ssyncadd.s32 $0xFFFFC000  }
0x78: {  	[spmem:s3] =	stream.indirect.scatter.add.f32 [tilespmem:s18], [sflag:$0x5], $0x80, s1, s17, $0xb8;
	[tilespmem:$0x1FE80] =	vst v63  }
0x79: {  	_ =	swait.ge [sflag:s22], $0x4000  }
0x7a: {  	[sflag:s22] =	ssyncset.done $0x0  }
0x7b: {  	s31 =	sadd.s32 $0x180, s30;
	[sflag:s22] =	ssyncadd.s32 $0xFFFFC000  }
0x7c: {  	[tilespmem:s18], [sflag:$0x1] =	stream.indirect.gather [hbm4b:s2+s17], $0x80, s31, s17, $0xb8;
	[tilespmem:$0x1FE80] =	vst v63  }
0x7d: {  	_ =	swait.ge [sflag:s23], $0x4000  }
0x7e: {  	[sflag:s23] =	ssyncset.done $0x0  }
0x7f: {  	s0 =	sadd.s32 $0x5080, s30;
	[sflag:s23] =	ssyncadd.s32 $0xFFFFC000  }
0x80: {  	[spmem:s3] =	stream.indirect.scatter.add.f32 [tilespmem:s19], [sflag:$0x5], $0x80, s0, s17, $0xb8;
	[tilespmem:$0x1FE80] =	vst v63  }
0x81: {  	_ =	swait.ge [sflag:s22], $0x4000  }
0x82: {  	[sflag:s22] =	ssyncset.done $0x0  }
0x83: {  	[sflag:s22] =	ssyncadd.s32 $0xFFFFC000  }
0x84: {  	_ =	swait.ge [sflag:s24], $0x4000  }
0x85: {  	[sflag:s24] =	ssyncset.done $0x0  }
0x86: {  	[sflag:s24] =	ssyncadd.s32 $0xFFFFC000  }
0x87: {  	[spmem:s3] =	stream.indirect.scatter.add.f32 [tilespmem:s20], [sflag:$0x4], $0x80, s26, s17, $0xb8;
	[tilespmem:$0x1FE80] =	vst v63  }
0x88: {  	_ =	swait.ge [sflag:s12], $0x4000  }
0x89: {  	[sflag:s12] =	ssyncset.done $0x0  }
0x8a: {  	[sflag:s12] =	ssyncadd.s32 $0xFFFFC000  }
0x8b: {  	_ =	swait.ge [sflag:s21], $0x4000  }
0x8c: {  	[sflag:s21] =	ssyncset.done $0x0  }
0x8d: {  	[sflag:s21] =	ssyncadd.s32 $0xFFFFC000  }
0x8e: {  	[spmem:s3] =	stream.indirect.scatter.add.f32 [tilespmem:s18], [sflag:$0x5], $0x80, s28, s17, $0xb8;
	[tilespmem:$0x1FE80] =	vst v63  }
0x8f: {  	_ =	swait.ge [sflag:s22], $0x4000  }
0x90: {  	[sflag:s22] =	ssyncset.done $0x0  }
0x91: {  	[sflag:s22] =	ssyncadd.s32 $0xFFFFC000  }
0x92: {  	s0 =	simm.s32 @p0 $0x1FC4;
	[bflag:$0x0] =	sbarrier.arrive $0xFFFF  }
0x93: {  	[hbm:s9], [sflag:s0] =	dma.local @p0 [spmem:s14], $0x1400  }
0x94: {  	s0 =	simm.s32 @p0 $0x4  }
0x95: {  	s29 =	sadd.s32 $0x1, s29;
	_ =	swait.ge @p0 [sflag:s0], $0x1400  }
0x96: {  	p1 =	sne.s32 s29, s10;
	[sflag:s0] =	ssyncset.done @p0 $0x0  }
.Ltmp1:
0x97: {  	[sflag:s0] =	ssyncadd.s32 @p0 $0xFFFFEC00;
	s0 =	simm.s32 @!p0 $0x4;
	(pc) =	sbr.rel @p1 .LBB2_1-.Ltmp1, $4  }
0x98: {  	[hbm:s8], [sflag:s15] =	dma.local @!p0 [spmem:s16], $0x1380  }
0x99: {  	_ =	swait.ge @!p0 [sflag:s0], $0x1380  }
0x9a: {  	[sflag:s0] =	ssyncset.done @!p0 $0x0  }
0x9b: {  	[sflag:s0] =	ssyncadd.s32 @!p0 $0xFFFFEC80  }
0x9c: {  	_ =	sfence.sel $0x180000  }
0x9d: {  	[bflag:$0x0] =	sbarrier.arrive $0xFFFF  }
0x9e: {  	_ =	strace $0x9000004D  }
0x9f: {  	s0 =	stileid.u32;
	[bflag:$0x2] =	sbarrier.arrive $0xFFFF  }
0xa0: {  	p0 =	sne.s32 s0, $0x0;
	s0 =	rddreg [dreg:$0x3]  }
0xa1: {  	s0 =	sadd.s32 @!p0 $0x100000, s0  }
0xa2: {  	[sflag:s0] =	ssyncadd.tile.s32 @!p0 $0x1;
	_ =	shalt  }
.Lfunc_end2:
_tile_overlayer_lowered:
.L_overlay_start_2:
0xa3: {  	(tag) =	ssettag $0x2  }
0xa4: {  	s0 =	rddreg [dreg:$0x0];
	s2 =	stileid.u32  }
0xa5: {  	s1 =	rddreg [dreg:$0x1];
	p0 =	sne.s32 s2, $0x0  }
0xa6: {  	s3 =	rddreg [dreg:$0x2];
	[bflag:$0x3] =	sbarrier.arrive $0xFFFF;
	s2 =	simm.s32 @!p0 $0x1C04  }
0xa7: {  	[timem:s3], [sflag:s2] =	dma.local @!p0 [hbm:s0], s1  }
0xa8: {  	s0 =	simm.s32 @!p0 $0x4  }
0xa9: {  	_ =	swait.ge @!p0 [sflag:s0], s1  }
0xaa: {  	s1 =	ssub.s32 @!p0 $0x0, s1;
	[sflag:s0] =	ssyncset.done @!p0 $0x0  }
0xab: {  	[sflag:s0] =	ssyncadd.s32 @!p0 s1  }
0xac: {  	[bflag:$0x3] =	sbarrier.arrive $0xFFFF  }
0xad: {  	_ =	shalt  }

// kernel: kernel.8.cloned.1.call-start
scs
__scs_entry_jumppad:
0x0: {  	(pc) =	sbr.rel $0x88, $3  }
0x1: {  	(tag) =	ssettag $0x0;
	lr =	simm.s32 $0x1  }
0x2: {  	[smem:$0x3F9B] =	sst lr;
	_ =	strace $0xD0000000  }
0x3: {  	_ = 	snop  }
0x4: {  	_ = 	snop  }
0x5: {  	_ = 	snop  }
0x6: {  	_ = 	snop  }
0x7: {  	_ = 	snop  }
__scs_overlays_trampoline_lowered:
0x8: {  	[smem:$0x3FAA] =	sst s0  }
0x9: {  	[smem:$0x3FAB] =	sst s1  }
0xa: {  	[smem:$0x3FAC] =	sst s2  }
0xb: {  	[smem:$0x3FAD] =	sst s3  }
0xc: {  	[smem:$0x3FAE] =	sst s4  }
0xd: {  	[smem:$0x3FAF] =	sst s5  }
0xe: {  	[smem:$0x3FB0] =	sst s6  }
0xf: {  	[smem:$0x3FB1] =	sst s7  }
0x10: {  	[smem:$0x3FB2] =	sst s8  }
0x11: {  	[smem:$0x3FB3] =	sst s9;
	s0 =	simm.s32 @!p0 $0x0  }
0x12: {  	s1 =	sld [smem:$0x3F99];
	s0 =	simm.s32 @p0 $0x1  }
0x13: {  	[smem:$0x3FB4] =	sst s0;
	s0 =	simm.s32 @!p1 $0x0  }
0x14: {  	s2 =	sld [smem:$0x3F98];
	s0 =	simm.s32 @p1 $0x1  }
0x15: {  	[smem:$0x3FB5] =	sst s0;
	s0 =	simm.s32 @!p2 $0x0  }
0x16: {  	s3 =	sld [smem:$0x3FDB];
	s0 =	simm.s32 @p2 $0x1  }
0x17: {  	s4 =	simm.s32 $0x1BF5;
	[smem:$0x3FB7] =	sst s0  }
0x18: {  	s0 =	sld [smem:$0x3F9A];
	_ =	swait.ge [sflag:s4], $0x0  }
0x19: {  	s7 =	sld [smem:$0x3F9B]  }
0x1a: {  	s8 =	sadd.s32 $0xFFFFE003, lr  }
0x1b: {  	s9 =	sadd.s32 $0xFFFFFEF7, lr;
	s5 =	simm.s32 $0xFFFFFFFF;
	p2 =	slt.u32 s8, $0xFFFFF086  }
0x1c: {  	p1 =	slt.u32 s9, $0xF7A;
	s5 =	simm.s32 @!p2 $0x0  }
0x1d: {  	s5 =	simm.s32 @p1 $0x1;
	p0 =	seq.s32 s7, s2  }
0x1e: {  	s7 =	smul.u32 @!p0 $0xF7A, s2;
	p2 =	seq.s32 @!p0 s5, $0x0  }
0x1f: {  	s9 =	smul.u32 $0xF7A, s1;
	s8 =	simm.s32 @!p0 $0x1BF5;
	p2 =	por !p2, p0  }
0x20: {  	[sflag:s8] =	ssyncset.s32 @!p0 $0xFFFFF086;
	s6 =	sadd.s32 @!p0 s3, s7;
	s7 =	simm.s32 @!p0 $0x108  }
0x21: {  	s3 =	sadd.s32 s3, s9;
	s6 =	sadd.s32 @!p0 $0x88, s6;
	s7 =	simm.s32 @p2 $0x1082  }
0x22: {  	[simem:s7], [sflag:s8] =	dma.local @!p0 [hbm:s6], $0xF7A  }
0x23: {  	s9 =	sor.u32 $0xD0000000, s2;
	s6 =	simm.s32 $0x108;
	_ =	swait.ge @!p0 [sflag:s8], $0x0  }
0x24: {  	s3 =	sadd.s32 $0x88, s3;
	s6 =	simm.s32 @!p1 $0x1082;
	[sflag:s4] =	ssyncset.s32 $0xFFFFF086  }
0x25: {  	[simem:s6], [sflag:s4] =	dma.local [hbm:s3], $0xF7A  }
0x26: {  	[smem:$0x3F9B] =	sst s1;
	(tag) =	ssettag s2;
	_ =	strace s9  }
0x27: {  	s1 =	sld [smem:$0x3FAB]  }
0x28: {  	s2 =	sld [smem:$0x3FAC]  }
0x29: {  	s4 =	sld [smem:$0x3FAE]  }
0x2a: {  	p0 =	seq.s32 s5, $0x0;
	s5 =	sld [smem:$0x3FAF]  }
0x2b: {  	s6 =	sld [smem:$0x3FB0]  }
0x2c: {  	s7 =	sld [smem:$0x3FB1]  }
0x2d: {  	s3 =	simm.s32 $0x108;
	s8 =	sld [smem:$0x3FB2]  }
0x2e: {  	s3 =	simm.s32 @!p0 $0x1082;
	s9 =	sld [smem:$0x3FB3]  }
0x2f: {  	lr =	sadd.s32 s0, s3;
	s0 =	sld [smem:$0x3FAA]  }
0x30: {  	s3 =	sld [smem:$0x3FAD]  }
0x31: {  	[smem:$0x3FB6] =	sst s10  }
0x32: {  	s10 =	sld [smem:$0x3FB4];
	_ =	sdelay $0x3  }
0x33: {  	p0 =	seq.s32 s10, $0x1;
	s10 =	sld [smem:$0x3FB6];
	_ =	sdelay $0x3  }
0x34: {  	[smem:$0x3FB6] =	sst s10  }
0x35: {  	s10 =	sld [smem:$0x3FB5];
	_ =	sdelay $0x3  }
0x36: {  	p1 =	seq.s32 s10, $0x1;
	s10 =	sld [smem:$0x3FB6];
	_ =	sdelay $0x3  }
0x37: {  	[smem:$0x3FB6] =	sst s10  }
0x38: {  	s10 =	sld [smem:$0x3FB7]  }
0x39: {  	_ = 	snop;
	(pc) =	sbr.ind lr, $3  }
0x3a: {  	_ = 	snop  }
0x3b: {  	_ = 	snop  }
0x3c: {  	p2 =	seq.s32 s10, $0x1;
	s10 =	sld [smem:$0x3FB6]  }
0x3d: {  	_ =	shalt  }
0x3e: {  	_ =	shalt  }
0x3f: {  	_ =	shalt  }
0x40: {  	_ =	shalt  }
0x41: {  	_ =	shalt  }
0x42: {  	_ =	shalt  }
0x43: {  	_ =	shalt  }
0x44: {  	_ =	shalt  }
0x45: {  	_ =	shalt  }
0x46: {  	_ =	shalt  }
0x47: {  	_ =	shalt  }
0x48: {  	_ =	shalt  }
0x49: {  	_ =	shalt  }
0x4a: {  	_ =	shalt  }
0x4b: {  	_ =	shalt  }
0x4c: {  	_ =	shalt  }
0x4d: {  	_ =	shalt  }
0x4e: {  	_ =	shalt  }
0x4f: {  	_ =	shalt  }
0x50: {  	_ =	shalt  }
0x51: {  	_ =	shalt  }
0x52: {  	_ =	shalt  }
0x53: {  	_ =	shalt  }
0x54: {  	_ =	shalt  }
0x55: {  	_ =	shalt  }
0x56: {  	_ =	shalt  }
0x57: {  	_ =	shalt  }
0x58: {  	_ =	shalt  }
0x59: {  	_ =	shalt  }
0x5a: {  	_ =	shalt  }
0x5b: {  	_ =	shalt  }
0x5c: {  	_ =	shalt  }
0x5d: {  	_ =	shalt  }
0x5e: {  	_ =	shalt  }
0x5f: {  	_ =	shalt  }
0x60: {  	_ =	shalt  }
0x61: {  	_ =	shalt  }
0x62: {  	_ =	shalt  }
0x63: {  	_ =	shalt  }
0x64: {  	_ =	shalt  }
0x65: {  	_ =	shalt  }
0x66: {  	_ =	shalt  }
0x67: {  	_ =	shalt  }
0x68: {  	_ =	shalt  }
0x69: {  	_ =	shalt  }
0x6a: {  	_ =	shalt  }
0x6b: {  	_ =	shalt  }
0x6c: {  	_ =	shalt  }
0x6d: {  	_ =	shalt  }
0x6e: {  	_ =	shalt  }
0x6f: {  	_ =	shalt  }
0x70: {  	_ =	shalt  }
0x71: {  	_ =	shalt  }
0x72: {  	_ =	shalt  }
0x73: {  	_ =	shalt  }
0x74: {  	_ =	shalt  }
0x75: {  	_ =	shalt  }
0x76: {  	_ =	shalt  }
0x77: {  	_ =	shalt  }
0x78: {  	_ =	shalt  }
0x79: {  	_ =	shalt  }
0x7a: {  	_ =	shalt  }
0x7b: {  	_ =	shalt  }
0x7c: {  	_ =	shalt  }
0x7d: {  	_ =	shalt  }
0x7e: {  	_ =	shalt  }
0x7f: {  	_ =	shalt  }
0x80: {  	_ =	shalt  }
0x81: {  	_ =	shalt  }
0x82: {  	_ =	shalt  }
0x83: {  	_ =	shalt  }
0x84: {  	_ =	shalt  }
0x85: {  	_ =	shalt  }
0x86: {  	_ =	shalt  }
0x87: {  	_ =	shalt  }
.Lfunc_end0:
.L_simem_size_0:
called_computation_lowered:
.L_overlay_start_0:
0x88: {  	s2 =	sld [smem:$0x3FD9]  }
0x89: {  	s3 =	sld [smem:$0x3FFE];
	_ =	sdelay $0x1  }
0x8a: {  	s1 =	srdreg.scid  }
0x8b: {  	s0 =	sand.u32 $0x1, s1  }
0x8c: {  	s16 =	sshll.u32 s0, $0xA;
	s2 =	sadd.s32 s3, s2  }
0x8d: {  	s2 =	sadd.s32 s2, s16  }
0x8e: {  	[smem:$0x3FC2] =	sst s2  }
0x8f: {  	_ = 	snop  }
0x90: {  	(tm) =	ssettm $0x1  }
0x91: {  	s17 =	sld [smem:$0x3FFB];
	_ =	sdelay $0x3  }
0x92: {  	_ =	strace s17  }
0x93: {  	s2 =	sld [smem:$0x3FFC];
	_ =	sdelay $0x3  }
0x94: {  	_ =	strace s2  }
0x95: {  	s2 =	sld [smem:$0x3FFD];
	_ =	sdelay $0x3  }
0x96: {  	_ =	strace s2  }
0x97: {  	_ =	strace $0x8FFFFFFF  }
0x98: {  	s18 =	sld [smem:$0x3FDB];
	_ =	sdelay $0x1  }
0x99: {  	s19 =	simm.s32 $_scs_section_size  }
0x9a: {  	s4 =	simm.s32 $_size__tile_overlayer_lowered;
	s5 =	simm.s32 $_tile_overlayer_lowered  }
0x9b: {  	s22 =	simm.s32 $0x1BFF;
	s21 =	sshll.u32 s5, $0x1;
	s2 =	sadd.s32 s19, s18  }
0x9c: {  	s6 =	simm.s32 $0x0;
	s20 =	sshll.u32 s4, $0x1;
	s4 =	sadd.s32 s21, s2  }
0x9d: {  	[timem:s6], [sflag:s22] =	dma.local [hbm:s4], s20  }
0x9e: {  	_ =	swait.ge [sflag:s22], s20  }
0x9f: {  	s3 =	ssub.s32 $0x0, s20;
	[sflag:s22] =	ssyncset.done $0x0  }
0xa0: {  	[sflag:s22] =	ssyncadd.s32 s3;
	_ =	sdelay $0x1  }
0xa1: {  	s23 =	simm.s32 $0x1B8B  }
0xa2: {  	_ =	swait.ge [sflag:s23], $0x1  }
0xa3: {  	[sflag:s23] =	ssyncset.done $0x0  }
0xa4: {  	s25 =	simm.s32 $0x1B8E;
	s24 =	sld [smem:$0x3FFE];
	[sflag:s23] =	ssyncadd.s32 $0xFFFFFFFF  }
0xa5: {  	s26 =	simm.s32 $execute0_lowered;
	[smem:$0x3FD2] =	sst s25  }
0xa6: {  	s4 =	sshll.u32 s26, $0x1;
	_ =	strace $0x80000046;
	[dreg:$0x1] =	wrdreg $0xFFFFFFFF  }
0xa7: {  	s28 =	simm.s32 $_size_execute0_lowered;
	s2 =	sadd.s32 s2, s4;
	[dreg:$0x0] =	wrdreg $0x0  }
0xa8: {  	s4 =	sshll.u32 s28, $0x1;
	[dreg:$0x2] =	wrdreg s2  }
0xa9: {  	[dreg:$0x3] =	wrdreg s4  }
0xaa: {  	[dreg:$0x4] =	wrdreg $0xC0  }
0xab: {  	_ =	task [dreg:s6], $0x5FFFF  }
0xac: {  	[dreg:$0x1] =	wrdreg $0xFFFFFFFF  }
0xad: {  	[dreg:$0x0] =	wrdreg $0x60  }
0xae: {  	[dreg:$0x2] =	wrdreg s24  }
0xaf: {  	[dreg:$0x3] =	wrdreg $0x2B000  }
0xb0: {  	[dreg:$0x4] =	wrdreg $0x9  }
0xb1: {  	_ =	task.clear_ibuf [dreg:s6], $0x5FFFF;
	_ =	strace $0x90000046  }
0xb2: {  	s29 =	simm.s32 $0x9;
	_ =	strace $0x80000048  }
0xb3: {  	_ =	swait.ge [sflag:s29], $0x1  }
0xb4: {  	[sflag:s29] =	ssyncadd.s32 $0xFFFFFFFF  }
0xb5: {  	_ =	strace $0x90000048  }
0xb6: {  	_ =	sfence  }
0xb7: {  	s30 =	sld [smem:$0x0];
	_ =	sdelay $0x2  }
0xb8: {  	s31 =	sshll.u32 s1, $0xD;
	s1 =	sshrl.u32 s1, $0x2  }
0xb9: {  	s3 =	sand.u32 $0x4000, s31;
	s1 =	sadd.s32 s1, s30  }
0xba: {  	s0 =	sor.u32 s3, s0;
	s1 =	sshll.u32 s1, $0x11  }
0xbb: {  	s0 =	sor.u32 s1, s0  }
0xbc: {  	s0 =	sadd.s32 $0x8F2B, s0  }
0xbd: {  	[sflag:s0] =	ssyncadd.remote.s32 $0x1  }
0xbe: {  	_ =	sfence.sel $0xFFFF  }
0xbf: {  	[dreg:$0x0] =	wrdreg $0xFFFFFFFF;
	(pc) =	sbr.abs _section_cstart, $3  }
0xc0: {  	[dreg:$0x1] =	wrdreg $0xFFFFFFFF  }
0xc1: {  	_ =	task.clear_ibuf [dreg:s6], $0x2FFFF;
	_ =	strace $0x9FFFFFFF  }
0xc2: {  	(tm) =	ssettm $0x7FFFFFFF  }
0xc3: {  	_ =	shalt  }
tec
execute0_lowered:
.L_overlay_start_1:
0x0: {  	(tag) =	ssettag $0x1  }
0x1: {  	s7 =	rddreg [dreg:$0x0];
	s0 =	srdreg.scid  }
0x2: {  	s2 =	rddreg [dreg:$0x1];
	s1 =	stileid.u32  }
0x3: {  	s3 =	simm.s32 $0x0;
	s10 =	simm.s32 $0x80;
	s11 =	simm.s32 $0x2800  }
0x4: {  	s4 =	sand.u32 $0x1, s0;
	s0 =	rddreg [dreg:$0x2];
	s6 =	smul.u32 $0x500, s1  }
0x5: {  	s14 =	simm.s32 $0x0;
	[smem:$0x7FF] =	sst s3;
	s9 =	smul.u32 $0x280, s1  }
0x6: {  	s12 =	sshll.u32 s1, $0x6;
	s5 =	smul.u32 $0x5000, s4;
	s31 =	ssub.s32 $0x2, s4  }
0x7: {  	_ =	strace $0x80000047;
	p0 =	seq.s32 s4, $0x1;
	s8 =	sshrl.u32 s31, $0x1  }
0x8: {  	s5 =	sadd.s32 s6, s5;
	s6 =	ssub.s32 s31, s8;
	s8 =	simm.s32 $0x17600  }
0x9: {  	s12 =	sor.u32 $0x1C01, s12;
	s5 =	sadd.s32 s5, s7;
	s8 =	simm.s32 @!p0 $0x17000  }
0xa: {  	s6 =	smax.u32 s6, $0x1;
	s4 =	sadd.s32 $0x3000, s5;
	s5 =	sadd.s32 s9, s2  }
0xb: {  	s9 =	sshrl.u32 s9, $0x3;
	s7 =	sadd.s32 s8, s7;
	s8 =	simm.s32 $0x1  }
0xc: {  	v0 =	vimm.f32 $0.0e+00;
	v1 =	vimm.f32 $1.000000000e+00;
	s7 =	sadd.s32 s7, s9;
	s9 =	simm.s32 $0x2880;
	s13 =	sshrl.u32 s5, $0x3  }
.LBB2_1:
0xd: {  	[tilespmem:s3], [sflag:$0x1] =	stream.linear.gather [hbm4b:s4+s3], $0x2800, $0x38;
	[tilespmem:$0x2D80] =	vst v63  }
0xe: {  	_ =	swait.ge [sflag:s8], $0x2800  }
0xf: {  	[sflag:s8] =	ssyncset.done $0x0  }
0x10: {  	[sflag:s8] =	ssyncadd.s32 $0xFFFFD800  }
0x11: {  	[tilespmem:$0x2880] =	vst v0  }
0x12: {  	[tilespmem:$0x2890] =	vst v0  }
0x13: {  	[tilespmem:$0x28A0] =	vst v0  }
0x14: {  	[tilespmem:$0x28B0] =	vst v0  }
0x15: {  	[tilespmem:$0x28C0] =	vst v0  }
0x16: {  	[tilespmem:$0x28D0] =	vst v0  }
0x17: {  	[tilespmem:$0x28E0] =	vst v0  }
0x18: {  	[tilespmem:$0x28F0] =	vst v0  }
0x19: {  	[tilespmem:$0x2900] =	vst v0  }
0x1a: {  	[tilespmem:$0x2910] =	vst v0  }
0x1b: {  	[tilespmem:$0x2920] =	vst v0  }
0x1c: {  	[tilespmem:$0x2930] =	vst v0  }
0x1d: {  	[tilespmem:$0x2940] =	vst v0  }
0x1e: {  	[tilespmem:$0x2950] =	vst v0  }
0x1f: {  	[tilespmem:$0x2960] =	vst v0  }
0x20: {  	[tilespmem:$0x2970] =	vst v0  }
0x21: {  	[tilespmem:$0x2980] =	vst v0  }
0x22: {  	[tilespmem:$0x2990] =	vst v0  }
0x23: {  	[tilespmem:$0x29A0] =	vst v0  }
0x24: {  	[tilespmem:$0x29B0] =	vst v0  }
0x25: {  	[tilespmem:$0x29C0] =	vst v0  }
0x26: {  	[tilespmem:$0x29D0] =	vst v0  }
0x27: {  	[tilespmem:$0x29E0] =	vst v0  }
0x28: {  	[tilespmem:$0x29F0] =	vst v0  }
0x29: {  	[tilespmem:$0x2A00] =	vst v0  }
0x2a: {  	[tilespmem:$0x2A10] =	vst v0  }
0x2b: {  	[tilespmem:$0x2A20] =	vst v0  }
0x2c: {  	[tilespmem:$0x2A30] =	vst v0  }
0x2d: {  	[tilespmem:$0x2A40] =	vst v0  }
0x2e: {  	[tilespmem:$0x2A50] =	vst v0  }
0x2f: {  	[tilespmem:$0x2A60] =	vst v0  }
0x30: {  	[tilespmem:$0x2A70] =	vst v0  }
0x31: {  	[tilespmem:$0x2A80] =	vst v0  }
0x32: {  	[tilespmem:$0x2A90] =	vst v0  }
0x33: {  	[tilespmem:$0x2AA0] =	vst v0  }
0x34: {  	[tilespmem:$0x2AB0] =	vst v0  }
0x35: {  	[tilespmem:$0x2AC0] =	vst v0  }
0x36: {  	[tilespmem:$0x2AD0] =	vst v0  }
0x37: {  	[tilespmem:$0x2AE0] =	vst v0  }
0x38: {  	[tilespmem:$0x2AF0] =	vst v0  }
0x39: {  	[tilespmem:$0x2800] =	vst v1  }
0x3a: {  	[tilespmem:$0x2810] =	vst v1  }
0x3b: {  	[tilespmem:$0x2820] =	vst v1  }
0x3c: {  	[tilespmem:$0x2830] =	vst v1  }
0x3d: {  	[tilespmem:$0x2840] =	vst v1  }
0x3e: {  	[tilespmem:$0x2850] =	vst v1  }
0x3f: {  	[tilespmem:$0x2860] =	vst v1  }
0x40: {  	[tilespmem:$0x2870] =	vst v1  }
0x41: {  	[spmem:s5] =	stream.linear.scatter [tilespmem:s9], [sflag:$0x1], $0x280, $0x38;
	[tilespmem:$0x2D80] =	vst v63  }
0x42: {  	_ =	swait.ge [sflag:s8], $0x280  }
0x43: {  	[sflag:s8] =	ssyncset.done $0x0  }
0x44: {  	[sflag:s8] =	ssyncadd.s32 $0xFFFFFD80  }
0x45: {  	s15 =	simm.s32 $0x0;
	[bflag:$0x0] =	sbarrier.arrive $0xFFFF  }
0x46: {  	[spmem:s2] =	stream.indirect.scatter.add.f32 [tilespmem:s11], [sflag:$0x1], $0x1, s15, s10, $0xb8;
	[tilespmem:$0x2D80] =	vst v63  }
0x47: {  	_ =	swait.ge [sflag:s8], $0x80  }
0x48: {  	s15 =	simm.s32 $0x200;
	[sflag:s8] =	ssyncset.done $0x0  }
.LBB2_2:
0x49: {  	s16 =	sshra.s32 s15, $0x2;
	[sflag:s8] =	ssyncadd.s32 $0xFFFFFF80;
	p0 =	sne.s32 s15, $0x9E00  }
0x4a: {  	[spmem:s2] =	stream.indirect.scatter.add.f32 [tilespmem:s11], [sflag:$0x1], $0x1, s16, s10, $0xb8;
	[tilespmem:$0x2D80] =	vst v63  }
.Ltmp0:
0x4b: {  	_ = 	snop;
	(pc) =	sbr.rel @p0 .LBB2_2-.Ltmp0, $4  }
0x4c: {  	_ = 	snop  }
0x4d: {  	s15 =	sadd.s32 $0x200, s15  }
0x4e: {  	_ =	swait.ge [sflag:s8], $0x80  }
0x4f: {  	[sflag:s8] =	ssyncset.done $0x0  }
0x50: {  	s14 =	sadd.s32 $0x1, s14  }
0x51: {  	[sflag:s8] =	ssyncadd.s32 $0xFFFFFF80;
	p0 =	sne.s32 s14, s6  }
.Ltmp1:
0x52: {  	[bflag:$0x0] =	sbarrier.arrive $0xFFFF;
	(pc) =	sbr.rel @p0 .LBB2_1-.Ltmp1, $4  }
0x53: {  	[hbm:s7], [sflag:s12] =	dma.local [spmem:s13], $0x50  }
0x54: {  	_ =	swait.ge [sflag:s8], $0x50  }
0x55: {  	[sflag:s8] =	ssyncset.done $0x0  }
0x56: {  	[sflag:s8] =	ssyncadd.s32 $0xFFFFFFB0  }
0x57: {  	_ =	sfence.sel $0x180000  }
0x58: {  	[bflag:$0x0] =	sbarrier.arrive $0xFFFF  }
0x59: {  	p0 =	sne.s32 s1, $0x0;
	_ =	strace $0x90000047  }
0x5a: {  	s0 =	sadd.s32 @!p0 $0x100000, s0;
	[bflag:$0x2] =	sbarrier.arrive $0xFFFF  }
0x5b: {  	[sflag:s0] =	ssyncadd.tile.s32 @!p0 $0x1;
	_ =	shalt  }
.Lfunc_end2:
_tile_overlayer_lowered:
.L_overlay_start_2:
0x5c: {  	(tag) =	ssettag $0x2  }
0x5d: {  	s0 =	rddreg [dreg:$0x0];
	s2 =	stileid.u32  }
0x5e: {  	s1 =	rddreg [dreg:$0x1];
	p0 =	sne.s32 s2, $0x0  }
0x5f: {  	s3 =	rddreg [dreg:$0x2];
	[bflag:$0x3] =	sbarrier.arrive $0xFFFF;
	s2 =	simm.s32 @!p0 $0x1C01  }
0x60: {  	[timem:s3], [sflag:s2] =	dma.local @!p0 [hbm:s0], s1  }
0x61: {  	s0 =	simm.s32 @!p0 $0x1  }
0x62: {  	_ =	swait.ge @!p0 [sflag:s0], s1  }
0x63: {  	s1 =	ssub.s32 @!p0 $0x0, s1;
	[sflag:s0] =	ssyncset.done @!p0 $0x0  }
0x64: {  	[sflag:s0] =	ssyncadd.s32 @!p0 s1  }
0x65: {  	[bflag:$0x3] =	sbarrier.arrive $0xFFFF  }
0x66: {  	_ =	shalt  }

</sc_bundles>
